<compile_context>
chip_gen: v7x
topology: tpu7x:2x2x1
jax: 0.10.2.dev20260603
libtpu: 0.0.44.dev20260713+nightly
codegen_flags: <defaults>
</compile_context>

<pallas_src>
import functools

import jax
import jax.numpy as jnp
from jax import lax
from jax.experimental import pallas as pl
from jax.experimental.pallas import tpu as pltpu
from jax.experimental.pallas import tpu_sc as plsc

N = 10000
E = 320000
D = 128
DP = 144
NC = 2
NS = 16
L = 16
NW = NC * NS
EPW = E // NW
K = 80
RPW = N // NS

_MAXNORM = 1.0 - 4e-3

_mesh = plsc.VectorSubcoreMesh(core_axis_name="c", subcore_axis_name="s")


def _artanh(v):
    c = jnp.clip(v, -1.0 + 1e-7, 1.0 - 1e-7)
    return 0.5 * jnp.log((1.0 + c) / (1.0 - c))


def _tanh15(v):
    return jnp.tanh(jnp.clip(v, -15.0, 15.0))


def _rownorm(v):
    return jnp.clip(
        jnp.sqrt(jnp.sum(v * v, axis=-1, keepdims=True)), 1e-15, None)


NP = 10240
BN = 1024


def _node_stage_body(x_ref, w_ref, a_ref, hpad_ref, q_ref, pa_ref, pb_ref):
    x = x_ref[...]
    w = w_ref[...]
    av = a_ref[...]
    xn = _rownorm(x)
    mx = jnp.dot(x, w, preferred_element_type=jnp.float32)
    mxn = _rownorm(mx)
    h1 = _tanh15(mxn / xn * _artanh(xn)) * mx / mxn
    n1 = _rownorm(h1)
    h2 = jnp.where(n1 > _MAXNORM, h1 / n1 * _MAXNORM, h1)
    pn = _rownorm(h2)
    h = h2 / pn * _artanh(pn)
    q_ref[...] = jnp.sum(h * h, axis=-1)
    pa_ref[...] = jnp.sum(h * av[:, :D], axis=-1)
    pb_ref[...] = jnp.sum(h * av[:, D:], axis=-1)
    ones = jnp.ones((h.shape[0], 1), jnp.float32)
    zeros = jnp.zeros((h.shape[0], DP - D - 1), jnp.float32)
    hpad_ref[...] = jnp.concatenate([h, ones, zeros], axis=1)


_node_stage = pl.pallas_call(
    _node_stage_body,
    grid=(NP // BN,),
    in_specs=[
        pl.BlockSpec((BN, D), lambda i: (i, 0)),
        pl.BlockSpec((D, D), lambda i: (0, 0)),
        pl.BlockSpec((1, 2 * D), lambda i: (0, 0)),
    ],
    out_specs=[
        pl.BlockSpec((BN, DP), lambda i: (i, 0)),
        pl.BlockSpec((BN,), lambda i: (i,)),
        pl.BlockSpec((BN,), lambda i: (i,)),
        pl.BlockSpec((BN,), lambda i: (i,)),
    ],
    out_shape=[
        jax.ShapeDtypeStruct((NP, DP), jnp.float32),
        jax.ShapeDtypeStruct((NP,), jnp.float32),
        jax.ShapeDtypeStruct((NP,), jnp.float32),
        jax.ShapeDtypeStruct((NP,), jnp.float32),
    ],
)


@functools.partial(
    pl.kernel,
    out_type=[
        jax.ShapeDtypeStruct((E,), jnp.float32),
        jax.ShapeDtypeStruct((E,), jnp.float32),
    ],
    mesh=_mesh,
    scratch_types=[
        pltpu.VMEM((NP,), jnp.float32),
        pltpu.VMEM((NP,), jnp.float32),
        pltpu.VMEM((NP,), jnp.float32),
        pltpu.VMEM((EPW,), jnp.int32),
        pltpu.VMEM((EPW,), jnp.int32),
        pltpu.VMEM((EPW,), jnp.float32),
        pltpu.VMEM((EPW,), jnp.float32),
        pltpu.SemaphoreType.DMA,
    ],
    compiler_params=pltpu.CompilerParams(needs_layout_passes=False),
)
def _edge_gather(q_hbm, pa_hbm, pb_hbm, e0_hbm, e1_hbm, r2_hbm, t_hbm,
                 qv, pav, pbv, i0v, i1v, r2v, tv, sem):
    wid = lax.axis_index("s") * NC + lax.axis_index("c")
    base = wid * EPW
    pltpu.async_copy(q_hbm, qv, sem)
    pltpu.async_copy(pa_hbm, pav, sem)
    pltpu.async_copy(pb_hbm, pbv, sem)
    pltpu.async_copy(e0_hbm.at[pl.ds(base, EPW)], i0v, sem)
    pltpu.async_copy(e1_hbm.at[pl.ds(base, EPW)], i1v, sem)
    pltpu.make_async_copy(q_hbm, qv, sem).wait()
    pltpu.make_async_copy(pa_hbm, pav, sem).wait()
    pltpu.make_async_copy(pb_hbm, pbv, sem).wait()
    pltpu.make_async_copy(e0_hbm.at[pl.ds(base, EPW)], i0v, sem).wait()
    pltpu.make_async_copy(e1_hbm.at[pl.ds(base, EPW)], i1v, sem).wait()

    def body(i5, carry):
        for u in range(5):
            i = i5 * 5 + u
            sl = pl.ds(i * L, L)
            i0 = i0v[sl]
            i1 = i1v[sl]
            q0 = plsc.load_gather(qv, [i0])
            q1 = plsc.load_gather(qv, [i1])
            p0 = plsc.load_gather(pav, [i0])
            p1 = plsc.load_gather(pbv, [i1])
            r2v[sl] = q0 + q1
            tv[sl] = p0 + p1
        return carry

    lax.fori_loop(0, EPW // L // 5, body, 0)
    pltpu.sync_copy(r2v, r2_hbm.at[pl.ds(base, EPW)])
    pltpu.sync_copy(tv, t_hbm.at[pl.ds(base, EPW)])


def _edge_weight_body(r2_ref, t_ref, ee_ref):
    r2 = r2_ref[...]
    t = t_ref[...]
    un = jnp.sqrt(r2)
    r = jnp.maximum(un, 1e-15)
    em_scale = _tanh15(r) / r
    nu = jnp.maximum(em_scale * un, 1e-15)
    p_scale = jnp.where(nu > _MAXNORM, _MAXNORM / nu, 1.0)
    alpha = em_scale * p_scale
    rho = jnp.maximum(alpha * un, 1e-15)
    mx = alpha * t
    mxn = jnp.maximum(jnp.abs(mx), 1e-15)
    s = _tanh15(mxn / rho * _artanh(rho)) * mx / mxn
    bign = jnp.sqrt(jnp.sum(s * s))
    proj_scale = jnp.where(bign > _MAXNORM, _MAXNORM / bign, 1.0)
    pn = jnp.maximum(bign * proj_scale, 1e-15)
    beta = _artanh(pn) / pn * proj_scale
    sf = s * beta
    gelu = 0.5 * sf * (1.0 + lax.erf(sf / jnp.sqrt(2.0).astype(jnp.float32)))
    ee_ref[...] = jnp.exp(-gelu)


_edge_weight = pl.pallas_call(
    _edge_weight_body,
    out_shape=jax.ShapeDtypeStruct((E // D, D), jnp.float32),
)


NCHK = EPW // K


@functools.partial(
    pl.kernel,
    out_type=jax.ShapeDtypeStruct((NC, N, DP), jnp.float32),
    mesh=_mesh,
    scratch_types=(
        [pltpu.VMEM((K,), jnp.int32)] * 3
        + [pltpu.VMEM((K,), jnp.int32)] * 3
        + [pltpu.VMEM((K,), jnp.float32)] * 3
        + [pltpu.VMEM((K,), jnp.int32)] * 3
        + [pltpu.VMEM((K, DP), jnp.float32)] * 3
        + [pltpu.VMEM_SHARED((N, DP), jnp.float32)]
        + [pltpu.SemaphoreType.DMA] * 9
    ),
    compiler_params=pltpu.CompilerParams(
        needs_layout_passes=False, use_tc_tiling_on_sc=False),
)
def _spmm(hpad_hbm, e0_hbm, e1_hbm, ee_hbm, zero_hbm, out_hbm,
          i0_0, i0_1, i0_2, i1_0, i1_1, i1_2, ee_0, ee_1, ee_2,
          si_0, si_1, si_2, rw_0, rw_1, rw_2, acc,
          g_0, g_1, g_2, c_0, c_1, c_2, s_0, s_1, s_2):
    cid = lax.axis_index("c")
    sid = lax.axis_index("s")
    base = (sid * NC + cid) * EPW
    pltpu.sync_copy(zero_hbm.at[pl.ds(sid * RPW, RPW)],
                    acc.at[pl.ds(sid * RPW, RPW)])
    plsc.subcore_barrier()

    sets = [
        dict(i0=i0_0, i1=i1_0, ee=ee_0, si=si_0, rw=rw_0, g=g_0, c=c_0,
             s=s_0),
        dict(i0=i0_1, i1=i1_1, ee=ee_1, si=si_1, rw=rw_1, g=g_1, c=c_1,
             s=s_1),
        dict(i0=i0_2, i1=i1_2, ee=ee_2, si=si_2, rw=rw_2, g=g_2, c=c_2,
             s=s_2),
    ]

    def issue_idx(k, st):
        off = base + k * K
        pltpu.async_copy(e0_hbm.at[pl.ds(off, K)], st["i0"], st["s"])
        pltpu.async_copy(e1_hbm.at[pl.ds(off, K)], st["i1"], st["s"])
        pltpu.async_copy(ee_hbm.at[pl.ds(off, K)], st["ee"], st["s"])

    def wait_idx(st):
        pltpu.make_async_copy(e0_hbm.at[pl.ds(0, K)], st["i0"], st["s"]).wait()
        pltpu.make_async_copy(e1_hbm.at[pl.ds(0, K)], st["i1"], st["s"]).wait()
        pltpu.make_async_copy(ee_hbm.at[pl.ds(0, K)], st["ee"], st["s"]).wait()

    def wait_scatter(st):
        pltpu.make_async_copy(st["rw"], acc.at[st["si"]], st["c"]).wait()

    def slot(k, cur, nxt, prv):
        @pl.when(k + 1 < NCHK)
        def _():
            wait_idx(nxt)

            @pl.when(k >= 2)
            def _():
                wait_scatter(nxt)

            pltpu.async_copy(hpad_hbm.at[nxt["i1"]], nxt["rw"], nxt["g"])

        buf = cur["rw"]
        ee = cur["ee"]
        pltpu.make_async_copy(hpad_hbm.at[cur["i1"]], buf, cur["g"]).wait()

        def _scale(r4, c2):
            for u in range(4):
                r = r4 * 4 + u
                eb = plsc.load_gather(ee, [jnp.full((L,), 0, jnp.int32) + r])
                for j in range(DP // L):
                    sl = pl.ds(j * L, L)
                    buf[r, sl] = buf[r, sl] * eb
            return c2

        lax.fori_loop(0, K // 4, _scale, 0)

        for v in range(K // L):
            sl = pl.ds(v * L, L)
            cur["si"][sl] = cur["i0"][sl]

        @pl.when(k + 2 < NCHK)
        def _():
            issue_idx(k + 2, prv)

        pltpu.async_copy(buf, acc.at[cur["si"]], cur["c"], add=True)

    issue_idx(0, sets[0])
    issue_idx(1, sets[1])
    wait_idx(sets[0])
    pltpu.async_copy(hpad_hbm.at[sets[0]["i1"]], sets[0]["rw"], sets[0]["g"])

    def triple(k3, carry):
        k = 3 * k3
        slot(k, sets[0], sets[1], sets[2])

        @pl.when(k + 1 < NCHK)
        def _():
            slot(k + 1, sets[1], sets[2], sets[0])

        @pl.when(k + 2 < NCHK)
        def _():
            slot(k + 2, sets[2], sets[0], sets[1])

        return carry

    lax.fori_loop(0, (NCHK + 2) // 3, triple, 0)
    wait_scatter(sets[(NCHK - 3) % 3])
    wait_scatter(sets[(NCHK - 2) % 3])
    wait_scatter(sets[(NCHK - 1) % 3])
    plsc.subcore_barrier()
    pltpu.sync_copy(acc.at[pl.ds(sid * RPW, RPW)],
                    out_hbm.at[cid, pl.ds(sid * RPW, RPW)])


def _finalize_body(acc_ref, out_ref):
    A = acc_ref[0] + acc_ref[1]
    hp = A[:, :D]
    col = lax.broadcasted_iota(jnp.int32, A.shape, 1)
    rs = jnp.sum(jnp.where(col == D, A, 0.0), axis=-1, keepdims=True)
    v = jax.nn.relu(hp / rs)
    un = _rownorm(v)
    em = _tanh15(un) * v / un
    n1 = _rownorm(em)
    out_ref[...] = jnp.where(n1 > _MAXNORM, em / n1 * _MAXNORM, em)


_finalize = pl.pallas_call(
    _finalize_body,
    out_shape=jax.ShapeDtypeStruct((N, D), jnp.float32),
)


def kernel(x, edge_index, W, a):
    e0 = edge_index[0]
    e1 = edge_index[1]
    xp = jnp.pad(x, ((0, NP - N), (0, 0)))
    hpad, q, pa, pb = _node_stage(xp, W, a)
    r2, t = _edge_gather(q, pa, pb, e0, e1)
    ee = _edge_weight(r2.reshape(E // D, D), t.reshape(E // D, D)).reshape(E)
    zero = jnp.zeros((N, DP), jnp.float32)
    acc = _spmm(hpad, e0, e1, ee, zero)
    return _finalize(acc)

# --- scband reference (transcript-rebuilt; emitter-appended) ---
"""Pipeline reference for scband-sp-graph-attention-layer-1546188227120 (READ-ONLY COPY).

The authoritative reference and input builder live on the scoring server;
editing this copy changes nothing except your own understanding.
"""

import jax, jax.numpy as jnp
import numpy as np

N = 10000
E = 320000
D_IN = 128
D_OUT = 128

# ---- PoincareBall manifold ops (hgcn-style, with numeric clamps) ----

def artanh(x):
    return jnp.arctanh(jnp.clip(x, -1.0 + 1e-7, 1.0 - 1e-7))

def _tanh(x):
    return jnp.tanh(jnp.clip(x, -15.0, 15.0))

def _norm(x):
    return jnp.clip(jnp.linalg.norm(x, axis=-1, keepdims=True), 1e-15, None)

def proj(x, c):
    norm = _norm(x)
    maxnorm = (1.0 - 4e-3) / jnp.sqrt(c)
    projected = x / norm * maxnorm
    return jnp.where(norm > maxnorm, projected, x)

def expmap0(u, c):
    sqrt_c = jnp.sqrt(c)
    u_norm = _norm(u)
    return _tanh(sqrt_c * u_norm) * u / (sqrt_c * u_norm)

def logmap0(p, c):
    sqrt_c = jnp.sqrt(c)
    p_norm = _norm(p)
    return p / (sqrt_c * p_norm) * artanh(sqrt_c * p_norm)

def mobius_matvec(x, m, c):
    # hyperbolic version of (x @ m)
    sqrt_c = jnp.sqrt(c)
    x_norm = _norm(x)
    mx = x @ m
    mx_norm = _norm(mx)
    return _tanh(mx_norm / x_norm * artanh(sqrt_c * x_norm)) * mx / (mx_norm * sqrt_c)


def setup_inputs(seed: int = 0) -> dict:
    key = jax.random.key(seed)
    k1, k2, k3, k4 = jax.random.split(key, 4)
    x = jax.random.normal(k1, (N, D_IN), dtype=jnp.float32)
    edge_index = jax.random.randint(k2, (2, E), 0, N, dtype=jnp.int32)
    # xavier_normal_(gain=1.414)
    std_W = 1.414 * np.sqrt(2.0 / (D_IN + D_OUT))
    W = jax.random.normal(k3, (D_IN, D_OUT), dtype=jnp.float32) * std_W
    std_a = 1.414 * np.sqrt(2.0 / (1 + 2 * D_OUT))
    a = jax.random.normal(k4, (1, 2 * D_OUT), dtype=jnp.float32) * std_a
    return {"x": x, "edge_index": edge_index, "W": W, "a": a}


def reference(x, edge_index, W, a):
    c = 1.0
    # h = logmap0(proj(mobius_matvec(input, W)))
    h = logmap0(proj(mobius_matvec(x, W, c), c), c)  # [N, D_OUT]
    e0 = edge_index[0]
    e1 = edge_index[1]
    # gather endpoint features, concat -> [E, 2*D_OUT]
    edge_h = jnp.concatenate([jnp.take(h, e0, axis=0), jnp.take(h, e1, axis=0)], axis=1)
    edge_h = proj(expmap0(edge_h, c), c)
    # attention logits via mobius matvec with a -> [E, 1] -> [E]
    s = jnp.squeeze(mobius_matvec(edge_h, a.T, c), axis=-1)
    s = logmap0(proj(s, c), c)
    edge_e = jnp.exp(-jax.nn.gelu(s, approximate=False))  # [E], positive
    # e_rowsum = spmm(A, ones)
    e_rowsum = jax.ops.segment_sum(edge_e, e0, num_segments=N)  # [N]
    # h_prime = spmm(A, h): scatter-add of weighted neighbor features
    h_prime = jnp.zeros((N, h.shape[1]), dtype=x.dtype).at[e0].add(edge_e[:, None] * jnp.take(h, e1, axis=0))
    h_prime = h_prime / e_rowsum[:, None]
    out = proj(expmap0(jax.nn.relu(h_prime), c), c)
    return out

if __name__ == "__main__":
    import jax
    _d = setup_inputs()
    print(jax.jit(kernel)(*tuple(_d.values())))

</pallas_src>

<mosaic_0001>
#map = affine_map<(d0, d1) -> (0)>
module attributes {stable_mosaic.version = 14 : i64} {
  func.func @_edge_gather(%arg0: i32, %arg1: i32, %arg2: memref<10240xf32, #tpu.memory_space<hbm>>, %arg3: memref<10240xf32, #tpu.memory_space<hbm>>, %arg4: memref<10240xf32, #tpu.memory_space<hbm>>, %arg5: memref<320000xi32, #tpu.memory_space<hbm>>, %arg6: memref<320000xi32, #tpu.memory_space<hbm>>, %arg7: memref<320000xf32, #tpu.memory_space<hbm>>, %arg8: memref<320000xf32, #tpu.memory_space<hbm>>, %arg9: memref<10240xf32, #tpu.memory_space<vmem>>, %arg10: memref<10240xf32, #tpu.memory_space<vmem>>, %arg11: memref<10240xf32, #tpu.memory_space<vmem>>, %arg12: memref<10000xi32, #tpu.memory_space<vmem>>, %arg13: memref<10000xi32, #tpu.memory_space<vmem>>, %arg14: memref<10000xf32, #tpu.memory_space<vmem>>, %arg15: memref<10000xf32, #tpu.memory_space<vmem>>, %arg16: memref<!tpu.dma_semaphore, #tpu.memory_space<semaphore_mem>>) attributes {dimension_semantics = [#tpu.dimension_semantics<core_parallel>, #tpu.dimension_semantics<subcore_parallel>], iteration_bounds = array<i64: 2, 16>, scalar_prefetch = 0 : i64, scratch_operands = 8 : i64, tpu.core_type = #tpu.core_type<sc_vector_subcore>, window_params = [{transform_indices = #map}, {transform_indices = #map}, {transform_indices = #map}, {transform_indices = #map}, {transform_indices = #map}, {transform_indices = #map}, {transform_indices = #map}]} {
    %mul3A = arith.constant 2 : i32
    %mul3A_0 = arith.muli %arg1, %mul3A : i32
    %add3A = arith.addi %mul3A_0, %arg0 : i32
    %mul3A_1 = arith.constant 10000 : i32
    %mul3A_2 = arith.muli %add3A, %mul3A_1 : i32
    tpu.enqueue_dma source(%arg2 : memref<10240xf32, #tpu.memory_space<hbm>>) target(%arg9 : memref<10240xf32, #tpu.memory_space<vmem>>) target_semaphore(%arg16 : memref<!tpu.dma_semaphore, #tpu.memory_space<semaphore_mem>>)
    tpu.enqueue_dma source(%arg3 : memref<10240xf32, #tpu.memory_space<hbm>>) target(%arg10 : memref<10240xf32, #tpu.memory_space<vmem>>) target_semaphore(%arg16 : memref<!tpu.dma_semaphore, #tpu.memory_space<semaphore_mem>>)
    tpu.enqueue_dma source(%arg4 : memref<10240xf32, #tpu.memory_space<hbm>>) target(%arg11 : memref<10240xf32, #tpu.memory_space<vmem>>) target_semaphore(%arg16 : memref<!tpu.dma_semaphore, #tpu.memory_space<semaphore_mem>>)
    %dma_start3A = tpu.memref_slice %arg5[%mul3A_2] : memref<320000xi32, #tpu.memory_space<hbm>> -> memref<10000xi32, #tpu.memory_space<hbm>>
    %dma_start3A_3 = tpu.memref_slice %arg5[%mul3A_2] : memref<320000xi32, #tpu.memory_space<hbm>> -> memref<10000xi32, #tpu.memory_space<hbm>>
    tpu.enqueue_dma source(%dma_start3A_3 : memref<10000xi32, #tpu.memory_space<hbm>>) target(%arg12 : memref<10000xi32, #tpu.memory_space<vmem>>) target_semaphore(%arg16 : memref<!tpu.dma_semaphore, #tpu.memory_space<semaphore_mem>>)
    %dma_start3A_4 = tpu.memref_slice %arg6[%mul3A_2] : memref<320000xi32, #tpu.memory_space<hbm>> -> memref<10000xi32, #tpu.memory_space<hbm>>
    %dma_start3A_5 = tpu.memref_slice %arg6[%mul3A_2] : memref<320000xi32, #tpu.memory_space<hbm>> -> memref<10000xi32, #tpu.memory_space<hbm>>
    tpu.enqueue_dma source(%dma_start3A_5 : memref<10000xi32, #tpu.memory_space<hbm>>) target(%arg13 : memref<10000xi32, #tpu.memory_space<vmem>>) target_semaphore(%arg16 : memref<!tpu.dma_semaphore, #tpu.memory_space<semaphore_mem>>)
    tpu.wait_dma2 semaphore(%arg16 : memref<!tpu.dma_semaphore, #tpu.memory_space<semaphore_mem>>) src(%arg2 : memref<10240xf32, #tpu.memory_space<hbm>>) dst(%arg9 : memref<10240xf32, #tpu.memory_space<vmem>>)
    tpu.wait_dma2 semaphore(%arg16 : memref<!tpu.dma_semaphore, #tpu.memory_space<semaphore_mem>>) src(%arg3 : memref<10240xf32, #tpu.memory_space<hbm>>) dst(%arg10 : memref<10240xf32, #tpu.memory_space<vmem>>)
    tpu.wait_dma2 semaphore(%arg16 : memref<!tpu.dma_semaphore, #tpu.memory_space<semaphore_mem>>) src(%arg4 : memref<10240xf32, #tpu.memory_space<hbm>>) dst(%arg11 : memref<10240xf32, #tpu.memory_space<vmem>>)
    %dma_wait3A = tpu.memref_slice %arg5[%mul3A_2] : memref<320000xi32, #tpu.memory_space<hbm>> -> memref<10000xi32, #tpu.memory_space<hbm>>
    %dma_wait3A_6 = tpu.memref_slice %arg5[%mul3A_2] : memref<320000xi32, #tpu.memory_space<hbm>> -> memref<10000xi32, #tpu.memory_space<hbm>>
    tpu.wait_dma2 semaphore(%arg16 : memref<!tpu.dma_semaphore, #tpu.memory_space<semaphore_mem>>) src(%dma_wait3A_6 : memref<10000xi32, #tpu.memory_space<hbm>>) dst(%arg12 : memref<10000xi32, #tpu.memory_space<vmem>>)
    %dma_wait3A_7 = tpu.memref_slice %arg6[%mul3A_2] : memref<320000xi32, #tpu.memory_space<hbm>> -> memref<10000xi32, #tpu.memory_space<hbm>>
    %dma_wait3A_8 = tpu.memref_slice %arg6[%mul3A_2] : memref<320000xi32, #tpu.memory_space<hbm>> -> memref<10000xi32, #tpu.memory_space<hbm>>
    tpu.wait_dma2 semaphore(%arg16 : memref<!tpu.dma_semaphore, #tpu.memory_space<semaphore_mem>>) src(%dma_wait3A_8 : memref<10000xi32, #tpu.memory_space<hbm>>) dst(%arg13 : memref<10000xi32, #tpu.memory_space<vmem>>)
    %scan3A = arith.constant 0 : i32
    %scan3A_9 = arith.constant 0 : i32
    %scan3A_10 = arith.constant 125 : i32
    %scan3A_11 = arith.addi %scan3A_9, %scan3A_10 : i32
    %scan3A_12 = arith.constant 1 : i32
    scf.for %scan3A_14 = %scan3A_9 to %scan3A_11 step %scan3A_12  : i32 {
      %mul3A_15 = arith.constant 5 : i32
      %mul3A_16 = arith.muli %scan3A_14, %mul3A_15 : i32
      %add3A_17 = arith.constant 0 : i32
      %add3A_18 = arith.addi %mul3A_16, %add3A_17 : i32
      %mul3A_19 = arith.constant 16 : i32
      %mul3A_20 = arith.muli %add3A_18, %mul3A_19 : i32
      %get3A = arith.index_cast %mul3A_20 : i32 to index
      %get3A_21 = tpu.vector_load %arg12[%get3A] {strides = array<i32>} : memref<10000xi32, #tpu.memory_space<vmem>>, vector<16xi32>,
      %get3A_22 = arith.index_cast %mul3A_20 : i32 to index
      %get3A_23 = tpu.vector_load %arg13[%get3A_22] {strides = array<i32>} : memref<10000xi32, #tpu.memory_space<vmem>>, vector<16xi32>,
      %gather3A = tpu.vector_load_idx %arg9[%get3A_21] : memref<10240xf32, #tpu.memory_space<vmem>>[vector<16xi32>], vector<16xf32>,
      %gather3A_24 = tpu.vector_load_idx %arg9[%get3A_23] : memref<10240xf32, #tpu.memory_space<vmem>>[vector<16xi32>], vector<16xf32>,
      %gather3A_25 = tpu.vector_load_idx %arg10[%get3A_21] : memref<10240xf32, #tpu.memory_space<vmem>>[vector<16xi32>], vector<16xf32>,
      %gather3A_26 = tpu.vector_load_idx %arg11[%get3A_23] : memref<10240xf32, #tpu.memory_space<vmem>>[vector<16xi32>], vector<16xf32>,
      %add3A_27 = arith.addf %gather3A, %gather3A_24 : vector<16xf32>
      %swap3A = arith.index_cast %mul3A_20 : i32 to index
      %swap3A_28 = tpu.vector_load %arg14[%swap3A] {strides = array<i32>} : memref<10000xf32, #tpu.memory_space<vmem>>, vector<16xf32>,
      tpu.vector_store %arg14[%swap3A], %add3A_27 {strides = array<i32>} : memref<10000xf32, #tpu.memory_space<vmem>>, vector<16xf32>,
      %add3A_29 = arith.addf %gather3A_25, %gather3A_26 : vector<16xf32>
      %swap3A_30 = arith.index_cast %mul3A_20 : i32 to index
      %swap3A_31 = tpu.vector_load %arg15[%swap3A_30] {strides = array<i32>} : memref<10000xf32, #tpu.memory_space<vmem>>, vector<16xf32>,
      tpu.vector_store %arg15[%swap3A_30], %add3A_29 {strides = array<i32>} : memref<10000xf32, #tpu.memory_space<vmem>>, vector<16xf32>,
      %mul3A_32 = arith.constant 5 : i32
      %mul3A_33 = arith.muli %scan3A_14, %mul3A_32 : i32
      %add3A_34 = arith.constant 1 : i32
      %add3A_35 = arith.addi %mul3A_33, %add3A_34 : i32
      %mul3A_36 = arith.constant 16 : i32
      %mul3A_37 = arith.muli %add3A_35, %mul3A_36 : i32
      %get3A_38 = arith.index_cast %mul3A_37 : i32 to index
      %get3A_39 = tpu.vector_load %arg12[%get3A_38] {strides = array<i32>} : memref<10000xi32, #tpu.memory_space<vmem>>, vector<16xi32>,
      %get3A_40 = arith.index_cast %mul3A_37 : i32 to index
      %get3A_41 = tpu.vector_load %arg13[%get3A_40] {strides = array<i32>} : memref<10000xi32, #tpu.memory_space<vmem>>, vector<16xi32>,
      %gather3A_42 = tpu.vector_load_idx %arg9[%get3A_39] : memref<10240xf32, #tpu.memory_space<vmem>>[vector<16xi32>], vector<16xf32>,
      %gather3A_43 = tpu.vector_load_idx %arg9[%get3A_41] : memref<10240xf32, #tpu.memory_space<vmem>>[vector<16xi32>], vector<16xf32>,
      %gather3A_44 = tpu.vector_load_idx %arg10[%get3A_39] : memref<10240xf32, #tpu.memory_space<vmem>>[vector<16xi32>], vector<16xf32>,
      %gather3A_45 = tpu.vector_load_idx %arg11[%get3A_41] : memref<10240xf32, #tpu.memory_space<vmem>>[vector<16xi32>], vector<16xf32>,
      %add3A_46 = arith.addf %gather3A_42, %gather3A_43 : vector<16xf32>
      %swap3A_47 = arith.index_cast %mul3A_37 : i32 to index
      %swap3A_48 = tpu.vector_load %arg14[%swap3A_47] {strides = array<i32>} : memref<10000xf32, #tpu.memory_space<vmem>>, vector<16xf32>,
      tpu.vector_store %arg14[%swap3A_47], %add3A_46 {strides = array<i32>} : memref<10000xf32, #tpu.memory_space<vmem>>, vector<16xf32>,
      %add3A_49 = arith.addf %gather3A_44, %gather3A_45 : vector<16xf32>
      %swap3A_50 = arith.index_cast %mul3A_37 : i32 to index
      %swap3A_51 = tpu.vector_load %arg15[%swap3A_50] {strides = array<i32>} : memref<10000xf32, #tpu.memory_space<vmem>>, vector<16xf32>,
      tpu.vector_store %arg15[%swap3A_50], %add3A_49 {strides = array<i32>} : memref<10000xf32, #tpu.memory_space<vmem>>, vector<16xf32>,
      %mul3A_52 = arith.constant 5 : i32
      %mul3A_53 = arith.muli %scan3A_14, %mul3A_52 : i32
      %add3A_54 = arith.constant 2 : i32
      %add3A_55 = arith.addi %mul3A_53, %add3A_54 : i32
      %mul3A_56 = arith.constant 16 : i32
      %mul3A_57 = arith.muli %add3A_55, %mul3A_56 : i32
      %get3A_58 = arith.index_cast %mul3A_57 : i32 to index
      %get3A_59 = tpu.vector_load %arg12[%get3A_58] {strides = array<i32>} : memref<10000xi32, #tpu.memory_space<vmem>>, vector<16xi32>,
      %get3A_60 = arith.index_cast %mul3A_57 : i32 to index
      %get3A_61 = tpu.vector_load %arg13[%get3A_60] {strides = array<i32>} : memref<10000xi32, #tpu.memory_space<vmem>>, vector<16xi32>,
      %gather3A_62 = tpu.vector_load_idx %arg9[%get3A_59] : memref<10240xf32, #tpu.memory_space<vmem>>[vector<16xi32>], vector<16xf32>,
      %gather3A_63 = tpu.vector_load_idx %arg9[%get3A_61] : memref<10240xf32, #tpu.memory_space<vmem>>[vector<16xi32>], vector<16xf32>,
      %gather3A_64 = tpu.vector_load_idx %arg10[%get3A_59] : memref<10240xf32, #tpu.memory_space<vmem>>[vector<16xi32>], vector<16xf32>,
      %gather3A_65 = tpu.vector_load_idx %arg11[%get3A_61] : memref<10240xf32, #tpu.memory_space<vmem>>[vector<16xi32>], vector<16xf32>,
      %add3A_66 = arith.addf %gather3A_62, %gather3A_63 : vector<16xf32>
      %swap3A_67 = arith.index_cast %mul3A_57 : i32 to index
      %swap3A_68 = tpu.vector_load %arg14[%swap3A_67] {strides = array<i32>} : memref<10000xf32, #tpu.memory_space<vmem>>, vector<16xf32>,
      tpu.vector_store %arg14[%swap3A_67], %add3A_66 {strides = array<i32>} : memref<10000xf32, #tpu.memory_space<vmem>>, vector<16xf32>,
      %add3A_69 = arith.addf %gather3A_64, %gather3A_65 : vector<16xf32>
      %swap3A_70 = arith.index_cast %mul3A_57 : i32 to index
      %swap3A_71 = tpu.vector_load %arg15[%swap3A_70] {strides = array<i32>} : memref<10000xf32, #tpu.memory_space<vmem>>, vector<16xf32>,
      tpu.vector_store %arg15[%swap3A_70], %add3A_69 {strides = array<i32>} : memref<10000xf32, #tpu.memory_space<vmem>>, vector<16xf32>,
      %mul3A_72 = arith.constant 5 : i32
      %mul3A_73 = arith.muli %scan3A_14, %mul3A_72 : i32
      %add3A_74 = arith.constant 3 : i32
      %add3A_75 = arith.addi %mul3A_73, %add3A_74 : i32
      %mul3A_76 = arith.constant 16 : i32
      %mul3A_77 = arith.muli %add3A_75, %mul3A_76 : i32
      %get3A_78 = arith.index_cast %mul3A_77 : i32 to index
      %get3A_79 = tpu.vector_load %arg12[%get3A_78] {strides = array<i32>} : memref<10000xi32, #tpu.memory_space<vmem>>, vector<16xi32>,
      %get3A_80 = arith.index_cast %mul3A_77 : i32 to index
      %get3A_81 = tpu.vector_load %arg13[%get3A_80] {strides = array<i32>} : memref<10000xi32, #tpu.memory_space<vmem>>, vector<16xi32>,
      %gather3A_82 = tpu.vector_load_idx %arg9[%get3A_79] : memref<10240xf32, #tpu.memory_space<vmem>>[vector<16xi32>], vector<16xf32>,
      %gather3A_83 = tpu.vector_load_idx %arg9[%get3A_81] : memref<10240xf32, #tpu.memory_space<vmem>>[vector<16xi32>], vector<16xf32>,
      %gather3A_84 = tpu.vector_load_idx %arg10[%get3A_79] : memref<10240xf32, #tpu.memory_space<vmem>>[vector<16xi32>], vector<16xf32>,
      %gather3A_85 = tpu.vector_load_idx %arg11[%get3A_81] : memref<10240xf32, #tpu.memory_space<vmem>>[vector<16xi32>], vector<16xf32>,
      %add3A_86 = arith.addf %gather3A_82, %gather3A_83 : vector<16xf32>
      %swap3A_87 = arith.index_cast %mul3A_77 : i32 to index
      %swap3A_88 = tpu.vector_load %arg14[%swap3A_87] {strides = array<i32>} : memref<10000xf32, #tpu.memory_space<vmem>>, vector<16xf32>,
      tpu.vector_store %arg14[%swap3A_87], %add3A_86 {strides = array<i32>} : memref<10000xf32, #tpu.memory_space<vmem>>, vector<16xf32>,
      %add3A_89 = arith.addf %gather3A_84, %gather3A_85 : vector<16xf32>
      %swap3A_90 = arith.index_cast %mul3A_77 : i32 to index
      %swap3A_91 = tpu.vector_load %arg15[%swap3A_90] {strides = array<i32>} : memref<10000xf32, #tpu.memory_space<vmem>>, vector<16xf32>,
      tpu.vector_store %arg15[%swap3A_90], %add3A_89 {strides = array<i32>} : memref<10000xf32, #tpu.memory_space<vmem>>, vector<16xf32>,
      %mul3A_92 = arith.constant 5 : i32
      %mul3A_93 = arith.muli %scan3A_14, %mul3A_92 : i32
      %add3A_94 = arith.constant 4 : i32
      %add3A_95 = arith.addi %mul3A_93, %add3A_94 : i32
      %mul3A_96 = arith.constant 16 : i32
      %mul3A_97 = arith.muli %add3A_95, %mul3A_96 : i32
      %get3A_98 = arith.index_cast %mul3A_97 : i32 to index
      %get3A_99 = tpu.vector_load %arg12[%get3A_98] {strides = array<i32>} : memref<10000xi32, #tpu.memory_space<vmem>>, vector<16xi32>,
      %get3A_100 = arith.index_cast %mul3A_97 : i32 to index
      %get3A_101 = tpu.vector_load %arg13[%get3A_100] {strides = array<i32>} : memref<10000xi32, #tpu.memory_space<vmem>>, vector<16xi32>,
      %gather3A_102 = tpu.vector_load_idx %arg9[%get3A_99] : memref<10240xf32, #tpu.memory_space<vmem>>[vector<16xi32>], vector<16xf32>,
      %gather3A_103 = tpu.vector_load_idx %arg9[%get3A_101] : memref<10240xf32, #tpu.memory_space<vmem>>[vector<16xi32>], vector<16xf32>,
      %gather3A_104 = tpu.vector_load_idx %arg10[%get3A_99] : memref<10240xf32, #tpu.memory_space<vmem>>[vector<16xi32>], vector<16xf32>,
      %gather3A_105 = tpu.vector_load_idx %arg11[%get3A_101] : memref<10240xf32, #tpu.memory_space<vmem>>[vector<16xi32>], vector<16xf32>,
      %add3A_106 = arith.addf %gather3A_102, %gather3A_103 : vector<16xf32>
      %swap3A_107 = arith.index_cast %mul3A_97 : i32 to index
      %swap3A_108 = tpu.vector_load %arg14[%swap3A_107] {strides = array<i32>} : memref<10000xf32, #tpu.memory_space<vmem>>, vector<16xf32>,
      tpu.vector_store %arg14[%swap3A_107], %add3A_106 {strides = array<i32>} : memref<10000xf32, #tpu.memory_space<vmem>>, vector<16xf32>,
      %add3A_109 = arith.addf %gather3A_104, %gather3A_105 : vector<16xf32>
      %swap3A_110 = arith.index_cast %mul3A_97 : i32 to index
      %swap3A_111 = tpu.vector_load %arg15[%swap3A_110] {strides = array<i32>} : memref<10000xf32, #tpu.memory_space<vmem>>, vector<16xf32>,
      tpu.vector_store %arg15[%swap3A_110], %add3A_109 {strides = array<i32>} : memref<10000xf32, #tpu.memory_space<vmem>>, vector<16xf32>,
    }
    %scan3A_13 = arith.constant 125 : i32
    "tpu.region"() ({
      %run_scoped3A = tpu.sem_alloc : memref<!tpu.dma_semaphore, #tpu.memory_space<semaphore_mem>>
      %dma_start3A_14 = tpu.memref_slice %arg7[%mul3A_2] : memref<320000xf32, #tpu.memory_space<hbm>> -> memref<10000xf32, #tpu.memory_space<hbm>>
      %dma_start3A_15 = tpu.memref_slice %arg7[%mul3A_2] : memref<320000xf32, #tpu.memory_space<hbm>> -> memref<10000xf32, #tpu.memory_space<hbm>>
      tpu.enqueue_dma source(%arg14 : memref<10000xf32, #tpu.memory_space<vmem>>) target(%dma_start3A_15 : memref<10000xf32, #tpu.memory_space<hbm>>) target_semaphore(%run_scoped3A : memref<!tpu.dma_semaphore, #tpu.memory_space<semaphore_mem>>)
      %dma_wait3A_16 = tpu.memref_slice %arg7[%mul3A_2] : memref<320000xf32, #tpu.memory_space<hbm>> -> memref<10000xf32, #tpu.memory_space<hbm>>
      %dma_wait3A_17 = tpu.memref_slice %arg7[%mul3A_2] : memref<320000xf32, #tpu.memory_space<hbm>> -> memref<10000xf32, #tpu.memory_space<hbm>>
      tpu.wait_dma2 semaphore(%run_scoped3A : memref<!tpu.dma_semaphore, #tpu.memory_space<semaphore_mem>>) src(%arg14 : memref<10000xf32, #tpu.memory_space<vmem>>) dst(%dma_wait3A_17 : memref<10000xf32, #tpu.memory_space<hbm>>)
      tpu.yield
    }) : () -> ()
    "tpu.region"() ({
      %run_scoped3A = tpu.sem_alloc : memref<!tpu.dma_semaphore, #tpu.memory_space<semaphore_mem>>
      %dma_start3A_14 = tpu.memref_slice %arg8[%mul3A_2] : memref<320000xf32, #tpu.memory_space<hbm>> -> memref<10000xf32, #tpu.memory_space<hbm>>
      %dma_start3A_15 = tpu.memref_slice %arg8[%mul3A_2] : memref<320000xf32, #tpu.memory_space<hbm>> -> memref<10000xf32, #tpu.memory_space<hbm>>
      tpu.enqueue_dma source(%arg15 : memref<10000xf32, #tpu.memory_space<vmem>>) target(%dma_start3A_15 : memref<10000xf32, #tpu.memory_space<hbm>>) target_semaphore(%run_scoped3A : memref<!tpu.dma_semaphore, #tpu.memory_space<semaphore_mem>>)
      %dma_wait3A_16 = tpu.memref_slice %arg8[%mul3A_2] : memref<320000xf32, #tpu.memory_space<hbm>> -> memref<10000xf32, #tpu.memory_space<hbm>>
      %dma_wait3A_17 = tpu.memref_slice %arg8[%mul3A_2] : memref<320000xf32, #tpu.memory_space<hbm>> -> memref<10000xf32, #tpu.memory_space<hbm>>
      tpu.wait_dma2 semaphore(%run_scoped3A : memref<!tpu.dma_semaphore, #tpu.memory_space<semaphore_mem>>) src(%arg15 : memref<10000xf32, #tpu.memory_space<vmem>>) dst(%dma_wait3A_17 : memref<10000xf32, #tpu.memory_space<hbm>>)
      tpu.yield
    }) : () -> ()
    return
  }
}

#map = affine_map<(d0, d1) -> (0, 0)>
#map1 = affine_map<(d0, d1) -> (0)>
#map2 = affine_map<(d0, d1) -> (0, 0, 0)>
module attributes {stable_mosaic.version = 14 : i64} {
  func.func @_spmm(%arg0: i32, %arg1: i32, %arg2: memref<10240x144xf32, #tpu.memory_space<hbm>>, %arg3: memref<320000xi32, #tpu.memory_space<hbm>>, %arg4: memref<320000xi32, #tpu.memory_space<hbm>>, %arg5: memref<320000xf32, #tpu.memory_space<hbm>>, %arg6: memref<10000x144xf32, #tpu.memory_space<hbm>>, %arg7: memref<2x10000x144xf32, #tpu.memory_space<hbm>>, %arg8: memref<80xi32, #tpu.memory_space<vmem>>, %arg9: memref<80xi32, #tpu.memory_space<vmem>>, %arg10: memref<80xi32, #tpu.memory_space<vmem>>, %arg11: memref<80xi32, #tpu.memory_space<vmem>>, %arg12: memref<80xi32, #tpu.memory_space<vmem>>, %arg13: memref<80xi32, #tpu.memory_space<vmem>>, %arg14: memref<80xf32, #tpu.memory_space<vmem>>, %arg15: memref<80xf32, #tpu.memory_space<vmem>>, %arg16: memref<80xf32, #tpu.memory_space<vmem>>, %arg17: memref<80xi32, #tpu.memory_space<vmem>>, %arg18: memref<80xi32, #tpu.memory_space<vmem>>, %arg19: memref<80xi32, #tpu.memory_space<vmem>>, %arg20: memref<80x144xf32, #tpu.memory_space<vmem>>, %arg21: memref<80x144xf32, #tpu.memory_space<vmem>>, %arg22: memref<80x144xf32, #tpu.memory_space<vmem>>, %arg23: memref<10000x144xf32, #tpu.memory_space<vmem_shared>>, %arg24: memref<!tpu.dma_semaphore, #tpu.memory_space<semaphore_mem>>, %arg25: memref<!tpu.dma_semaphore, #tpu.memory_space<semaphore_mem>>, %arg26: memref<!tpu.dma_semaphore, #tpu.memory_space<semaphore_mem>>, %arg27: memref<!tpu.dma_semaphore, #tpu.memory_space<semaphore_mem>>, %arg28: memref<!tpu.dma_semaphore, #tpu.memory_space<semaphore_mem>>, %arg29: memref<!tpu.dma_semaphore, #tpu.memory_space<semaphore_mem>>, %arg30: memref<!tpu.dma_semaphore, #tpu.memory_space<semaphore_mem>>, %arg31: memref<!tpu.dma_semaphore, #tpu.memory_space<semaphore_mem>>, %arg32: memref<!tpu.dma_semaphore, #tpu.memory_space<semaphore_mem>>) attributes {dimension_semantics = [#tpu.dimension_semantics<core_parallel>, #tpu.dimension_semantics<subcore_parallel>], iteration_bounds = array<i64: 2, 16>, scalar_prefetch = 0 : i64, scratch_operands = 25 : i64, tpu.core_type = #tpu.core_type<sc_vector_subcore>, window_params = [{transform_indices = #map}, {transform_indices = #map1}, {transform_indices = #map1}, {transform_indices = #map1}, {transform_indices = #map}, {transform_indices = #map2}]} {
    %mul3A = arith.constant 2 : i32
    %mul3A_0 = arith.muli %arg1, %mul3A : i32
    %add3A = arith.addi %mul3A_0, %arg0 : i32
    %mul3A_1 = arith.constant 10000 : i32
    %mul3A_2 = arith.muli %add3A, %mul3A_1 : i32
    %mul3A_3 = arith.constant 625 : i32
    %mul3A_4 = arith.muli %arg1, %mul3A_3 : i32
    %mul3A_5 = arith.constant 625 : i32
    %mul3A_6 = arith.muli %arg1, %mul3A_5 : i32
    "tpu.region"() ({
      %run_scoped3A = tpu.sem_alloc : memref<!tpu.dma_semaphore, #tpu.memory_space<semaphore_mem>>
      %dma_start3A_55 = arith.constant 0 : i32
      %dma_start3A_56 = tpu.memref_slice %arg23[%mul3A_6, %dma_start3A_55] : memref<10000x144xf32, #tpu.memory_space<vmem_shared>> -> memref<625x144xf32, #tpu.memory_space<vmem_shared>>
      %dma_start3A_57 = arith.constant 0 : i32
      %dma_start3A_58 = tpu.memref_slice %arg6[%mul3A_4, %dma_start3A_57] : memref<10000x144xf32, #tpu.memory_space<hbm>> -> memref<625x144xf32, #tpu.memory_space<hbm>>
      tpu.enqueue_dma source(%dma_start3A_58 : memref<625x144xf32, #tpu.memory_space<hbm>>) target(%dma_start3A_56 : memref<625x144xf32, #tpu.memory_space<vmem_shared>>) target_semaphore(%run_scoped3A : memref<!tpu.dma_semaphore, #tpu.memory_space<semaphore_mem>>)
      %dma_wait3A_59 = arith.constant 0 : i32
      %dma_wait3A_60 = tpu.memref_slice %arg23[%mul3A_6, %dma_wait3A_59] : memref<10000x144xf32, #tpu.memory_space<vmem_shared>> -> memref<625x144xf32, #tpu.memory_space<vmem_shared>>
      %dma_wait3A_61 = arith.constant 0 : i32
      %dma_wait3A_62 = tpu.memref_slice %arg6[%mul3A_4, %dma_wait3A_61] : memref<10000x144xf32, #tpu.memory_space<hbm>> -> memref<625x144xf32, #tpu.memory_space<hbm>>
      tpu.wait_dma2 semaphore(%run_scoped3A : memref<!tpu.dma_semaphore, #tpu.memory_space<semaphore_mem>>) src(%dma_wait3A_62 : memref<625x144xf32, #tpu.memory_space<hbm>>) dst(%dma_wait3A_60 : memref<625x144xf32, #tpu.memory_space<vmem_shared>>)
      tpu.yield
    }) : () -> ()
    %barrier3A = arith.constant 0 : index
    tpu.barrier barrier_id(%barrier3A)
    %add3A_7 = arith.constant 0 : i32
    %add3A_8 = arith.addi %mul3A_2, %add3A_7 : i32
    %dma_start3A = tpu.memref_slice %arg3[%add3A_8] : memref<320000xi32, #tpu.memory_space<hbm>> -> memref<80xi32, #tpu.memory_space<hbm>>
    %dma_start3A_9 = tpu.memref_slice %arg3[%add3A_8] : memref<320000xi32, #tpu.memory_space<hbm>> -> memref<80xi32, #tpu.memory_space<hbm>>
    tpu.enqueue_dma source(%dma_start3A_9 : memref<80xi32, #tpu.memory_space<hbm>>) target(%arg8 : memref<80xi32, #tpu.memory_space<vmem>>) target_semaphore(%arg30 : memref<!tpu.dma_semaphore, #tpu.memory_space<semaphore_mem>>)
    %dma_start3A_10 = tpu.memref_slice %arg4[%add3A_8] : memref<320000xi32, #tpu.memory_space<hbm>> -> memref<80xi32, #tpu.memory_space<hbm>>
    %dma_start3A_11 = tpu.memref_slice %arg4[%add3A_8] : memref<320000xi32, #tpu.memory_space<hbm>> -> memref<80xi32, #tpu.memory_space<hbm>>
    tpu.enqueue_dma source(%dma_start3A_11 : memref<80xi32, #tpu.memory_space<hbm>>) target(%arg11 : memref<80xi32, #tpu.memory_space<vmem>>) target_semaphore(%arg30 : memref<!tpu.dma_semaphore, #tpu.memory_space<semaphore_mem>>)
    %dma_start3A_12 = tpu.memref_slice %arg5[%add3A_8] : memref<320000xf32, #tpu.memory_space<hbm>> -> memref<80xf32, #tpu.memory_space<hbm>>
    %dma_start3A_13 = tpu.memref_slice %arg5[%add3A_8] : memref<320000xf32, #tpu.memory_space<hbm>> -> memref<80xf32, #tpu.memory_space<hbm>>
    tpu.enqueue_dma source(%dma_start3A_13 : memref<80xf32, #tpu.memory_space<hbm>>) target(%arg14 : memref<80xf32, #tpu.memory_space<vmem>>) target_semaphore(%arg30 : memref<!tpu.dma_semaphore, #tpu.memory_space<semaphore_mem>>)
    %add3A_14 = arith.constant 80 : i32
    %add3A_15 = arith.addi %mul3A_2, %add3A_14 : i32
    %dma_start3A_16 = tpu.memref_slice %arg3[%add3A_15] : memref<320000xi32, #tpu.memory_space<hbm>> -> memref<80xi32, #tpu.memory_space<hbm>>
    %dma_start3A_17 = tpu.memref_slice %arg3[%add3A_15] : memref<320000xi32, #tpu.memory_space<hbm>> -> memref<80xi32, #tpu.memory_space<hbm>>
    tpu.enqueue_dma source(%dma_start3A_17 : memref<80xi32, #tpu.memory_space<hbm>>) target(%arg9 : memref<80xi32, #tpu.memory_space<vmem>>) target_semaphore(%arg31 : memref<!tpu.dma_semaphore, #tpu.memory_space<semaphore_mem>>)
    %dma_start3A_18 = tpu.memref_slice %arg4[%add3A_15] : memref<320000xi32, #tpu.memory_space<hbm>> -> memref<80xi32, #tpu.memory_space<hbm>>
    %dma_start3A_19 = tpu.memref_slice %arg4[%add3A_15] : memref<320000xi32, #tpu.memory_space<hbm>> -> memref<80xi32, #tpu.memory_space<hbm>>
    tpu.enqueue_dma source(%dma_start3A_19 : memref<80xi32, #tpu.memory_space<hbm>>) target(%arg12 : memref<80xi32, #tpu.memory_space<vmem>>) target_semaphore(%arg31 : memref<!tpu.dma_semaphore, #tpu.memory_space<semaphore_mem>>)
    %dma_start3A_20 = tpu.memref_slice %arg5[%add3A_15] : memref<320000xf32, #tpu.memory_space<hbm>> -> memref<80xf32, #tpu.memory_space<hbm>>
    %dma_start3A_21 = tpu.memref_slice %arg5[%add3A_15] : memref<320000xf32, #tpu.memory_space<hbm>> -> memref<80xf32, #tpu.memory_space<hbm>>
    tpu.enqueue_dma source(%dma_start3A_21 : memref<80xf32, #tpu.memory_space<hbm>>) target(%arg15 : memref<80xf32, #tpu.memory_space<vmem>>) target_semaphore(%arg31 : memref<!tpu.dma_semaphore, #tpu.memory_space<semaphore_mem>>)
    %dma_wait3A = arith.constant 0 : i32
    %dma_wait3A_22 = tpu.memref_slice %arg3[%dma_wait3A] : memref<320000xi32, #tpu.memory_space<hbm>> -> memref<80xi32, #tpu.memory_space<hbm>>
    %dma_wait3A_23 = arith.constant 0 : i32
    %dma_wait3A_24 = tpu.memref_slice %arg3[%dma_wait3A_23] : memref<320000xi32, #tpu.memory_space<hbm>> -> memref<80xi32, #tpu.memory_space<hbm>>
    tpu.wait_dma2 semaphore(%arg30 : memref<!tpu.dma_semaphore, #tpu.memory_space<semaphore_mem>>) src(%dma_wait3A_24 : memref<80xi32, #tpu.memory_space<hbm>>) dst(%arg8 : memref<80xi32, #tpu.memory_space<vmem>>)
    %dma_wait3A_25 = arith.constant 0 : i32
    %dma_wait3A_26 = tpu.memref_slice %arg4[%dma_wait3A_25] : memref<320000xi32, #tpu.memory_space<hbm>> -> memref<80xi32, #tpu.memory_space<hbm>>
    %dma_wait3A_27 = arith.constant 0 : i32
    %dma_wait3A_28 = tpu.memref_slice %arg4[%dma_wait3A_27] : memref<320000xi32, #tpu.memory_space<hbm>> -> memref<80xi32, #tpu.memory_space<hbm>>
    tpu.wait_dma2 semaphore(%arg30 : memref<!tpu.dma_semaphore, #tpu.memory_space<semaphore_mem>>) src(%dma_wait3A_28 : memref<80xi32, #tpu.memory_space<hbm>>) dst(%arg11 : memref<80xi32, #tpu.memory_space<vmem>>)
    %dma_wait3A_29 = arith.constant 0 : i32
    %dma_wait3A_30 = tpu.memref_slice %arg5[%dma_wait3A_29] : memref<320000xf32, #tpu.memory_space<hbm>> -> memref<80xf32, #tpu.memory_space<hbm>>
    %dma_wait3A_31 = arith.constant 0 : i32
    %dma_wait3A_32 = tpu.memref_slice %arg5[%dma_wait3A_31] : memref<320000xf32, #tpu.memory_space<hbm>> -> memref<80xf32, #tpu.memory_space<hbm>>
    tpu.wait_dma2 semaphore(%arg30 : memref<!tpu.dma_semaphore, #tpu.memory_space<semaphore_mem>>) src(%dma_wait3A_32 : memref<80xf32, #tpu.memory_space<hbm>>) dst(%arg14 : memref<80xf32, #tpu.memory_space<vmem>>)
    %dma_start3A_33 = arith.constant 0 : i32
    %dma_start3A_34 = arith.constant 0 : i32
    %dma_start3A_35 = tpu.memref_slice %arg2[%dma_start3A_33, %dma_start3A_34] : memref<10240x144xf32, #tpu.memory_space<hbm>> -> memref<10240x144xf32, #tpu.memory_space<hbm>>
    tpu.enqueue_indirect_dma source(%dma_start3A_35 : memref<10240x144xf32, #tpu.memory_space<hbm>>) target(%arg20 : memref<80x144xf32, #tpu.memory_space<vmem>>) offsets(%arg11 : memref<80xi32, #tpu.memory_space<vmem>>) semaphore(%arg24 : memref<!tpu.dma_semaphore, #tpu.memory_space<semaphore_mem>>)
    %scan3A = arith.constant 0 : i32
    %scan3A_36 = arith.constant 0 : i32
    %scan3A_37 = arith.constant 42 : i32
    %scan3A_38 = arith.addi %scan3A_36, %scan3A_37 : i32
    %scan3A_39 = arith.constant 1 : i32
    scf.for %scan3A_55 = %scan3A_36 to %scan3A_38 step %scan3A_39  : i32 {
      %mul3A_56 = arith.constant 3 : i32
      %mul3A_57 = arith.muli %mul3A_56, %scan3A_55 : i32
      %add3A_58 = arith.constant 1 : i32
      %add3A_59 = arith.addi %mul3A_57, %add3A_58 : i32
      %lt3A = arith.constant 125 : i32
      %lt3A_60 = arith.cmpi slt, %add3A_59, %lt3A : i32
      %convert_element_type3A = arith.extui %lt3A_60 : i1 to i32
      %cond3A = arith.constant 0 : i32
      %cond3A_61 = arith.cmpi ne, %convert_element_type3A, %cond3A : i32
      scf.if %cond3A_61 {
        %dma_wait3A_113 = arith.constant 0 : i32
        %dma_wait3A_114 = tpu.memref_slice %arg3[%dma_wait3A_113] : memref<320000xi32, #tpu.memory_space<hbm>> -> memref<80xi32, #tpu.memory_space<hbm>>
        %dma_wait3A_115 = arith.constant 0 : i32
        %dma_wait3A_116 = tpu.memref_slice %arg3[%dma_wait3A_115] : memref<320000xi32, #tpu.memory_space<hbm>> -> memref<80xi32, #tpu.memory_space<hbm>>
        tpu.wait_dma2 semaphore(%arg31 : memref<!tpu.dma_semaphore, #tpu.memory_space<semaphore_mem>>) src(%dma_wait3A_116 : memref<80xi32, #tpu.memory_space<hbm>>) dst(%arg9 : memref<80xi32, #tpu.memory_space<vmem>>)
        %dma_wait3A_117 = arith.constant 0 : i32
        %dma_wait3A_118 = tpu.memref_slice %arg4[%dma_wait3A_117] : memref<320000xi32, #tpu.memory_space<hbm>> -> memref<80xi32, #tpu.memory_space<hbm>>
        %dma_wait3A_119 = arith.constant 0 : i32
        %dma_wait3A_120 = tpu.memref_slice %arg4[%dma_wait3A_119] : memref<320000xi32, #tpu.memory_space<hbm>> -> memref<80xi32, #tpu.memory_space<hbm>>
        tpu.wait_dma2 semaphore(%arg31 : memref<!tpu.dma_semaphore, #tpu.memory_space<semaphore_mem>>) src(%dma_wait3A_120 : memref<80xi32, #tpu.memory_space<hbm>>) dst(%arg12 : memref<80xi32, #tpu.memory_space<vmem>>)
        %dma_wait3A_121 = arith.constant 0 : i32
        %dma_wait3A_122 = tpu.memref_slice %arg5[%dma_wait3A_121] : memref<320000xf32, #tpu.memory_space<hbm>> -> memref<80xf32, #tpu.memory_space<hbm>>
        %dma_wait3A_123 = arith.constant 0 : i32
        %dma_wait3A_124 = tpu.memref_slice %arg5[%dma_wait3A_123] : memref<320000xf32, #tpu.memory_space<hbm>> -> memref<80xf32, #tpu.memory_space<hbm>>
        tpu.wait_dma2 semaphore(%arg31 : memref<!tpu.dma_semaphore, #tpu.memory_space<semaphore_mem>>) src(%dma_wait3A_124 : memref<80xf32, #tpu.memory_space<hbm>>) dst(%arg15 : memref<80xf32, #tpu.memory_space<vmem>>)
        %ge3A = arith.constant 2 : i32
        %ge3A_125 = arith.cmpi sge, %mul3A_57, %ge3A : i32
        %convert_element_type3A_126 = arith.extui %ge3A_125 : i1 to i32
        %cond3A_127 = arith.constant 0 : i32
        %cond3A_128 = arith.cmpi ne, %convert_element_type3A_126, %cond3A_127 : i32
        scf.if %cond3A_128 {
          %dma_wait3A_132 = arith.constant 0 : i32
          %dma_wait3A_133 = arith.constant 0 : i32
          %dma_wait3A_134 = tpu.memref_slice %arg23[%dma_wait3A_132, %dma_wait3A_133] : memref<10000x144xf32, #tpu.memory_space<vmem_shared>> -> memref<10000x144xf32, #tpu.memory_space<vmem_shared>>
          tpu.wait_indirect_dma semaphore(%arg28 : memref<!tpu.dma_semaphore, #tpu.memory_space<semaphore_mem>>) src(%arg21 : memref<80x144xf32, #tpu.memory_space<vmem>>) dst(%dma_wait3A_134 : memref<10000x144xf32, #tpu.memory_space<vmem_shared>>)
        } else {
        }
        %dma_start3A_129 = arith.constant 0 : i32
        %dma_start3A_130 = arith.constant 0 : i32
        %dma_start3A_131 = tpu.memref_slice %arg2[%dma_start3A_129, %dma_start3A_130] : memref<10240x144xf32, #tpu.memory_space<hbm>> -> memref<10240x144xf32, #tpu.memory_space<hbm>>
        tpu.enqueue_indirect_dma source(%dma_start3A_131 : memref<10240x144xf32, #tpu.memory_space<hbm>>) target(%arg21 : memref<80x144xf32, #tpu.memory_space<vmem>>) offsets(%arg12 : memref<80xi32, #tpu.memory_space<vmem>>) semaphore(%arg25 : memref<!tpu.dma_semaphore, #tpu.memory_space<semaphore_mem>>)
      } else {
      }
      %dma_wait3A_62 = arith.constant 0 : i32
      %dma_wait3A_63 = arith.constant 0 : i32
      %dma_wait3A_64 = tpu.memref_slice %arg2[%dma_wait3A_62, %dma_wait3A_63] : memref<10240x144xf32, #tpu.memory_space<hbm>> -> memref<10240x144xf32, #tpu.memory_space<hbm>>
      tpu.wait_indirect_dma semaphore(%arg24 : memref<!tpu.dma_semaphore, #tpu.memory_space<semaphore_mem>>) src(%dma_wait3A_64 : memref<10240x144xf32, #tpu.memory_space<hbm>>) dst(%arg20 : memref<80x144xf32, #tpu.memory_space<vmem>>)
      %scan3A_65 = arith.constant 0 : i32
      %scan3A_66 = arith.constant 0 : i32
      %scan3A_67 = arith.constant 20 : i32
      %scan3A_68 = arith.addi %scan3A_66, %scan3A_67 : i32
      %scan3A_69 = arith.constant 1 : i32
      scf.for %scan3A_113 = %scan3A_66 to %scan3A_68 step %scan3A_69  : i32 {
        %mul3A_114 = arith.constant 4 : i32
        %mul3A_115 = arith.muli %scan3A_113, %mul3A_114 : i32
        %add3A_116 = arith.constant 0 : i32
        %add3A_117 = arith.addi %mul3A_115, %add3A_116 : i32
        %broadcast_in_dim3A = arith.constant 0 : i32
        %broadcast_in_dim3A_118 = vector.broadcast %broadcast_in_dim3A : i32 to vector<16xi32>
        %add3A_119 = vector.broadcast %add3A_117 : i32 to vector<16xi32>
        %add3A_120 = arith.addi %broadcast_in_dim3A_118, %add3A_119 : vector<16xi32>
        %gather3A = tpu.vector_load_idx %arg14[%add3A_120] : memref<80xf32, #tpu.memory_space<vmem>>[vector<16xi32>], vector<16xf32>,
        %get3A_121 = arith.index_cast %add3A_117 : i32 to index
        %get3A_122 = arith.constant 0 : index
        %get3A_123 = tpu.vector_load %arg20[%get3A_121, %get3A_122] {strides = array<i32>} : memref<80x144xf32, #tpu.memory_space<vmem>>, vector<16xf32>,
        %mul3A_124 = arith.mulf %get3A_123, %gather3A : vector<16xf32>
        %swap3A_125 = arith.index_cast %add3A_117 : i32 to index
        %swap3A_126 = arith.constant 0 : index
        %swap3A_127 = tpu.vector_load %arg20[%swap3A_125, %swap3A_126] {strides = array<i32>} : memref<80x144xf32, #tpu.memory_space<vmem>>, vector<16xf32>,
        tpu.vector_store %arg20[%swap3A_125, %swap3A_126], %mul3A_124 {strides = array<i32>} : memref<80x144xf32, #tpu.memory_space<vmem>>, vector<16xf32>,
        %get3A_128 = arith.index_cast %add3A_117 : i32 to index
        %get3A_129 = arith.constant 16 : index
        %get3A_130 = tpu.vector_load %arg20[%get3A_128, %get3A_129] {strides = array<i32>} : memref<80x144xf32, #tpu.memory_space<vmem>>, vector<16xf32>,
        %mul3A_131 = arith.mulf %get3A_130, %gather3A : vector<16xf32>
        %swap3A_132 = arith.index_cast %add3A_117 : i32 to index
        %swap3A_133 = arith.constant 16 : index
        %swap3A_134 = tpu.vector_load %arg20[%swap3A_132, %swap3A_133] {strides = array<i32>} : memref<80x144xf32, #tpu.memory_space<vmem>>, vector<16xf32>,
        tpu.vector_store %arg20[%swap3A_132, %swap3A_133], %mul3A_131 {strides = array<i32>} : memref<80x144xf32, #tpu.memory_space<vmem>>, vector<16xf32>,
        %get3A_135 = arith.index_cast %add3A_117 : i32 to index
        %get3A_136 = arith.constant 32 : index
        %get3A_137 = tpu.vector_load %arg20[%get3A_135, %get3A_136] {strides = array<i32>} : memref<80x144xf32, #tpu.memory_space<vmem>>, vector<16xf32>,
        %mul3A_138 = arith.mulf %get3A_137, %gather3A : vector<16xf32>
        %swap3A_139 = arith.index_cast %add3A_117 : i32 to index
        %swap3A_140 = arith.constant 32 : index
        %swap3A_141 = tpu.vector_load %arg20[%swap3A_139, %swap3A_140] {strides = array<i32>} : memref<80x144xf32, #tpu.memory_space<vmem>>, vector<16xf32>,
        tpu.vector_store %arg20[%swap3A_139, %swap3A_140], %mul3A_138 {strides = array<i32>} : memref<80x144xf32, #tpu.memory_space<vmem>>, vector<16xf32>,
        %get3A_142 = arith.index_cast %add3A_117 : i32 to index
        %get3A_143 = arith.constant 48 : index
        %get3A_144 = tpu.vector_load %arg20[%get3A_142, %get3A_143] {strides = array<i32>} : memref<80x144xf32, #tpu.memory_space<vmem>>, vector<16xf32>,
        %mul3A_145 = arith.mulf %get3A_144, %gather3A : vector<16xf32>
        %swap3A_146 = arith.index_cast %add3A_117 : i32 to index
        %swap3A_147 = arith.constant 48 : index
        %swap3A_148 = tpu.vector_load %arg20[%swap3A_146, %swap3A_147] {strides = array<i32>} : memref<80x144xf32, #tpu.memory_space<vmem>>, vector<16xf32>,
        tpu.vector_store %arg20[%swap3A_146, %swap3A_147], %mul3A_145 {strides = array<i32>} : memref<80x144xf32, #tpu.memory_space<vmem>>, vector<16xf32>,
        %get3A_149 = arith.index_cast %add3A_117 : i32 to index
        %get3A_150 = arith.constant 64 : index
        %get3A_151 = tpu.vector_load %arg20[%get3A_149, %get3A_150] {strides = array<i32>} : memref<80x144xf32, #tpu.memory_space<vmem>>, vector<16xf32>,
        %mul3A_152 = arith.mulf %get3A_151, %gather3A : vector<16xf32>
        %swap3A_153 = arith.index_cast %add3A_117 : i32 to index
        %swap3A_154 = arith.constant 64 : index
        %swap3A_155 = tpu.vector_load %arg20[%swap3A_153, %swap3A_154] {strides = array<i32>} : memref<80x144xf32, #tpu.memory_space<vmem>>, vector<16xf32>,
        tpu.vector_store %arg20[%swap3A_153, %swap3A_154], %mul3A_152 {strides = array<i32>} : memref<80x144xf32, #tpu.memory_space<vmem>>, vector<16xf32>,
        %get3A_156 = arith.index_cast %add3A_117 : i32 to index
        %get3A_157 = arith.constant 80 : index
        %get3A_158 = tpu.vector_load %arg20[%get3A_156, %get3A_157] {strides = array<i32>} : memref<80x144xf32, #tpu.memory_space<vmem>>, vector<16xf32>,
        %mul3A_159 = arith.mulf %get3A_158, %gather3A : vector<16xf32>
        %swap3A_160 = arith.index_cast %add3A_117 : i32 to index
        %swap3A_161 = arith.constant 80 : index
        %swap3A_162 = tpu.vector_load %arg20[%swap3A_160, %swap3A_161] {strides = array<i32>} : memref<80x144xf32, #tpu.memory_space<vmem>>, vector<16xf32>,
        tpu.vector_store %arg20[%swap3A_160, %swap3A_161], %mul3A_159 {strides = array<i32>} : memref<80x144xf32, #tpu.memory_space<vmem>>, vector<16xf32>,
        %get3A_163 = arith.index_cast %add3A_117 : i32 to index
        %get3A_164 = arith.constant 96 : index
        %get3A_165 = tpu.vector_load %arg20[%get3A_163, %get3A_164] {strides = array<i32>} : memref<80x144xf32, #tpu.memory_space<vmem>>, vector<16xf32>,
        %mul3A_166 = arith.mulf %get3A_165, %gather3A : vector<16xf32>
        %swap3A_167 = arith.index_cast %add3A_117 : i32 to index
        %swap3A_168 = arith.constant 96 : index
        %swap3A_169 = tpu.vector_load %arg20[%swap3A_167, %swap3A_168] {strides = array<i32>} : memref<80x144xf32, #tpu.memory_space<vmem>>, vector<16xf32>,
        tpu.vector_store %arg20[%swap3A_167, %swap3A_168], %mul3A_166 {strides = array<i32>} : memref<80x144xf32, #tpu.memory_space<vmem>>, vector<16xf32>,
        %get3A_170 = arith.index_cast %add3A_117 : i32 to index
        %get3A_171 = arith.constant 112 : index
        %get3A_172 = tpu.vector_load %arg20[%get3A_170, %get3A_171] {strides = array<i32>} : memref<80x144xf32, #tpu.memory_space<vmem>>, vector<16xf32>,
        %mul3A_173 = arith.mulf %get3A_172, %gather3A : vector<16xf32>
        %swap3A_174 = arith.index_cast %add3A_117 : i32 to index
        %swap3A_175 = arith.constant 112 : index
        %swap3A_176 = tpu.vector_load %arg20[%swap3A_174, %swap3A_175] {strides = array<i32>} : memref<80x144xf32, #tpu.memory_space<vmem>>, vector<16xf32>,
        tpu.vector_store %arg20[%swap3A_174, %swap3A_175], %mul3A_173 {strides = array<i32>} : memref<80x144xf32, #tpu.memory_space<vmem>>, vector<16xf32>,
        %get3A_177 = arith.index_cast %add3A_117 : i32 to index
        %get3A_178 = arith.constant 128 : index
        %get3A_179 = tpu.vector_load %arg20[%get3A_177, %get3A_178] {strides = array<i32>} : memref<80x144xf32, #tpu.memory_space<vmem>>, vector<16xf32>,
        %mul3A_180 = arith.mulf %get3A_179, %gather3A : vector<16xf32>
        %swap3A_181 = arith.index_cast %add3A_117 : i32 to index
        %swap3A_182 = arith.constant 128 : index
        %swap3A_183 = tpu.vector_load %arg20[%swap3A_181, %swap3A_182] {strides = array<i32>} : memref<80x144xf32, #tpu.memory_space<vmem>>, vector<16xf32>,
        tpu.vector_store %arg20[%swap3A_181, %swap3A_182], %mul3A_180 {strides = array<i32>} : memref<80x144xf32, #tpu.memory_space<vmem>>, vector<16xf32>,
        %mul3A_184 = arith.constant 4 : i32
        %mul3A_185 = arith.muli %scan3A_113, %mul3A_184 : i32
        %add3A_186 = arith.constant 1 : i32
        %add3A_187 = arith.addi %mul3A_185, %add3A_186 : i32
        %broadcast_in_dim3A_188 = arith.constant 0 : i32
        %broadcast_in_dim3A_189 = vector.broadcast %broadcast_in_dim3A_188 : i32 to vector<16xi32>
        %add3A_190 = vector.broadcast %add3A_187 : i32 to vector<16xi32>
        %add3A_191 = arith.addi %broadcast_in_dim3A_189, %add3A_190 : vector<16xi32>
        %gather3A_192 = tpu.vector_load_idx %arg14[%add3A_191] : memref<80xf32, #tpu.memory_space<vmem>>[vector<16xi32>], vector<16xf32>,
        %get3A_193 = arith.index_cast %add3A_187 : i32 to index
        %get3A_194 = arith.constant 0 : index
        %get3A_195 = tpu.vector_load %arg20[%get3A_193, %get3A_194] {strides = array<i32>} : memref<80x144xf32, #tpu.memory_space<vmem>>, vector<16xf32>,
        %mul3A_196 = arith.mulf %get3A_195, %gather3A_192 : vector<16xf32>
        %swap3A_197 = arith.index_cast %add3A_187 : i32 to index
        %swap3A_198 = arith.constant 0 : index
        %swap3A_199 = tpu.vector_load %arg20[%swap3A_197, %swap3A_198] {strides = array<i32>} : memref<80x144xf32, #tpu.memory_space<vmem>>, vector<16xf32>,
        tpu.vector_store %arg20[%swap3A_197, %swap3A_198], %mul3A_196 {strides = array<i32>} : memref<80x144xf32, #tpu.memory_space<vmem>>, vector<16xf32>,
        %get3A_200 = arith.index_cast %add3A_187 : i32 to index
        %get3A_201 = arith.constant 16 : index
        %get3A_202 = tpu.vector_load %arg20[%get3A_200, %get3A_201] {strides = array<i32>} : memref<80x144xf32, #tpu.memory_space<vmem>>, vector<16xf32>,
        %mul3A_203 = arith.mulf %get3A_202, %gather3A_192 : vector<16xf32>
        %swap3A_204 = arith.index_cast %add3A_187 : i32 to index
        %swap3A_205 = arith.constant 16 : index
        %swap3A_206 = tpu.vector_load %arg20[%swap3A_204, %swap3A_205] {strides = array<i32>} : memref<80x144xf32, #tpu.memory_space<vmem>>, vector<16xf32>,
        tpu.vector_store %arg20[%swap3A_204, %swap3A_205], %mul3A_203 {strides = array<i32>} : memref<80x144xf32, #tpu.memory_space<vmem>>, vector<16xf32>,
        %get3A_207 = arith.index_cast %add3A_187 : i32 to index
        %get3A_208 = arith.constant 32 : index
        %get3A_209 = tpu.vector_load %arg20[%get3A_207, %get3A_208] {strides = array<i32>} : memref<80x144xf32, #tpu.memory_space<vmem>>, vector<16xf32>,
        %mul3A_210 = arith.mulf %get3A_209, %gather3A_192 : vector<16xf32>
        %swap3A_211 = arith.index_cast %add3A_187 : i32 to index
        %swap3A_212 = arith.constant 32 : index
        %swap3A_213 = tpu.vector_load %arg20[%swap3A_211, %swap3A_212] {strides = array<i32>} : memref<80x144xf32, #tpu.memory_space<vmem>>, vector<16xf32>,
        tpu.vector_store %arg20[%swap3A_211, %swap3A_212], %mul3A_210 {strides = array<i32>} : memref<80x144xf32, #tpu.memory_space<vmem>>, vector<16xf32>,
        %get3A_214 = arith.index_cast %add3A_187 : i32 to index
        %get3A_215 = arith.constant 48 : index
        %get3A_216 = tpu.vector_load %arg20[%get3A_214, %get3A_215] {strides = array<i32>} : memref<80x144xf32, #tpu.memory_space<vmem>>, vector<16xf32>,
        %mul3A_217 = arith.mulf %get3A_216, %gather3A_192 : vector<16xf32>
        %swap3A_218 = arith.index_cast %add3A_187 : i32 to index
        %swap3A_219 = arith.constant 48 : index
        %swap3A_220 = tpu.vector_load %arg20[%swap3A_218, %swap3A_219] {strides = array<i32>} : memref<80x144xf32, #tpu.memory_space<vmem>>, vector<16xf32>,
        tpu.vector_store %arg20[%swap3A_218, %swap3A_219], %mul3A_217 {strides = array<i32>} : memref<80x144xf32, #tpu.memory_space<vmem>>, vector<16xf32>,
        %get3A_221 = arith.index_cast %add3A_187 : i32 to index
        %get3A_222 = arith.constant 64 : index
        %get3A_223 = tpu.vector_load %arg20[%get3A_221, %get3A_222] {strides = array<i32>} : memref<80x144xf32, #tpu.memory_space<vmem>>, vector<16xf32>,
        %mul3A_224 = arith.mulf %get3A_223, %gather3A_192 : vector<16xf32>
        %swap3A_225 = arith.index_cast %add3A_187 : i32 to index
        %swap3A_226 = arith.constant 64 : index
        %swap3A_227 = tpu.vector_load %arg20[%swap3A_225, %swap3A_226] {strides = array<i32>} : memref<80x144xf32, #tpu.memory_space<vmem>>, vector<16xf32>,
        tpu.vector_store %arg20[%swap3A_225, %swap3A_226], %mul3A_224 {strides = array<i32>} : memref<80x144xf32, #tpu.memory_space<vmem>>, vector<16xf32>,
        %get3A_228 = arith.index_cast %add3A_187 : i32 to index
        %get3A_229 = arith.constant 80 : index
        %get3A_230 = tpu.vector_load %arg20[%get3A_228, %get3A_229] {strides = array<i32>} : memref<80x144xf32, #tpu.memory_space<vmem>>, vector<16xf32>,
        %mul3A_231 = arith.mulf %get3A_230, %gather3A_192 : vector<16xf32>
        %swap3A_232 = arith.index_cast %add3A_187 : i32 to index
        %swap3A_233 = arith.constant 80 : index
        %swap3A_234 = tpu.vector_load %arg20[%swap3A_232, %swap3A_233] {strides = array<i32>} : memref<80x144xf32, #tpu.memory_space<vmem>>, vector<16xf32>,
        tpu.vector_store %arg20[%swap3A_232, %swap3A_233], %mul3A_231 {strides = array<i32>} : memref<80x144xf32, #tpu.memory_space<vmem>>, vector<16xf32>,
        %get3A_235 = arith.index_cast %add3A_187 : i32 to index
        %get3A_236 = arith.constant 96 : index
        %get3A_237 = tpu.vector_load %arg20[%get3A_235, %get3A_236] {strides = array<i32>} : memref<80x144xf32, #tpu.memory_space<vmem>>, vector<16xf32>,
        %mul3A_238 = arith.mulf %get3A_237, %gather3A_192 : vector<16xf32>
        %swap3A_239 = arith.index_cast %add3A_187 : i32 to index
        %swap3A_240 = arith.constant 96 : index
        %swap3A_241 = tpu.vector_load %arg20[%swap3A_239, %swap3A_240] {strides = array<i32>} : memref<80x144xf32, #tpu.memory_space<vmem>>, vector<16xf32>,
        tpu.vector_store %arg20[%swap3A_239, %swap3A_240], %mul3A_238 {strides = array<i32>} : memref<80x144xf32, #tpu.memory_space<vmem>>, vector<16xf32>,
        %get3A_242 = arith.index_cast %add3A_187 : i32 to index
        %get3A_243 = arith.constant 112 : index
        %get3A_244 = tpu.vector_load %arg20[%get3A_242, %get3A_243] {strides = array<i32>} : memref<80x144xf32, #tpu.memory_space<vmem>>, vector<16xf32>,
        %mul3A_245 = arith.mulf %get3A_244, %gather3A_192 : vector<16xf32>
        %swap3A_246 = arith.index_cast %add3A_187 : i32 to index
        %swap3A_247 = arith.constant 112 : index
        %swap3A_248 = tpu.vector_load %arg20[%swap3A_246, %swap3A_247] {strides = array<i32>} : memref<80x144xf32, #tpu.memory_space<vmem>>, vector<16xf32>,
        tpu.vector_store %arg20[%swap3A_246, %swap3A_247], %mul3A_245 {strides = array<i32>} : memref<80x144xf32, #tpu.memory_space<vmem>>, vector<16xf32>,
        %get3A_249 = arith.index_cast %add3A_187 : i32 to index
        %get3A_250 = arith.constant 128 : index
        %get3A_251 = tpu.vector_load %arg20[%get3A_249, %get3A_250] {strides = array<i32>} : memref<80x144xf32, #tpu.memory_space<vmem>>, vector<16xf32>,
        %mul3A_252 = arith.mulf %get3A_251, %gather3A_192 : vector<16xf32>
        %swap3A_253 = arith.index_cast %add3A_187 : i32 to index
        %swap3A_254 = arith.constant 128 : index
        %swap3A_255 = tpu.vector_load %arg20[%swap3A_253, %swap3A_254] {strides = array<i32>} : memref<80x144xf32, #tpu.memory_space<vmem>>, vector<16xf32>,
        tpu.vector_store %arg20[%swap3A_253, %swap3A_254], %mul3A_252 {strides = array<i32>} : memref<80x144xf32, #tpu.memory_space<vmem>>, vector<16xf32>,
        %mul3A_256 = arith.constant 4 : i32
        %mul3A_257 = arith.muli %scan3A_113, %mul3A_256 : i32
        %add3A_258 = arith.constant 2 : i32
        %add3A_259 = arith.addi %mul3A_257, %add3A_258 : i32
        %broadcast_in_dim3A_260 = arith.constant 0 : i32
        %broadcast_in_dim3A_261 = vector.broadcast %broadcast_in_dim3A_260 : i32 to vector<16xi32>
        %add3A_262 = vector.broadcast %add3A_259 : i32 to vector<16xi32>
        %add3A_263 = arith.addi %broadcast_in_dim3A_261, %add3A_262 : vector<16xi32>
        %gather3A_264 = tpu.vector_load_idx %arg14[%add3A_263] : memref<80xf32, #tpu.memory_space<vmem>>[vector<16xi32>], vector<16xf32>,
        %get3A_265 = arith.index_cast %add3A_259 : i32 to index
        %get3A_266 = arith.constant 0 : index
        %get3A_267 = tpu.vector_load %arg20[%get3A_265, %get3A_266] {strides = array<i32>} : memref<80x144xf32, #tpu.memory_space<vmem>>, vector<16xf32>,
        %mul3A_268 = arith.mulf %get3A_267, %gather3A_264 : vector<16xf32>
        %swap3A_269 = arith.index_cast %add3A_259 : i32 to index
        %swap3A_270 = arith.constant 0 : index
        %swap3A_271 = tpu.vector_load %arg20[%swap3A_269, %swap3A_270] {strides = array<i32>} : memref<80x144xf32, #tpu.memory_space<vmem>>, vector<16xf32>,
        tpu.vector_store %arg20[%swap3A_269, %swap3A_270], %mul3A_268 {strides = array<i32>} : memref<80x144xf32, #tpu.memory_space<vmem>>, vector<16xf32>,
        %get3A_272 = arith.index_cast %add3A_259 : i32 to index
        %get3A_273 = arith.constant 16 : index
        %get3A_274 = tpu.vector_load %arg20[%get3A_272, %get3A_273] {strides = array<i32>} : memref<80x144xf32, #tpu.memory_space<vmem>>, vector<16xf32>,
        %mul3A_275 = arith.mulf %get3A_274, %gather3A_264 : vector<16xf32>
        %swap3A_276 = arith.index_cast %add3A_259 : i32 to index
        %swap3A_277 = arith.constant 16 : index
        %swap3A_278 = tpu.vector_load %arg20[%swap3A_276, %swap3A_277] {strides = array<i32>} : memref<80x144xf32, #tpu.memory_space<vmem>>, vector<16xf32>,
        tpu.vector_store %arg20[%swap3A_276, %swap3A_277], %mul3A_275 {strides = array<i32>} : memref<80x144xf32, #tpu.memory_space<vmem>>, vector<16xf32>,
        %get3A_279 = arith.index_cast %add3A_259 : i32 to index
        %get3A_280 = arith.constant 32 : index
        %get3A_281 = tpu.vector_load %arg20[%get3A_279, %get3A_280] {strides = array<i32>} : memref<80x144xf32, #tpu.memory_space<vmem>>, vector<16xf32>,
        %mul3A_282 = arith.mulf %get3A_281, %gather3A_264 : vector<16xf32>
        %swap3A_283 = arith.index_cast %add3A_259 : i32 to index
        %swap3A_284 = arith.constant 32 : index
        %swap3A_285 = tpu.vector_load %arg20[%swap3A_283, %swap3A_284] {strides = array<i32>} : memref<80x144xf32, #tpu.memory_space<vmem>>, vector<16xf32>,
        tpu.vector_store %arg20[%swap3A_283, %swap3A_284], %mul3A_282 {strides = array<i32>} : memref<80x144xf32, #tpu.memory_space<vmem>>, vector<16xf32>,
        %get3A_286 = arith.index_cast %add3A_259 : i32 to index
        %get3A_287 = arith.constant 48 : index
        %get3A_288 = tpu.vector_load %arg20[%get3A_286, %get3A_287] {strides = array<i32>} : memref<80x144xf32, #tpu.memory_space<vmem>>, vector<16xf32>,
        %mul3A_289 = arith.mulf %get3A_288, %gather3A_264 : vector<16xf32>
        %swap3A_290 = arith.index_cast %add3A_259 : i32 to index
        %swap3A_291 = arith.constant 48 : index
        %swap3A_292 = tpu.vector_load %arg20[%swap3A_290, %swap3A_291] {strides = array<i32>} : memref<80x144xf32, #tpu.memory_space<vmem>>, vector<16xf32>,
        tpu.vector_store %arg20[%swap3A_290, %swap3A_291], %mul3A_289 {strides = array<i32>} : memref<80x144xf32, #tpu.memory_space<vmem>>, vector<16xf32>,
        %get3A_293 = arith.index_cast %add3A_259 : i32 to index
        %get3A_294 = arith.constant 64 : index
        %get3A_295 = tpu.vector_load %arg20[%get3A_293, %get3A_294] {strides = array<i32>} : memref<80x144xf32, #tpu.memory_space<vmem>>, vector<16xf32>,
        %mul3A_296 = arith.mulf %get3A_295, %gather3A_264 : vector<16xf32>
        %swap3A_297 = arith.index_cast %add3A_259 : i32 to index
        %swap3A_298 = arith.constant 64 : index
        %swap3A_299 = tpu.vector_load %arg20[%swap3A_297, %swap3A_298] {strides = array<i32>} : memref<80x144xf32, #tpu.memory_space<vmem>>, vector<16xf32>,
        tpu.vector_store %arg20[%swap3A_297, %swap3A_298], %mul3A_296 {strides = array<i32>} : memref<80x144xf32, #tpu.memory_space<vmem>>, vector<16xf32>,
        %get3A_300 = arith.index_cast %add3A_259 : i32 to index
        %get3A_301 = arith.constant 80 : index
        %get3A_302 = tpu.vector_load %arg20[%get3A_300, %get3A_301] {strides = array<i32>} : memref<80x144xf32, #tpu.memory_space<vmem>>, vector<16xf32>,
        %mul3A_303 = arith.mulf %get3A_302, %gather3A_264 : vector<16xf32>
        %swap3A_304 = arith.index_cast %add3A_259 : i32 to index
        %swap3A_305 = arith.constant 80 : index
        %swap3A_306 = tpu.vector_load %arg20[%swap3A_304, %swap3A_305] {strides = array<i32>} : memref<80x144xf32, #tpu.memory_space<vmem>>, vector<16xf32>,
        tpu.vector_store %arg20[%swap3A_304, %swap3A_305], %mul3A_303 {strides = array<i32>} : memref<80x144xf32, #tpu.memory_space<vmem>>, vector<16xf32>,
        %get3A_307 = arith.index_cast %add3A_259 : i32 to index
        %get3A_308 = arith.constant 96 : index
        %get3A_309 = tpu.vector_load %arg20[%get3A_307, %get3A_308] {strides = array<i32>} : memref<80x144xf32, #tpu.memory_space<vmem>>, vector<16xf32>,
        %mul3A_310 = arith.mulf %get3A_309, %gather3A_264 : vector<16xf32>
        %swap3A_311 = arith.index_cast %add3A_259 : i32 to index
        %swap3A_312 = arith.constant 96 : index
        %swap3A_313 = tpu.vector_load %arg20[%swap3A_311, %swap3A_312] {strides = array<i32>} : memref<80x144xf32, #tpu.memory_space<vmem>>, vector<16xf32>,
        tpu.vector_store %arg20[%swap3A_311, %swap3A_312], %mul3A_310 {strides = array<i32>} : memref<80x144xf32, #tpu.memory_space<vmem>>, vector<16xf32>,
        %get3A_314 = arith.index_cast %add3A_259 : i32 to index
        %get3A_315 = arith.constant 112 : index
        %get3A_316 = tpu.vector_load %arg20[%get3A_314, %get3A_315] {strides = array<i32>} : memref<80x144xf32, #tpu.memory_space<vmem>>, vector<16xf32>,
        %mul3A_317 = arith.mulf %get3A_316, %gather3A_264 : vector<16xf32>
        %swap3A_318 = arith.index_cast %add3A_259 : i32 to index
        %swap3A_319 = arith.constant 112 : index
        %swap3A_320 = tpu.vector_load %arg20[%swap3A_318, %swap3A_319] {strides = array<i32>} : memref<80x144xf32, #tpu.memory_space<vmem>>, vector<16xf32>,
        tpu.vector_store %arg20[%swap3A_318, %swap3A_319], %mul3A_317 {strides = array<i32>} : memref<80x144xf32, #tpu.memory_space<vmem>>, vector<16xf32>,
        %get3A_321 = arith.index_cast %add3A_259 : i32 to index
        %get3A_322 = arith.constant 128 : index
        %get3A_323 = tpu.vector_load %arg20[%get3A_321, %get3A_322] {strides = array<i32>} : memref<80x144xf32, #tpu.memory_space<vmem>>, vector<16xf32>,
        %mul3A_324 = arith.mulf %get3A_323, %gather3A_264 : vector<16xf32>
        %swap3A_325 = arith.index_cast %add3A_259 : i32 to index
        %swap3A_326 = arith.constant 128 : index
        %swap3A_327 = tpu.vector_load %arg20[%swap3A_325, %swap3A_326] {strides = array<i32>} : memref<80x144xf32, #tpu.memory_space<vmem>>, vector<16xf32>,
        tpu.vector_store %arg20[%swap3A_325, %swap3A_326], %mul3A_324 {strides = array<i32>} : memref<80x144xf32, #tpu.memory_space<vmem>>, vector<16xf32>,
        %mul3A_328 = arith.constant 4 : i32
        %mul3A_329 = arith.muli %scan3A_113, %mul3A_328 : i32
        %add3A_330 = arith.constant 3 : i32
        %add3A_331 = arith.addi %mul3A_329, %add3A_330 : i32
        %broadcast_in_dim3A_332 = arith.constant 0 : i32
        %broadcast_in_dim3A_333 = vector.broadcast %broadcast_in_dim3A_332 : i32 to vector<16xi32>
        %add3A_334 = vector.broadcast %add3A_331 : i32 to vector<16xi32>
        %add3A_335 = arith.addi %broadcast_in_dim3A_333, %add3A_334 : vector<16xi32>
        %gather3A_336 = tpu.vector_load_idx %arg14[%add3A_335] : memref<80xf32, #tpu.memory_space<vmem>>[vector<16xi32>], vector<16xf32>,
        %get3A_337 = arith.index_cast %add3A_331 : i32 to index
        %get3A_338 = arith.constant 0 : index
        %get3A_339 = tpu.vector_load %arg20[%get3A_337, %get3A_338] {strides = array<i32>} : memref<80x144xf32, #tpu.memory_space<vmem>>, vector<16xf32>,
        %mul3A_340 = arith.mulf %get3A_339, %gather3A_336 : vector<16xf32>
        %swap3A_341 = arith.index_cast %add3A_331 : i32 to index
        %swap3A_342 = arith.constant 0 : index
        %swap3A_343 = tpu.vector_load %arg20[%swap3A_341, %swap3A_342] {strides = array<i32>} : memref<80x144xf32, #tpu.memory_space<vmem>>, vector<16xf32>,
        tpu.vector_store %arg20[%swap3A_341, %swap3A_342], %mul3A_340 {strides = array<i32>} : memref<80x144xf32, #tpu.memory_space<vmem>>, vector<16xf32>,
        %get3A_344 = arith.index_cast %add3A_331 : i32 to index
        %get3A_345 = arith.constant 16 : index
        %get3A_346 = tpu.vector_load %arg20[%get3A_344, %get3A_345] {strides = array<i32>} : memref<80x144xf32, #tpu.memory_space<vmem>>, vector<16xf32>,
        %mul3A_347 = arith.mulf %get3A_346, %gather3A_336 : vector<16xf32>
        %swap3A_348 = arith.index_cast %add3A_331 : i32 to index
        %swap3A_349 = arith.constant 16 : index
        %swap3A_350 = tpu.vector_load %arg20[%swap3A_348, %swap3A_349] {strides = array<i32>} : memref<80x144xf32, #tpu.memory_space<vmem>>, vector<16xf32>,
        tpu.vector_store %arg20[%swap3A_348, %swap3A_349], %mul3A_347 {strides = array<i32>} : memref<80x144xf32, #tpu.memory_space<vmem>>, vector<16xf32>,
        %get3A_351 = arith.index_cast %add3A_331 : i32 to index
        %get3A_352 = arith.constant 32 : index
        %get3A_353 = tpu.vector_load %arg20[%get3A_351, %get3A_352] {strides = array<i32>} : memref<80x144xf32, #tpu.memory_space<vmem>>, vector<16xf32>,
        %mul3A_354 = arith.mulf %get3A_353, %gather3A_336 : vector<16xf32>
        %swap3A_355 = arith.index_cast %add3A_331 : i32 to index
        %swap3A_356 = arith.constant 32 : index
        %swap3A_357 = tpu.vector_load %arg20[%swap3A_355, %swap3A_356] {strides = array<i32>} : memref<80x144xf32, #tpu.memory_space<vmem>>, vector<16xf32>,
        tpu.vector_store %arg20[%swap3A_355, %swap3A_356], %mul3A_354 {strides = array<i32>} : memref<80x144xf32, #tpu.memory_space<vmem>>, vector<16xf32>,
        %get3A_358 = arith.index_cast %add3A_331 : i32 to index
        %get3A_359 = arith.constant 48 : index
        %get3A_360 = tpu.vector_load %arg20[%get3A_358, %get3A_359] {strides = array<i32>} : memref<80x144xf32, #tpu.memory_space<vmem>>, vector<16xf32>,
        %mul3A_361 = arith.mulf %get3A_360, %gather3A_336 : vector<16xf32>
        %swap3A_362 = arith.index_cast %add3A_331 : i32 to index
        %swap3A_363 = arith.constant 48 : index
        %swap3A_364 = tpu.vector_load %arg20[%swap3A_362, %swap3A_363] {strides = array<i32>} : memref<80x144xf32, #tpu.memory_space<vmem>>, vector<16xf32>,
        tpu.vector_store %arg20[%swap3A_362, %swap3A_363], %mul3A_361 {strides = array<i32>} : memref<80x144xf32, #tpu.memory_space<vmem>>, vector<16xf32>,
        %get3A_365 = arith.index_cast %add3A_331 : i32 to index
        %get3A_366 = arith.constant 64 : index
        %get3A_367 = tpu.vector_load %arg20[%get3A_365, %get3A_366] {strides = array<i32>} : memref<80x144xf32, #tpu.memory_space<vmem>>, vector<16xf32>,
        %mul3A_368 = arith.mulf %get3A_367, %gather3A_336 : vector<16xf32>
        %swap3A_369 = arith.index_cast %add3A_331 : i32 to index
        %swap3A_370 = arith.constant 64 : index
        %swap3A_371 = tpu.vector_load %arg20[%swap3A_369, %swap3A_370] {strides = array<i32>} : memref<80x144xf32, #tpu.memory_space<vmem>>, vector<16xf32>,
        tpu.vector_store %arg20[%swap3A_369, %swap3A_370], %mul3A_368 {strides = array<i32>} : memref<80x144xf32, #tpu.memory_space<vmem>>, vector<16xf32>,
        %get3A_372 = arith.index_cast %add3A_331 : i32 to index
        %get3A_373 = arith.constant 80 : index
        %get3A_374 = tpu.vector_load %arg20[%get3A_372, %get3A_373] {strides = array<i32>} : memref<80x144xf32, #tpu.memory_space<vmem>>, vector<16xf32>,
        %mul3A_375 = arith.mulf %get3A_374, %gather3A_336 : vector<16xf32>
        %swap3A_376 = arith.index_cast %add3A_331 : i32 to index
        %swap3A_377 = arith.constant 80 : index
        %swap3A_378 = tpu.vector_load %arg20[%swap3A_376, %swap3A_377] {strides = array<i32>} : memref<80x144xf32, #tpu.memory_space<vmem>>, vector<16xf32>,
        tpu.vector_store %arg20[%swap3A_376, %swap3A_377], %mul3A_375 {strides = array<i32>} : memref<80x144xf32, #tpu.memory_space<vmem>>, vector<16xf32>,
        %get3A_379 = arith.index_cast %add3A_331 : i32 to index
        %get3A_380 = arith.constant 96 : index
        %get3A_381 = tpu.vector_load %arg20[%get3A_379, %get3A_380] {strides = array<i32>} : memref<80x144xf32, #tpu.memory_space<vmem>>, vector<16xf32>,
        %mul3A_382 = arith.mulf %get3A_381, %gather3A_336 : vector<16xf32>
        %swap3A_383 = arith.index_cast %add3A_331 : i32 to index
        %swap3A_384 = arith.constant 96 : index
        %swap3A_385 = tpu.vector_load %arg20[%swap3A_383, %swap3A_384] {strides = array<i32>} : memref<80x144xf32, #tpu.memory_space<vmem>>, vector<16xf32>,
        tpu.vector_store %arg20[%swap3A_383, %swap3A_384], %mul3A_382 {strides = array<i32>} : memref<80x144xf32, #tpu.memory_space<vmem>>, vector<16xf32>,
        %get3A_386 = arith.index_cast %add3A_331 : i32 to index
        %get3A_387 = arith.constant 112 : index
        %get3A_388 = tpu.vector_load %arg20[%get3A_386, %get3A_387] {strides = array<i32>} : memref<80x144xf32, #tpu.memory_space<vmem>>, vector<16xf32>,
        %mul3A_389 = arith.mulf %get3A_388, %gather3A_336 : vector<16xf32>
        %swap3A_390 = arith.index_cast %add3A_331 : i32 to index
        %swap3A_391 = arith.constant 112 : index
        %swap3A_392 = tpu.vector_load %arg20[%swap3A_390, %swap3A_391] {strides = array<i32>} : memref<80x144xf32, #tpu.memory_space<vmem>>, vector<16xf32>,
        tpu.vector_store %arg20[%swap3A_390, %swap3A_391], %mul3A_389 {strides = array<i32>} : memref<80x144xf32, #tpu.memory_space<vmem>>, vector<16xf32>,
        %get3A_393 = arith.index_cast %add3A_331 : i32 to index
        %get3A_394 = arith.constant 128 : index
        %get3A_395 = tpu.vector_load %arg20[%get3A_393, %get3A_394] {strides = array<i32>} : memref<80x144xf32, #tpu.memory_space<vmem>>, vector<16xf32>,
        %mul3A_396 = arith.mulf %get3A_395, %gather3A_336 : vector<16xf32>
        %swap3A_397 = arith.index_cast %add3A_331 : i32 to index
        %swap3A_398 = arith.constant 128 : index
        %swap3A_399 = tpu.vector_load %arg20[%swap3A_397, %swap3A_398] {strides = array<i32>} : memref<80x144xf32, #tpu.memory_space<vmem>>, vector<16xf32>,
        tpu.vector_store %arg20[%swap3A_397, %swap3A_398], %mul3A_396 {strides = array<i32>} : memref<80x144xf32, #tpu.memory_space<vmem>>, vector<16xf32>,
      }
      %scan3A_70 = arith.constant 20 : i32
      %get3A = arith.constant 0 : index
      %get3A_71 = tpu.vector_load %arg8[%get3A] {strides = array<i32>} : memref<80xi32, #tpu.memory_space<vmem>>, vector<16xi32>,
      %swap3A = arith.constant 0 : index
      %swap3A_72 = tpu.vector_load %arg17[%swap3A] {strides = array<i32>} : memref<80xi32, #tpu.memory_space<vmem>>, vector<16xi32>,
      tpu.vector_store %arg17[%swap3A], %get3A_71 {strides = array<i32>} : memref<80xi32, #tpu.memory_space<vmem>>, vector<16xi32>,
      %get3A_73 = arith.constant 16 : index
      %get3A_74 = tpu.vector_load %arg8[%get3A_73] {strides = array<i32>} : memref<80xi32, #tpu.memory_space<vmem>>, vector<16xi32>,
      %swap3A_75 = arith.constant 16 : index
      %swap3A_76 = tpu.vector_load %arg17[%swap3A_75] {strides = array<i32>} : memref<80xi32, #tpu.memory_space<vmem>>, vector<16xi32>,
      tpu.vector_store %arg17[%swap3A_75], %get3A_74 {strides = array<i32>} : memref<80xi32, #tpu.memory_space<vmem>>, vector<16xi32>,
      %get3A_77 = arith.constant 32 : index
      %get3A_78 = tpu.vector_load %arg8[%get3A_77] {strides = array<i32>} : memref<80xi32, #tpu.memory_space<vmem>>, vector<16xi32>,
      %swap3A_79 = arith.constant 32 : index
      %swap3A_80 = tpu.vector_load %arg17[%swap3A_79] {strides = array<i32>} : memref<80xi32, #tpu.memory_space<vmem>>, vector<16xi32>,
      tpu.vector_store %arg17[%swap3A_79], %get3A_78 {strides = array<i32>} : memref<80xi32, #tpu.memory_space<vmem>>, vector<16xi32>,
      %get3A_81 = arith.constant 48 : index
      %get3A_82 = tpu.vector_load %arg8[%get3A_81] {strides = array<i32>} : memref<80xi32, #tpu.memory_space<vmem>>, vector<16xi32>,
      %swap3A_83 = arith.constant 48 : index
      %swap3A_84 = tpu.vector_load %arg17[%swap3A_83] {strides = array<i32>} : memref<80xi32, #tpu.memory_space<vmem>>, vector<16xi32>,
      tpu.vector_store %arg17[%swap3A_83], %get3A_82 {strides = array<i32>} : memref<80xi32, #tpu.memory_space<vmem>>, vector<16xi32>,
      %get3A_85 = arith.constant 64 : index
      %get3A_86 = tpu.vector_load %arg8[%get3A_85] {strides = array<i32>} : memref<80xi32, #tpu.memory_space<vmem>>, vector<16xi32>,
      %swap3A_87 = arith.constant 64 : index
      %swap3A_88 = tpu.vector_load %arg17[%swap3A_87] {strides = array<i32>} : memref<80xi32, #tpu.memory_space<vmem>>, vector<16xi32>,
      tpu.vector_store %arg17[%swap3A_87], %get3A_86 {strides = array<i32>} : memref<80xi32, #tpu.memory_space<vmem>>, vector<16xi32>,
      %add3A_89 = arith.constant 2 : i32
      %add3A_90 = arith.addi %mul3A_57, %add3A_89 : i32
      %lt3A_91 = arith.constant 125 : i32
      %lt3A_92 = arith.cmpi slt, %add3A_90, %lt3A_91 : i32
      %convert_element_type3A_93 = arith.extui %lt3A_92 : i1 to i32
      %cond3A_94 = arith.constant 0 : i32
      %cond3A_95 = arith.cmpi ne, %convert_element_type3A_93, %cond3A_94 : i32
      scf.if %cond3A_95 {
        %add3A_113 = arith.constant 2 : i32
        %add3A_114 = arith.addi %mul3A_57, %add3A_113 : i32
        %mul3A_115 = arith.constant 80 : i32
        %mul3A_116 = arith.muli %add3A_114, %mul3A_115 : i32
        %add3A_117 = arith.addi %mul3A_2, %mul3A_116 : i32
        %dma_start3A_118 = tpu.memref_slice %arg3[%add3A_117] : memref<320000xi32, #tpu.memory_space<hbm>> -> memref<80xi32, #tpu.memory_space<hbm>>
        %dma_start3A_119 = tpu.memref_slice %arg3[%add3A_117] : memref<320000xi32, #tpu.memory_space<hbm>> -> memref<80xi32, #tpu.memory_space<hbm>>
        tpu.enqueue_dma source(%dma_start3A_119 : memref<80xi32, #tpu.memory_space<hbm>>) target(%arg10 : memref<80xi32, #tpu.memory_space<vmem>>) target_semaphore(%arg32 : memref<!tpu.dma_semaphore, #tpu.memory_space<semaphore_mem>>)
        %dma_start3A_120 = tpu.memref_slice %arg4[%add3A_117] : memref<320000xi32, #tpu.memory_space<hbm>> -> memref<80xi32, #tpu.memory_space<hbm>>
        %dma_start3A_121 = tpu.memref_slice %arg4[%add3A_117] : memref<320000xi32, #tpu.memory_space<hbm>> -> memref<80xi32, #tpu.memory_space<hbm>>
        tpu.enqueue_dma source(%dma_start3A_121 : memref<80xi32, #tpu.memory_space<hbm>>) target(%arg13 : memref<80xi32, #tpu.memory_space<vmem>>) target_semaphore(%arg32 : memref<!tpu.dma_semaphore, #tpu.memory_space<semaphore_mem>>)
        %dma_start3A_122 = tpu.memref_slice %arg5[%add3A_117] : memref<320000xf32, #tpu.memory_space<hbm>> -> memref<80xf32, #tpu.memory_space<hbm>>
        %dma_start3A_123 = tpu.memref_slice %arg5[%add3A_117] : memref<320000xf32, #tpu.memory_space<hbm>> -> memref<80xf32, #tpu.memory_space<hbm>>
        tpu.enqueue_dma source(%dma_start3A_123 : memref<80xf32, #tpu.memory_space<hbm>>) target(%arg16 : memref<80xf32, #tpu.memory_space<vmem>>) target_semaphore(%arg32 : memref<!tpu.dma_semaphore, #tpu.memory_space<semaphore_mem>>)
      } else {
      }
      %dma_start3A_96 = arith.constant 0 : i32
      %dma_start3A_97 = arith.constant 0 : i32
      %dma_start3A_98 = tpu.memref_slice %arg23[%dma_start3A_96, %dma_start3A_97] : memref<10000x144xf32, #tpu.memory_space<vmem_shared>> -> memref<10000x144xf32, #tpu.memory_space<vmem_shared>>
      tpu.enqueue_indirect_dma source(%arg20 : memref<80x144xf32, #tpu.memory_space<vmem>>) target(%dma_start3A_98 : memref<10000x144xf32, #tpu.memory_space<vmem_shared>>) offsets(%arg17 : memref<80xi32, #tpu.memory_space<vmem>>) semaphore(%arg27 : memref<!tpu.dma_semaphore, #tpu.memory_space<semaphore_mem>>) {add = true}
      %add3A_99 = arith.constant 1 : i32
      %add3A_100 = arith.addi %mul3A_57, %add3A_99 : i32
      %lt3A_101 = arith.constant 125 : i32
      %lt3A_102 = arith.cmpi slt, %add3A_100, %lt3A_101 : i32
      %convert_element_type3A_103 = arith.extui %lt3A_102 : i1 to i32
      %cond3A_104 = arith.constant 0 : i32
      %cond3A_105 = arith.cmpi ne, %convert_element_type3A_103, %cond3A_104 : i32
      scf.if %cond3A_105 {
        %add3A_113 = arith.constant 1 : i32
        %add3A_114 = arith.addi %mul3A_57, %add3A_113 : i32
        %add3A_115 = arith.constant 1 : i32
        %add3A_116 = arith.addi %add3A_114, %add3A_115 : i32
        %lt3A_117 = arith.constant 125 : i32
        %lt3A_118 = arith.cmpi slt, %add3A_116, %lt3A_117 : i32
        %convert_element_type3A_119 = arith.extui %lt3A_118 : i1 to i32
        %cond3A_120 = arith.constant 0 : i32
        %cond3A_121 = arith.cmpi ne, %convert_element_type3A_119, %cond3A_120 : i32
        scf.if %cond3A_121 {
          %dma_wait3A_161 = arith.constant 0 : i32
          %dma_wait3A_162 = tpu.memref_slice %arg3[%dma_wait3A_161] : memref<320000xi32, #tpu.memory_space<hbm>> -> memref<80xi32, #tpu.memory_space<hbm>>
          %dma_wait3A_163 = arith.constant 0 : i32
          %dma_wait3A_164 = tpu.memref_slice %arg3[%dma_wait3A_163] : memref<320000xi32, #tpu.memory_space<hbm>> -> memref<80xi32, #tpu.memory_space<hbm>>
          tpu.wait_dma2 semaphore(%arg32 : memref<!tpu.dma_semaphore, #tpu.memory_space<semaphore_mem>>) src(%dma_wait3A_164 : memref<80xi32, #tpu.memory_space<hbm>>) dst(%arg10 : memref<80xi32, #tpu.memory_space<vmem>>)
          %dma_wait3A_165 = arith.constant 0 : i32
          %dma_wait3A_166 = tpu.memref_slice %arg4[%dma_wait3A_165] : memref<320000xi32, #tpu.memory_space<hbm>> -> memref<80xi32, #tpu.memory_space<hbm>>
          %dma_wait3A_167 = arith.constant 0 : i32
          %dma_wait3A_168 = tpu.memref_slice %arg4[%dma_wait3A_167] : memref<320000xi32, #tpu.memory_space<hbm>> -> memref<80xi32, #tpu.memory_space<hbm>>
          tpu.wait_dma2 semaphore(%arg32 : memref<!tpu.dma_semaphore, #tpu.memory_space<semaphore_mem>>) src(%dma_wait3A_168 : memref<80xi32, #tpu.memory_space<hbm>>) dst(%arg13 : memref<80xi32, #tpu.memory_space<vmem>>)
          %dma_wait3A_169 = arith.constant 0 : i32
          %dma_wait3A_170 = tpu.memref_slice %arg5[%dma_wait3A_169] : memref<320000xf32, #tpu.memory_space<hbm>> -> memref<80xf32, #tpu.memory_space<hbm>>
          %dma_wait3A_171 = arith.constant 0 : i32
          %dma_wait3A_172 = tpu.memref_slice %arg5[%dma_wait3A_171] : memref<320000xf32, #tpu.memory_space<hbm>> -> memref<80xf32, #tpu.memory_space<hbm>>
          tpu.wait_dma2 semaphore(%arg32 : memref<!tpu.dma_semaphore, #tpu.memory_space<semaphore_mem>>) src(%dma_wait3A_172 : memref<80xf32, #tpu.memory_space<hbm>>) dst(%arg16 : memref<80xf32, #tpu.memory_space<vmem>>)
          %ge3A = arith.constant 2 : i32
          %ge3A_173 = arith.cmpi sge, %add3A_114, %ge3A : i32
          %convert_element_type3A_174 = arith.extui %ge3A_173 : i1 to i32
          %cond3A_175 = arith.constant 0 : i32
          %cond3A_176 = arith.cmpi ne, %convert_element_type3A_174, %cond3A_175 : i32
          scf.if %cond3A_176 {
            %dma_wait3A_180 = arith.constant 0 : i32
            %dma_wait3A_181 = arith.constant 0 : i32
            %dma_wait3A_182 = tpu.memref_slice %arg23[%dma_wait3A_180, %dma_wait3A_181] : memref<10000x144xf32, #tpu.memory_space<vmem_shared>> -> memref<10000x144xf32, #tpu.memory_space<vmem_shared>>
            tpu.wait_indirect_dma semaphore(%arg29 : memref<!tpu.dma_semaphore, #tpu.memory_space<semaphore_mem>>) src(%arg22 : memref<80x144xf32, #tpu.memory_space<vmem>>) dst(%dma_wait3A_182 : memref<10000x144xf32, #tpu.memory_space<vmem_shared>>)
          } else {
          }
          %dma_start3A_177 = arith.constant 0 : i32
          %dma_start3A_178 = arith.constant 0 : i32
          %dma_start3A_179 = tpu.memref_slice %arg2[%dma_start3A_177, %dma_start3A_178] : memref<10240x144xf32, #tpu.memory_space<hbm>> -> memref<10240x144xf32, #tpu.memory_space<hbm>>
          tpu.enqueue_indirect_dma source(%dma_start3A_179 : memref<10240x144xf32, #tpu.memory_space<hbm>>) target(%arg22 : memref<80x144xf32, #tpu.memory_space<vmem>>) offsets(%arg13 : memref<80xi32, #tpu.memory_space<vmem>>) semaphore(%arg26 : memref<!tpu.dma_semaphore, #tpu.memory_space<semaphore_mem>>)
        } else {
        }
        %dma_wait3A_122 = arith.constant 0 : i32
        %dma_wait3A_123 = arith.constant 0 : i32
        %dma_wait3A_124 = tpu.memref_slice %arg2[%dma_wait3A_122, %dma_wait3A_123] : memref<10240x144xf32, #tpu.memory_space<hbm>> -> memref<10240x144xf32, #tpu.memory_space<hbm>>
        tpu.wait_indirect_dma semaphore(%arg25 : memref<!tpu.dma_semaphore, #tpu.memory_space<semaphore_mem>>) src(%dma_wait3A_124 : memref<10240x144xf32, #tpu.memory_space<hbm>>) dst(%arg21 : memref<80x144xf32, #tpu.memory_space<vmem>>)
        %scan3A_125 = arith.constant 0 : i32
        %scan3A_126 = arith.constant 0 : i32
        %scan3A_127 = arith.constant 20 : i32
        %scan3A_128 = arith.addi %scan3A_126, %scan3A_127 : i32
        %scan3A_129 = arith.constant 1 : i32
        scf.for %scan3A_161 = %scan3A_126 to %scan3A_128 step %scan3A_129  : i32 {
          %mul3A_162 = arith.constant 4 : i32
          %mul3A_163 = arith.muli %scan3A_161, %mul3A_162 : i32
          %add3A_164 = arith.constant 0 : i32
          %add3A_165 = arith.addi %mul3A_163, %add3A_164 : i32
          %broadcast_in_dim3A = arith.constant 0 : i32
          %broadcast_in_dim3A_166 = vector.broadcast %broadcast_in_dim3A : i32 to vector<16xi32>
          %add3A_167 = vector.broadcast %add3A_165 : i32 to vector<16xi32>
          %add3A_168 = arith.addi %broadcast_in_dim3A_166, %add3A_167 : vector<16xi32>
          %gather3A = tpu.vector_load_idx %arg15[%add3A_168] : memref<80xf32, #tpu.memory_space<vmem>>[vector<16xi32>], vector<16xf32>,
          %get3A_169 = arith.index_cast %add3A_165 : i32 to index
          %get3A_170 = arith.constant 0 : index
          %get3A_171 = tpu.vector_load %arg21[%get3A_169, %get3A_170] {strides = array<i32>} : memref<80x144xf32, #tpu.memory_space<vmem>>, vector<16xf32>,
          %mul3A_172 = arith.mulf %get3A_171, %gather3A : vector<16xf32>
          %swap3A_173 = arith.index_cast %add3A_165 : i32 to index
          %swap3A_174 = arith.constant 0 : index
          %swap3A_175 = tpu.vector_load %arg21[%swap3A_173, %swap3A_174] {strides = array<i32>} : memref<80x144xf32, #tpu.memory_space<vmem>>, vector<16xf32>,
          tpu.vector_store %arg21[%swap3A_173, %swap3A_174], %mul3A_172 {strides = array<i32>} : memref<80x144xf32, #tpu.memory_space<vmem>>, vector<16xf32>,
          %get3A_176 = arith.index_cast %add3A_165 : i32 to index
          %get3A_177 = arith.constant 16 : index
          %get3A_178 = tpu.vector_load %arg21[%get3A_176, %get3A_177] {strides = array<i32>} : memref<80x144xf32, #tpu.memory_space<vmem>>, vector<16xf32>,
          %mul3A_179 = arith.mulf %get3A_178, %gather3A : vector<16xf32>
          %swap3A_180 = arith.index_cast %add3A_165 : i32 to index
          %swap3A_181 = arith.constant 16 : index
          %swap3A_182 = tpu.vector_load %arg21[%swap3A_180, %swap3A_181] {strides = array<i32>} : memref<80x144xf32, #tpu.memory_space<vmem>>, vector<16xf32>,
          tpu.vector_store %arg21[%swap3A_180, %swap3A_181], %mul3A_179 {strides = array<i32>} : memref<80x144xf32, #tpu.memory_space<vmem>>, vector<16xf32>,
          %get3A_183 = arith.index_cast %add3A_165 : i32 to index
          %get3A_184 = arith.constant 32 : index
          %get3A_185 = tpu.vector_load %arg21[%get3A_183, %get3A_184] {strides = array<i32>} : memref<80x144xf32, #tpu.memory_space<vmem>>, vector<16xf32>,
          %mul3A_186 = arith.mulf %get3A_185, %gather3A : vector<16xf32>
          %swap3A_187 = arith.index_cast %add3A_165 : i32 to index
          %swap3A_188 = arith.constant 32 : index
          %swap3A_189 = tpu.vector_load %arg21[%swap3A_187, %swap3A_188] {strides = array<i32>} : memref<80x144xf32, #tpu.memory_space<vmem>>, vector<16xf32>,
          tpu.vector_store %arg21[%swap3A_187, %swap3A_188], %mul3A_186 {strides = array<i32>} : memref<80x144xf32, #tpu.memory_space<vmem>>, vector<16xf32>,
          %get3A_190 = arith.index_cast %add3A_165 : i32 to index
          %get3A_191 = arith.constant 48 : index
          %get3A_192 = tpu.vector_load %arg21[%get3A_190, %get3A_191] {strides = array<i32>} : memref<80x144xf32, #tpu.memory_space<vmem>>, vector<16xf32>,
          %mul3A_193 = arith.mulf %get3A_192, %gather3A : vector<16xf32>
          %swap3A_194 = arith.index_cast %add3A_165 : i32 to index
          %swap3A_195 = arith.constant 48 : index
          %swap3A_196 = tpu.vector_load %arg21[%swap3A_194, %swap3A_195] {strides = array<i32>} : memref<80x144xf32, #tpu.memory_space<vmem>>, vector<16xf32>,
          tpu.vector_store %arg21[%swap3A_194, %swap3A_195], %mul3A_193 {strides = array<i32>} : memref<80x144xf32, #tpu.memory_space<vmem>>, vector<16xf32>,
          %get3A_197 = arith.index_cast %add3A_165 : i32 to index
          %get3A_198 = arith.constant 64 : index
          %get3A_199 = tpu.vector_load %arg21[%get3A_197, %get3A_198] {strides = array<i32>} : memref<80x144xf32, #tpu.memory_space<vmem>>, vector<16xf32>,
          %mul3A_200 = arith.mulf %get3A_199, %gather3A : vector<16xf32>
          %swap3A_201 = arith.index_cast %add3A_165 : i32 to index
          %swap3A_202 = arith.constant 64 : index
          %swap3A_203 = tpu.vector_load %arg21[%swap3A_201, %swap3A_202] {strides = array<i32>} : memref<80x144xf32, #tpu.memory_space<vmem>>, vector<16xf32>,
          tpu.vector_store %arg21[%swap3A_201, %swap3A_202], %mul3A_200 {strides = array<i32>} : memref<80x144xf32, #tpu.memory_space<vmem>>, vector<16xf32>,
          %get3A_204 = arith.index_cast %add3A_165 : i32 to index
          %get3A_205 = arith.constant 80 : index
          %get3A_206 = tpu.vector_load %arg21[%get3A_204, %get3A_205] {strides = array<i32>} : memref<80x144xf32, #tpu.memory_space<vmem>>, vector<16xf32>,
          %mul3A_207 = arith.mulf %get3A_206, %gather3A : vector<16xf32>
          %swap3A_208 = arith.index_cast %add3A_165 : i32 to index
          %swap3A_209 = arith.constant 80 : index
          %swap3A_210 = tpu.vector_load %arg21[%swap3A_208, %swap3A_209] {strides = array<i32>} : memref<80x144xf32, #tpu.memory_space<vmem>>, vector<16xf32>,
          tpu.vector_store %arg21[%swap3A_208, %swap3A_209], %mul3A_207 {strides = array<i32>} : memref<80x144xf32, #tpu.memory_space<vmem>>, vector<16xf32>,
          %get3A_211 = arith.index_cast %add3A_165 : i32 to index
          %get3A_212 = arith.constant 96 : index
          %get3A_213 = tpu.vector_load %arg21[%get3A_211, %get3A_212] {strides = array<i32>} : memref<80x144xf32, #tpu.memory_space<vmem>>, vector<16xf32>,
          %mul3A_214 = arith.mulf %get3A_213, %gather3A : vector<16xf32>
          %swap3A_215 = arith.index_cast %add3A_165 : i32 to index
          %swap3A_216 = arith.constant 96 : index
          %swap3A_217 = tpu.vector_load %arg21[%swap3A_215, %swap3A_216] {strides = array<i32>} : memref<80x144xf32, #tpu.memory_space<vmem>>, vector<16xf32>,
          tpu.vector_store %arg21[%swap3A_215, %swap3A_216], %mul3A_214 {strides = array<i32>} : memref<80x144xf32, #tpu.memory_space<vmem>>, vector<16xf32>,
          %get3A_218 = arith.index_cast %add3A_165 : i32 to index
          %get3A_219 = arith.constant 112 : index
          %get3A_220 = tpu.vector_load %arg21[%get3A_218, %get3A_219] {strides = array<i32>} : memref<80x144xf32, #tpu.memory_space<vmem>>, vector<16xf32>,
          %mul3A_221 = arith.mulf %get3A_220, %gather3A : vector<16xf32>
          %swap3A_222 = arith.index_cast %add3A_165 : i32 to index
          %swap3A_223 = arith.constant 112 : index
          %swap3A_224 = tpu.vector_load %arg21[%swap3A_222, %swap3A_223] {strides = array<i32>} : memref<80x144xf32, #tpu.memory_space<vmem>>, vector<16xf32>,
          tpu.vector_store %arg21[%swap3A_222, %swap3A_223], %mul3A_221 {strides = array<i32>} : memref<80x144xf32, #tpu.memory_space<vmem>>, vector<16xf32>,
          %get3A_225 = arith.index_cast %add3A_165 : i32 to index
          %get3A_226 = arith.constant 128 : index
          %get3A_227 = tpu.vector_load %arg21[%get3A_225, %get3A_226] {strides = array<i32>} : memref<80x144xf32, #tpu.memory_space<vmem>>, vector<16xf32>,
          %mul3A_228 = arith.mulf %get3A_227, %gather3A : vector<16xf32>
          %swap3A_229 = arith.index_cast %add3A_165 : i32 to index
          %swap3A_230 = arith.constant 128 : index
          %swap3A_231 = tpu.vector_load %arg21[%swap3A_229, %swap3A_230] {strides = array<i32>} : memref<80x144xf32, #tpu.memory_space<vmem>>, vector<16xf32>,
          tpu.vector_store %arg21[%swap3A_229, %swap3A_230], %mul3A_228 {strides = array<i32>} : memref<80x144xf32, #tpu.memory_space<vmem>>, vector<16xf32>,
          %mul3A_232 = arith.constant 4 : i32
          %mul3A_233 = arith.muli %scan3A_161, %mul3A_232 : i32
          %add3A_234 = arith.constant 1 : i32
          %add3A_235 = arith.addi %mul3A_233, %add3A_234 : i32
          %broadcast_in_dim3A_236 = arith.constant 0 : i32
          %broadcast_in_dim3A_237 = vector.broadcast %broadcast_in_dim3A_236 : i32 to vector<16xi32>
          %add3A_238 = vector.broadcast %add3A_235 : i32 to vector<16xi32>
          %add3A_239 = arith.addi %broadcast_in_dim3A_237, %add3A_238 : vector<16xi32>
          %gather3A_240 = tpu.vector_load_idx %arg15[%add3A_239] : memref<80xf32, #tpu.memory_space<vmem>>[vector<16xi32>], vector<16xf32>,
          %get3A_241 = arith.index_cast %add3A_235 : i32 to index
          %get3A_242 = arith.constant 0 : index
          %get3A_243 = tpu.vector_load %arg21[%get3A_241, %get3A_242] {strides = array<i32>} : memref<80x144xf32, #tpu.memory_space<vmem>>, vector<16xf32>,
          %mul3A_244 = arith.mulf %get3A_243, %gather3A_240 : vector<16xf32>
          %swap3A_245 = arith.index_cast %add3A_235 : i32 to index
          %swap3A_246 = arith.constant 0 : index
          %swap3A_247 = tpu.vector_load %arg21[%swap3A_245, %swap3A_246] {strides = array<i32>} : memref<80x144xf32, #tpu.memory_space<vmem>>, vector<16xf32>,
          tpu.vector_store %arg21[%swap3A_245, %swap3A_246], %mul3A_244 {strides = array<i32>} : memref<80x144xf32, #tpu.memory_space<vmem>>, vector<16xf32>,
          %get3A_248 = arith.index_cast %add3A_235 : i32 to index
          %get3A_249 = arith.constant 16 : index
          %get3A_250 = tpu.vector_load %arg21[%get3A_248, %get3A_249] {strides = array<i32>} : memref<80x144xf32, #tpu.memory_space<vmem>>, vector<16xf32>,
          %mul3A_251 = arith.mulf %get3A_250, %gather3A_240 : vector<16xf32>
          %swap3A_252 = arith.index_cast %add3A_235 : i32 to index
          %swap3A_253 = arith.constant 16 : index
          %swap3A_254 = tpu.vector_load %arg21[%swap3A_252, %swap3A_253] {strides = array<i32>} : memref<80x144xf32, #tpu.memory_space<vmem>>, vector<16xf32>,
          tpu.vector_store %arg21[%swap3A_252, %swap3A_253], %mul3A_251 {strides = array<i32>} : memref<80x144xf32, #tpu.memory_space<vmem>>, vector<16xf32>,
          %get3A_255 = arith.index_cast %add3A_235 : i32 to index
          %get3A_256 = arith.constant 32 : index
          %get3A_257 = tpu.vector_load %arg21[%get3A_255, %get3A_256] {strides = array<i32>} : memref<80x144xf32, #tpu.memory_space<vmem>>, vector<16xf32>,
          %mul3A_258 = arith.mulf %get3A_257, %gather3A_240 : vector<16xf32>
          %swap3A_259 = arith.index_cast %add3A_235 : i32 to index
          %swap3A_260 = arith.constant 32 : index
          %swap3A_261 = tpu.vector_load %arg21[%swap3A_259, %swap3A_260] {strides = array<i32>} : memref<80x144xf32, #tpu.memory_space<vmem>>, vector<16xf32>,
          tpu.vector_store %arg21[%swap3A_259, %swap3A_260], %mul3A_258 {strides = array<i32>} : memref<80x144xf32, #tpu.memory_space<vmem>>, vector<16xf32>,
          %get3A_262 = arith.index_cast %add3A_235 : i32 to index
          %get3A_263 = arith.constant 48 : index
          %get3A_264 = tpu.vector_load %arg21[%get3A_262, %get3A_263] {strides = array<i32>} : memref<80x144xf32, #tpu.memory_space<vmem>>, vector<16xf32>,
          %mul3A_265 = arith.mulf %get3A_264, %gather3A_240 : vector<16xf32>
          %swap3A_266 = arith.index_cast %add3A_235 : i32 to index
          %swap3A_267 = arith.constant 48 : index
          %swap3A_268 = tpu.vector_load %arg21[%swap3A_266, %swap3A_267] {strides = array<i32>} : memref<80x144xf32, #tpu.memory_space<vmem>>, vector<16xf32>,
          tpu.vector_store %arg21[%swap3A_266, %swap3A_267], %mul3A_265 {strides = array<i32>} : memref<80x144xf32, #tpu.memory_space<vmem>>, vector<16xf32>,
          %get3A_269 = arith.index_cast %add3A_235 : i32 to index
          %get3A_270 = arith.constant 64 : index
          %get3A_271 = tpu.vector_load %arg21[%get3A_269, %get3A_270] {strides = array<i32>} : memref<80x144xf32, #tpu.memory_space<vmem>>, vector<16xf32>,
          %mul3A_272 = arith.mulf %get3A_271, %gather3A_240 : vector<16xf32>
          %swap3A_273 = arith.index_cast %add3A_235 : i32 to index
          %swap3A_274 = arith.constant 64 : index
          %swap3A_275 = tpu.vector_load %arg21[%swap3A_273, %swap3A_274] {strides = array<i32>} : memref<80x144xf32, #tpu.memory_space<vmem>>, vector<16xf32>,
          tpu.vector_store %arg21[%swap3A_273, %swap3A_274], %mul3A_272 {strides = array<i32>} : memref<80x144xf32, #tpu.memory_space<vmem>>, vector<16xf32>,
          %get3A_276 = arith.index_cast %add3A_235 : i32 to index
          %get3A_277 = arith.constant 80 : index
          %get3A_278 = tpu.vector_load %arg21[%get3A_276, %get3A_277] {strides = array<i32>} : memref<80x144xf32, #tpu.memory_space<vmem>>, vector<16xf32>,
          %mul3A_279 = arith.mulf %get3A_278, %gather3A_240 : vector<16xf32>
          %swap3A_280 = arith.index_cast %add3A_235 : i32 to index
          %swap3A_281 = arith.constant 80 : index
          %swap3A_282 = tpu.vector_load %arg21[%swap3A_280, %swap3A_281] {strides = array<i32>} : memref<80x144xf32, #tpu.memory_space<vmem>>, vector<16xf32>,
          tpu.vector_store %arg21[%swap3A_280, %swap3A_281], %mul3A_279 {strides = array<i32>} : memref<80x144xf32, #tpu.memory_space<vmem>>, vector<16xf32>,
          %get3A_283 = arith.index_cast %add3A_235 : i32 to index
          %get3A_284 = arith.constant 96 : index
          %get3A_285 = tpu.vector_load %arg21[%get3A_283, %get3A_284] {strides = array<i32>} : memref<80x144xf32, #tpu.memory_space<vmem>>, vector<16xf32>,
          %mul3A_286 = arith.mulf %get3A_285, %gather3A_240 : vector<16xf32>
          %swap3A_287 = arith.index_cast %add3A_235 : i32 to index
          %swap3A_288 = arith.constant 96 : index
          %swap3A_289 = tpu.vector_load %arg21[%swap3A_287, %swap3A_288] {strides = array<i32>} : memref<80x144xf32, #tpu.memory_space<vmem>>, vector<16xf32>,
          tpu.vector_store %arg21[%swap3A_287, %swap3A_288], %mul3A_286 {strides = array<i32>} : memref<80x144xf32, #tpu.memory_space<vmem>>, vector<16xf32>,
          %get3A_290 = arith.index_cast %add3A_235 : i32 to index
          %get3A_291 = arith.constant 112 : index
          %get3A_292 = tpu.vector_load %arg21[%get3A_290, %get3A_291] {strides = array<i32>} : memref<80x144xf32, #tpu.memory_space<vmem>>, vector<16xf32>,
          %mul3A_293 = arith.mulf %get3A_292, %gather3A_240 : vector<16xf32>
          %swap3A_294 = arith.index_cast %add3A_235 : i32 to index
          %swap3A_295 = arith.constant 112 : index
          %swap3A_296 = tpu.vector_load %arg21[%swap3A_294, %swap3A_295] {strides = array<i32>} : memref<80x144xf32, #tpu.memory_space<vmem>>, vector<16xf32>,
          tpu.vector_store %arg21[%swap3A_294, %swap3A_295], %mul3A_293 {strides = array<i32>} : memref<80x144xf32, #tpu.memory_space<vmem>>, vector<16xf32>,
          %get3A_297 = arith.index_cast %add3A_235 : i32 to index
          %get3A_298 = arith.constant 128 : index
          %get3A_299 = tpu.vector_load %arg21[%get3A_297, %get3A_298] {strides = array<i32>} : memref<80x144xf32, #tpu.memory_space<vmem>>, vector<16xf32>,
          %mul3A_300 = arith.mulf %get3A_299, %gather3A_240 : vector<16xf32>
          %swap3A_301 = arith.index_cast %add3A_235 : i32 to index
          %swap3A_302 = arith.constant 128 : index
          %swap3A_303 = tpu.vector_load %arg21[%swap3A_301, %swap3A_302] {strides = array<i32>} : memref<80x144xf32, #tpu.memory_space<vmem>>, vector<16xf32>,
          tpu.vector_store %arg21[%swap3A_301, %swap3A_302], %mul3A_300 {strides = array<i32>} : memref<80x144xf32, #tpu.memory_space<vmem>>, vector<16xf32>,
          %mul3A_304 = arith.constant 4 : i32
          %mul3A_305 = arith.muli %scan3A_161, %mul3A_304 : i32
          %add3A_306 = arith.constant 2 : i32
          %add3A_307 = arith.addi %mul3A_305, %add3A_306 : i32
          %broadcast_in_dim3A_308 = arith.constant 0 : i32
          %broadcast_in_dim3A_309 = vector.broadcast %broadcast_in_dim3A_308 : i32 to vector<16xi32>
          %add3A_310 = vector.broadcast %add3A_307 : i32 to vector<16xi32>
          %add3A_311 = arith.addi %broadcast_in_dim3A_309, %add3A_310 : vector<16xi32>
          %gather3A_312 = tpu.vector_load_idx %arg15[%add3A_311] : memref<80xf32, #tpu.memory_space<vmem>>[vector<16xi32>], vector<16xf32>,
          %get3A_313 = arith.index_cast %add3A_307 : i32 to index
          %get3A_314 = arith.constant 0 : index
          %get3A_315 = tpu.vector_load %arg21[%get3A_313, %get3A_314] {strides = array<i32>} : memref<80x144xf32, #tpu.memory_space<vmem>>, vector<16xf32>,
          %mul3A_316 = arith.mulf %get3A_315, %gather3A_312 : vector<16xf32>
          %swap3A_317 = arith.index_cast %add3A_307 : i32 to index
          %swap3A_318 = arith.constant 0 : index
          %swap3A_319 = tpu.vector_load %arg21[%swap3A_317, %swap3A_318] {strides = array<i32>} : memref<80x144xf32, #tpu.memory_space<vmem>>, vector<16xf32>,
          tpu.vector_store %arg21[%swap3A_317, %swap3A_318], %mul3A_316 {strides = array<i32>} : memref<80x144xf32, #tpu.memory_space<vmem>>, vector<16xf32>,
          %get3A_320 = arith.index_cast %add3A_307 : i32 to index
          %get3A_321 = arith.constant 16 : index
          %get3A_322 = tpu.vector_load %arg21[%get3A_320, %get3A_321] {strides = array<i32>} : memref<80x144xf32, #tpu.memory_space<vmem>>, vector<16xf32>,
          %mul3A_323 = arith.mulf %get3A_322, %gather3A_312 : vector<16xf32>
          %swap3A_324 = arith.index_cast %add3A_307 : i32 to index
          %swap3A_325 = arith.constant 16 : index
          %swap3A_326 = tpu.vector_load %arg21[%swap3A_324, %swap3A_325] {strides = array<i32>} : memref<80x144xf32, #tpu.memory_space<vmem>>, vector<16xf32>,
          tpu.vector_store %arg21[%swap3A_324, %swap3A_325], %mul3A_323 {strides = array<i32>} : memref<80x144xf32, #tpu.memory_space<vmem>>, vector<16xf32>,
          %get3A_327 = arith.index_cast %add3A_307 : i32 to index
          %get3A_328 = arith.constant 32 : index
          %get3A_329 = tpu.vector_load %arg21[%get3A_327, %get3A_328] {strides = array<i32>} : memref<80x144xf32, #tpu.memory_space<vmem>>, vector<16xf32>,
          %mul3A_330 = arith.mulf %get3A_329, %gather3A_312 : vector<16xf32>
          %swap3A_331 = arith.index_cast %add3A_307 : i32 to index
          %swap3A_332 = arith.constant 32 : index
          %swap3A_333 = tpu.vector_load %arg21[%swap3A_331, %swap3A_332] {strides = array<i32>} : memref<80x144xf32, #tpu.memory_space<vmem>>, vector<16xf32>,
          tpu.vector_store %arg21[%swap3A_331, %swap3A_332], %mul3A_330 {strides = array<i32>} : memref<80x144xf32, #tpu.memory_space<vmem>>, vector<16xf32>,
          %get3A_334 = arith.index_cast %add3A_307 : i32 to index
          %get3A_335 = arith.constant 48 : index
          %get3A_336 = tpu.vector_load %arg21[%get3A_334, %get3A_335] {strides = array<i32>} : memref<80x144xf32, #tpu.memory_space<vmem>>, vector<16xf32>,
          %mul3A_337 = arith.mulf %get3A_336, %gather3A_312 : vector<16xf32>
          %swap3A_338 = arith.index_cast %add3A_307 : i32 to index
          %swap3A_339 = arith.constant 48 : index
          %swap3A_340 = tpu.vector_load %arg21[%swap3A_338, %swap3A_339] {strides = array<i32>} : memref<80x144xf32, #tpu.memory_space<vmem>>, vector<16xf32>,
          tpu.vector_store %arg21[%swap3A_338, %swap3A_339], %mul3A_337 {strides = array<i32>} : memref<80x144xf32, #tpu.memory_space<vmem>>, vector<16xf32>,
          %get3A_341 = arith.index_cast %add3A_307 : i32 to index
          %get3A_342 = arith.constant 64 : index
          %get3A_343 = tpu.vector_load %arg21[%get3A_341, %get3A_342] {strides = array<i32>} : memref<80x144xf32, #tpu.memory_space<vmem>>, vector<16xf32>,
          %mul3A_344 = arith.mulf %get3A_343, %gather3A_312 : vector<16xf32>
          %swap3A_345 = arith.index_cast %add3A_307 : i32 to index
          %swap3A_346 = arith.constant 64 : index
          %swap3A_347 = tpu.vector_load %arg21[%swap3A_345, %swap3A_346] {strides = array<i32>} : memref<80x144xf32, #tpu.memory_space<vmem>>, vector<16xf32>,
          tpu.vector_store %arg21[%swap3A_345, %swap3A_346], %mul3A_344 {strides = array<i32>} : memref<80x144xf32, #tpu.memory_space<vmem>>, vector<16xf32>,
          %get3A_348 = arith.index_cast %add3A_307 : i32 to index
          %get3A_349 = arith.constant 80 : index
          %get3A_350 = tpu.vector_load %arg21[%get3A_348, %get3A_349] {strides = array<i32>} : memref<80x144xf32, #tpu.memory_space<vmem>>, vector<16xf32>,
          %mul3A_351 = arith.mulf %get3A_350, %gather3A_312 : vector<16xf32>
          %swap3A_352 = arith.index_cast %add3A_307 : i32 to index
          %swap3A_353 = arith.constant 80 : index
          %swap3A_354 = tpu.vector_load %arg21[%swap3A_352, %swap3A_353] {strides = array<i32>} : memref<80x144xf32, #tpu.memory_space<vmem>>, vector<16xf32>,
          tpu.vector_store %arg21[%swap3A_352, %swap3A_353], %mul3A_351 {strides = array<i32>} : memref<80x144xf32, #tpu.memory_space<vmem>>, vector<16xf32>,
          %get3A_355 = arith.index_cast %add3A_307 : i32 to index
          %get3A_356 = arith.constant 96 : index
          %get3A_357 = tpu.vector_load %arg21[%get3A_355, %get3A_356] {strides = array<i32>} : memref<80x144xf32, #tpu.memory_space<vmem>>, vector<16xf32>,
          %mul3A_358 = arith.mulf %get3A_357, %gather3A_312 : vector<16xf32>
          %swap3A_359 = arith.index_cast %add3A_307 : i32 to index
          %swap3A_360 = arith.constant 96 : index
          %swap3A_361 = tpu.vector_load %arg21[%swap3A_359, %swap3A_360] {strides = array<i32>} : memref<80x144xf32, #tpu.memory_space<vmem>>, vector<16xf32>,
          tpu.vector_store %arg21[%swap3A_359, %swap3A_360], %mul3A_358 {strides = array<i32>} : memref<80x144xf32, #tpu.memory_space<vmem>>, vector<16xf32>,
          %get3A_362 = arith.index_cast %add3A_307 : i32 to index
          %get3A_363 = arith.constant 112 : index
          %get3A_364 = tpu.vector_load %arg21[%get3A_362, %get3A_363] {strides = array<i32>} : memref<80x144xf32, #tpu.memory_space<vmem>>, vector<16xf32>,
          %mul3A_365 = arith.mulf %get3A_364, %gather3A_312 : vector<16xf32>
          %swap3A_366 = arith.index_cast %add3A_307 : i32 to index
          %swap3A_367 = arith.constant 112 : index
          %swap3A_368 = tpu.vector_load %arg21[%swap3A_366, %swap3A_367] {strides = array<i32>} : memref<80x144xf32, #tpu.memory_space<vmem>>, vector<16xf32>,
          tpu.vector_store %arg21[%swap3A_366, %swap3A_367], %mul3A_365 {strides = array<i32>} : memref<80x144xf32, #tpu.memory_space<vmem>>, vector<16xf32>,
          %get3A_369 = arith.index_cast %add3A_307 : i32 to index
          %get3A_370 = arith.constant 128 : index
          %get3A_371 = tpu.vector_load %arg21[%get3A_369, %get3A_370] {strides = array<i32>} : memref<80x144xf32, #tpu.memory_space<vmem>>, vector<16xf32>,
          %mul3A_372 = arith.mulf %get3A_371, %gather3A_312 : vector<16xf32>
          %swap3A_373 = arith.index_cast %add3A_307 : i32 to index
          %swap3A_374 = arith.constant 128 : index
          %swap3A_375 = tpu.vector_load %arg21[%swap3A_373, %swap3A_374] {strides = array<i32>} : memref<80x144xf32, #tpu.memory_space<vmem>>, vector<16xf32>,
          tpu.vector_store %arg21[%swap3A_373, %swap3A_374], %mul3A_372 {strides = array<i32>} : memref<80x144xf32, #tpu.memory_space<vmem>>, vector<16xf32>,
          %mul3A_376 = arith.constant 4 : i32
          %mul3A_377 = arith.muli %scan3A_161, %mul3A_376 : i32
          %add3A_378 = arith.constant 3 : i32
          %add3A_379 = arith.addi %mul3A_377, %add3A_378 : i32
          %broadcast_in_dim3A_380 = arith.constant 0 : i32
          %broadcast_in_dim3A_381 = vector.broadcast %broadcast_in_dim3A_380 : i32 to vector<16xi32>
          %add3A_382 = vector.broadcast %add3A_379 : i32 to vector<16xi32>
          %add3A_383 = arith.addi %broadcast_in_dim3A_381, %add3A_382 : vector<16xi32>
          %gather3A_384 = tpu.vector_load_idx %arg15[%add3A_383] : memref<80xf32, #tpu.memory_space<vmem>>[vector<16xi32>], vector<16xf32>,
          %get3A_385 = arith.index_cast %add3A_379 : i32 to index
          %get3A_386 = arith.constant 0 : index
          %get3A_387 = tpu.vector_load %arg21[%get3A_385, %get3A_386] {strides = array<i32>} : memref<80x144xf32, #tpu.memory_space<vmem>>, vector<16xf32>,
          %mul3A_388 = arith.mulf %get3A_387, %gather3A_384 : vector<16xf32>
          %swap3A_389 = arith.index_cast %add3A_379 : i32 to index
          %swap3A_390 = arith.constant 0 : index
          %swap3A_391 = tpu.vector_load %arg21[%swap3A_389, %swap3A_390] {strides = array<i32>} : memref<80x144xf32, #tpu.memory_space<vmem>>, vector<16xf32>,
          tpu.vector_store %arg21[%swap3A_389, %swap3A_390], %mul3A_388 {strides = array<i32>} : memref<80x144xf32, #tpu.memory_space<vmem>>, vector<16xf32>,
          %get3A_392 = arith.index_cast %add3A_379 : i32 to index
          %get3A_393 = arith.constant 16 : index
          %get3A_394 = tpu.vector_load %arg21[%get3A_392, %get3A_393] {strides = array<i32>} : memref<80x144xf32, #tpu.memory_space<vmem>>, vector<16xf32>,
          %mul3A_395 = arith.mulf %get3A_394, %gather3A_384 : vector<16xf32>
          %swap3A_396 = arith.index_cast %add3A_379 : i32 to index
          %swap3A_397 = arith.constant 16 : index
          %swap3A_398 = tpu.vector_load %arg21[%swap3A_396, %swap3A_397] {strides = array<i32>} : memref<80x144xf32, #tpu.memory_space<vmem>>, vector<16xf32>,
          tpu.vector_store %arg21[%swap3A_396, %swap3A_397], %mul3A_395 {strides = array<i32>} : memref<80x144xf32, #tpu.memory_space<vmem>>, vector<16xf32>,
          %get3A_399 = arith.index_cast %add3A_379 : i32 to index
          %get3A_400 = arith.constant 32 : index
          %get3A_401 = tpu.vector_load %arg21[%get3A_399, %get3A_400] {strides = array<i32>} : memref<80x144xf32, #tpu.memory_space<vmem>>, vector<16xf32>,
          %mul3A_402 = arith.mulf %get3A_401, %gather3A_384 : vector<16xf32>
          %swap3A_403 = arith.index_cast %add3A_379 : i32 to index
          %swap3A_404 = arith.constant 32 : index
          %swap3A_405 = tpu.vector_load %arg21[%swap3A_403, %swap3A_404] {strides = array<i32>} : memref<80x144xf32, #tpu.memory_space<vmem>>, vector<16xf32>,
          tpu.vector_store %arg21[%swap3A_403, %swap3A_404], %mul3A_402 {strides = array<i32>} : memref<80x144xf32, #tpu.memory_space<vmem>>, vector<16xf32>,
          %get3A_406 = arith.index_cast %add3A_379 : i32 to index
          %get3A_407 = arith.constant 48 : index
          %get3A_408 = tpu.vector_load %arg21[%get3A_406, %get3A_407] {strides = array<i32>} : memref<80x144xf32, #tpu.memory_space<vmem>>, vector<16xf32>,
          %mul3A_409 = arith.mulf %get3A_408, %gather3A_384 : vector<16xf32>
          %swap3A_410 = arith.index_cast %add3A_379 : i32 to index
          %swap3A_411 = arith.constant 48 : index
          %swap3A_412 = tpu.vector_load %arg21[%swap3A_410, %swap3A_411] {strides = array<i32>} : memref<80x144xf32, #tpu.memory_space<vmem>>, vector<16xf32>,
          tpu.vector_store %arg21[%swap3A_410, %swap3A_411], %mul3A_409 {strides = array<i32>} : memref<80x144xf32, #tpu.memory_space<vmem>>, vector<16xf32>,
          %get3A_413 = arith.index_cast %add3A_379 : i32 to index
          %get3A_414 = arith.constant 64 : index
          %get3A_415 = tpu.vector_load %arg21[%get3A_413, %get3A_414] {strides = array<i32>} : memref<80x144xf32, #tpu.memory_space<vmem>>, vector<16xf32>,
          %mul3A_416 = arith.mulf %get3A_415, %gather3A_384 : vector<16xf32>
          %swap3A_417 = arith.index_cast %add3A_379 : i32 to index
          %swap3A_418 = arith.constant 64 : index
          %swap3A_419 = tpu.vector_load %arg21[%swap3A_417, %swap3A_418] {strides = array<i32>} : memref<80x144xf32, #tpu.memory_space<vmem>>, vector<16xf32>,
          tpu.vector_store %arg21[%swap3A_417, %swap3A_418], %mul3A_416 {strides = array<i32>} : memref<80x144xf32, #tpu.memory_space<vmem>>, vector<16xf32>,
          %get3A_420 = arith.index_cast %add3A_379 : i32 to index
          %get3A_421 = arith.constant 80 : index
          %get3A_422 = tpu.vector_load %arg21[%get3A_420, %get3A_421] {strides = array<i32>} : memref<80x144xf32, #tpu.memory_space<vmem>>, vector<16xf32>,
          %mul3A_423 = arith.mulf %get3A_422, %gather3A_384 : vector<16xf32>
          %swap3A_424 = arith.index_cast %add3A_379 : i32 to index
          %swap3A_425 = arith.constant 80 : index
          %swap3A_426 = tpu.vector_load %arg21[%swap3A_424, %swap3A_425] {strides = array<i32>} : memref<80x144xf32, #tpu.memory_space<vmem>>, vector<16xf32>,
          tpu.vector_store %arg21[%swap3A_424, %swap3A_425], %mul3A_423 {strides = array<i32>} : memref<80x144xf32, #tpu.memory_space<vmem>>, vector<16xf32>,
          %get3A_427 = arith.index_cast %add3A_379 : i32 to index
          %get3A_428 = arith.constant 96 : index
          %get3A_429 = tpu.vector_load %arg21[%get3A_427, %get3A_428] {strides = array<i32>} : memref<80x144xf32, #tpu.memory_space<vmem>>, vector<16xf32>,
          %mul3A_430 = arith.mulf %get3A_429, %gather3A_384 : vector<16xf32>
          %swap3A_431 = arith.index_cast %add3A_379 : i32 to index
          %swap3A_432 = arith.constant 96 : index
          %swap3A_433 = tpu.vector_load %arg21[%swap3A_431, %swap3A_432] {strides = array<i32>} : memref<80x144xf32, #tpu.memory_space<vmem>>, vector<16xf32>,
          tpu.vector_store %arg21[%swap3A_431, %swap3A_432], %mul3A_430 {strides = array<i32>} : memref<80x144xf32, #tpu.memory_space<vmem>>, vector<16xf32>,
          %get3A_434 = arith.index_cast %add3A_379 : i32 to index
          %get3A_435 = arith.constant 112 : index
          %get3A_436 = tpu.vector_load %arg21[%get3A_434, %get3A_435] {strides = array<i32>} : memref<80x144xf32, #tpu.memory_space<vmem>>, vector<16xf32>,
          %mul3A_437 = arith.mulf %get3A_436, %gather3A_384 : vector<16xf32>
          %swap3A_438 = arith.index_cast %add3A_379 : i32 to index
          %swap3A_439 = arith.constant 112 : index
          %swap3A_440 = tpu.vector_load %arg21[%swap3A_438, %swap3A_439] {strides = array<i32>} : memref<80x144xf32, #tpu.memory_space<vmem>>, vector<16xf32>,
          tpu.vector_store %arg21[%swap3A_438, %swap3A_439], %mul3A_437 {strides = array<i32>} : memref<80x144xf32, #tpu.memory_space<vmem>>, vector<16xf32>,
          %get3A_441 = arith.index_cast %add3A_379 : i32 to index
          %get3A_442 = arith.constant 128 : index
          %get3A_443 = tpu.vector_load %arg21[%get3A_441, %get3A_442] {strides = array<i32>} : memref<80x144xf32, #tpu.memory_space<vmem>>, vector<16xf32>,
          %mul3A_444 = arith.mulf %get3A_443, %gather3A_384 : vector<16xf32>
          %swap3A_445 = arith.index_cast %add3A_379 : i32 to index
          %swap3A_446 = arith.constant 128 : index
          %swap3A_447 = tpu.vector_load %arg21[%swap3A_445, %swap3A_446] {strides = array<i32>} : memref<80x144xf32, #tpu.memory_space<vmem>>, vector<16xf32>,
          tpu.vector_store %arg21[%swap3A_445, %swap3A_446], %mul3A_444 {strides = array<i32>} : memref<80x144xf32, #tpu.memory_space<vmem>>, vector<16xf32>,
        }
        %scan3A_130 = arith.constant 20 : i32
        %get3A_131 = arith.constant 0 : index
        %get3A_132 = tpu.vector_load %arg9[%get3A_131] {strides = array<i32>} : memref<80xi32, #tpu.memory_space<vmem>>, vector<16xi32>,
        %swap3A_133 = arith.constant 0 : index
        %swap3A_134 = tpu.vector_load %arg18[%swap3A_133] {strides = array<i32>} : memref<80xi32, #tpu.memory_space<vmem>>, vector<16xi32>,
        tpu.vector_store %arg18[%swap3A_133], %get3A_132 {strides = array<i32>} : memref<80xi32, #tpu.memory_space<vmem>>, vector<16xi32>,
        %get3A_135 = arith.constant 16 : index
        %get3A_136 = tpu.vector_load %arg9[%get3A_135] {strides = array<i32>} : memref<80xi32, #tpu.memory_space<vmem>>, vector<16xi32>,
        %swap3A_137 = arith.constant 16 : index
        %swap3A_138 = tpu.vector_load %arg18[%swap3A_137] {strides = array<i32>} : memref<80xi32, #tpu.memory_space<vmem>>, vector<16xi32>,
        tpu.vector_store %arg18[%swap3A_137], %get3A_136 {strides = array<i32>} : memref<80xi32, #tpu.memory_space<vmem>>, vector<16xi32>,
        %get3A_139 = arith.constant 32 : index
        %get3A_140 = tpu.vector_load %arg9[%get3A_139] {strides = array<i32>} : memref<80xi32, #tpu.memory_space<vmem>>, vector<16xi32>,
        %swap3A_141 = arith.constant 32 : index
        %swap3A_142 = tpu.vector_load %arg18[%swap3A_141] {strides = array<i32>} : memref<80xi32, #tpu.memory_space<vmem>>, vector<16xi32>,
        tpu.vector_store %arg18[%swap3A_141], %get3A_140 {strides = array<i32>} : memref<80xi32, #tpu.memory_space<vmem>>, vector<16xi32>,
        %get3A_143 = arith.constant 48 : index
        %get3A_144 = tpu.vector_load %arg9[%get3A_143] {strides = array<i32>} : memref<80xi32, #tpu.memory_space<vmem>>, vector<16xi32>,
        %swap3A_145 = arith.constant 48 : index
        %swap3A_146 = tpu.vector_load %arg18[%swap3A_145] {strides = array<i32>} : memref<80xi32, #tpu.memory_space<vmem>>, vector<16xi32>,
        tpu.vector_store %arg18[%swap3A_145], %get3A_144 {strides = array<i32>} : memref<80xi32, #tpu.memory_space<vmem>>, vector<16xi32>,
        %get3A_147 = arith.constant 64 : index
        %get3A_148 = tpu.vector_load %arg9[%get3A_147] {strides = array<i32>} : memref<80xi32, #tpu.memory_space<vmem>>, vector<16xi32>,
        %swap3A_149 = arith.constant 64 : index
        %swap3A_150 = tpu.vector_load %arg18[%swap3A_149] {strides = array<i32>} : memref<80xi32, #tpu.memory_space<vmem>>, vector<16xi32>,
        tpu.vector_store %arg18[%swap3A_149], %get3A_148 {strides = array<i32>} : memref<80xi32, #tpu.memory_space<vmem>>, vector<16xi32>,
        %add3A_151 = arith.constant 2 : i32
        %add3A_152 = arith.addi %add3A_114, %add3A_151 : i32
        %lt3A_153 = arith.constant 125 : i32
        %lt3A_154 = arith.cmpi slt, %add3A_152, %lt3A_153 : i32
        %convert_element_type3A_155 = arith.extui %lt3A_154 : i1 to i32
        %cond3A_156 = arith.constant 0 : i32
        %cond3A_157 = arith.cmpi ne, %convert_element_type3A_155, %cond3A_156 : i32
        scf.if %cond3A_157 {
          %add3A_161 = arith.constant 2 : i32
          %add3A_162 = arith.addi %add3A_114, %add3A_161 : i32
          %mul3A_163 = arith.constant 80 : i32
          %mul3A_164 = arith.muli %add3A_162, %mul3A_163 : i32
          %add3A_165 = arith.addi %mul3A_2, %mul3A_164 : i32
          %dma_start3A_166 = tpu.memref_slice %arg3[%add3A_165] : memref<320000xi32, #tpu.memory_space<hbm>> -> memref<80xi32, #tpu.memory_space<hbm>>
          %dma_start3A_167 = tpu.memref_slice %arg3[%add3A_165] : memref<320000xi32, #tpu.memory_space<hbm>> -> memref<80xi32, #tpu.memory_space<hbm>>
          tpu.enqueue_dma source(%dma_start3A_167 : memref<80xi32, #tpu.memory_space<hbm>>) target(%arg8 : memref<80xi32, #tpu.memory_space<vmem>>) target_semaphore(%arg30 : memref<!tpu.dma_semaphore, #tpu.memory_space<semaphore_mem>>)
          %dma_start3A_168 = tpu.memref_slice %arg4[%add3A_165] : memref<320000xi32, #tpu.memory_space<hbm>> -> memref<80xi32, #tpu.memory_space<hbm>>
          %dma_start3A_169 = tpu.memref_slice %arg4[%add3A_165] : memref<320000xi32, #tpu.memory_space<hbm>> -> memref<80xi32, #tpu.memory_space<hbm>>
          tpu.enqueue_dma source(%dma_start3A_169 : memref<80xi32, #tpu.memory_space<hbm>>) target(%arg11 : memref<80xi32, #tpu.memory_space<vmem>>) target_semaphore(%arg30 : memref<!tpu.dma_semaphore, #tpu.memory_space<semaphore_mem>>)
          %dma_start3A_170 = tpu.memref_slice %arg5[%add3A_165] : memref<320000xf32, #tpu.memory_space<hbm>> -> memref<80xf32, #tpu.memory_space<hbm>>
          %dma_start3A_171 = tpu.memref_slice %arg5[%add3A_165] : memref<320000xf32, #tpu.memory_space<hbm>> -> memref<80xf32, #tpu.memory_space<hbm>>
          tpu.enqueue_dma source(%dma_start3A_171 : memref<80xf32, #tpu.memory_space<hbm>>) target(%arg14 : memref<80xf32, #tpu.memory_space<vmem>>) target_semaphore(%arg30 : memref<!tpu.dma_semaphore, #tpu.memory_space<semaphore_mem>>)
        } else {
        }
        %dma_start3A_158 = arith.constant 0 : i32
        %dma_start3A_159 = arith.constant 0 : i32
        %dma_start3A_160 = tpu.memref_slice %arg23[%dma_start3A_158, %dma_start3A_159] : memref<10000x144xf32, #tpu.memory_space<vmem_shared>> -> memref<10000x144xf32, #tpu.memory_space<vmem_shared>>
        tpu.enqueue_indirect_dma source(%arg21 : memref<80x144xf32, #tpu.memory_space<vmem>>) target(%dma_start3A_160 : memref<10000x144xf32, #tpu.memory_space<vmem_shared>>) offsets(%arg18 : memref<80xi32, #tpu.memory_space<vmem>>) semaphore(%arg28 : memref<!tpu.dma_semaphore, #tpu.memory_space<semaphore_mem>>) {add = true}
      } else {
      }
      %add3A_106 = arith.constant 2 : i32
      %add3A_107 = arith.addi %mul3A_57, %add3A_106 : i32
      %lt3A_108 = arith.constant 125 : i32
      %lt3A_109 = arith.cmpi slt, %add3A_107, %lt3A_108 : i32
      %convert_element_type3A_110 = arith.extui %lt3A_109 : i1 to i32
      %cond3A_111 = arith.constant 0 : i32
      %cond3A_112 = arith.cmpi ne, %convert_element_type3A_110, %cond3A_111 : i32
      scf.if %cond3A_112 {
        %add3A_113 = arith.constant 2 : i32
        %add3A_114 = arith.addi %mul3A_57, %add3A_113 : i32
        %add3A_115 = arith.constant 1 : i32
        %add3A_116 = arith.addi %add3A_114, %add3A_115 : i32
        %lt3A_117 = arith.constant 125 : i32
        %lt3A_118 = arith.cmpi slt, %add3A_116, %lt3A_117 : i32
        %convert_element_type3A_119 = arith.extui %lt3A_118 : i1 to i32
        %cond3A_120 = arith.constant 0 : i32
        %cond3A_121 = arith.cmpi ne, %convert_element_type3A_119, %cond3A_120 : i32
        scf.if %cond3A_121 {
          %dma_wait3A_161 = arith.constant 0 : i32
          %dma_wait3A_162 = tpu.memref_slice %arg3[%dma_wait3A_161] : memref<320000xi32, #tpu.memory_space<hbm>> -> memref<80xi32, #tpu.memory_space<hbm>>
          %dma_wait3A_163 = arith.constant 0 : i32
          %dma_wait3A_164 = tpu.memref_slice %arg3[%dma_wait3A_163] : memref<320000xi32, #tpu.memory_space<hbm>> -> memref<80xi32, #tpu.memory_space<hbm>>
          tpu.wait_dma2 semaphore(%arg30 : memref<!tpu.dma_semaphore, #tpu.memory_space<semaphore_mem>>) src(%dma_wait3A_164 : memref<80xi32, #tpu.memory_space<hbm>>) dst(%arg8 : memref<80xi32, #tpu.memory_space<vmem>>)
          %dma_wait3A_165 = arith.constant 0 : i32
          %dma_wait3A_166 = tpu.memref_slice %arg4[%dma_wait3A_165] : memref<320000xi32, #tpu.memory_space<hbm>> -> memref<80xi32, #tpu.memory_space<hbm>>
          %dma_wait3A_167 = arith.constant 0 : i32
          %dma_wait3A_168 = tpu.memref_slice %arg4[%dma_wait3A_167] : memref<320000xi32, #tpu.memory_space<hbm>> -> memref<80xi32, #tpu.memory_space<hbm>>
          tpu.wait_dma2 semaphore(%arg30 : memref<!tpu.dma_semaphore, #tpu.memory_space<semaphore_mem>>) src(%dma_wait3A_168 : memref<80xi32, #tpu.memory_space<hbm>>) dst(%arg11 : memref<80xi32, #tpu.memory_space<vmem>>)
          %dma_wait3A_169 = arith.constant 0 : i32
          %dma_wait3A_170 = tpu.memref_slice %arg5[%dma_wait3A_169] : memref<320000xf32, #tpu.memory_space<hbm>> -> memref<80xf32, #tpu.memory_space<hbm>>
          %dma_wait3A_171 = arith.constant 0 : i32
          %dma_wait3A_172 = tpu.memref_slice %arg5[%dma_wait3A_171] : memref<320000xf32, #tpu.memory_space<hbm>> -> memref<80xf32, #tpu.memory_space<hbm>>
          tpu.wait_dma2 semaphore(%arg30 : memref<!tpu.dma_semaphore, #tpu.memory_space<semaphore_mem>>) src(%dma_wait3A_172 : memref<80xf32, #tpu.memory_space<hbm>>) dst(%arg14 : memref<80xf32, #tpu.memory_space<vmem>>)
          %ge3A = arith.constant 2 : i32
          %ge3A_173 = arith.cmpi sge, %add3A_114, %ge3A : i32
          %convert_element_type3A_174 = arith.extui %ge3A_173 : i1 to i32
          %cond3A_175 = arith.constant 0 : i32
          %cond3A_176 = arith.cmpi ne, %convert_element_type3A_174, %cond3A_175 : i32
          scf.if %cond3A_176 {
            %dma_wait3A_180 = arith.constant 0 : i32
            %dma_wait3A_181 = arith.constant 0 : i32
            %dma_wait3A_182 = tpu.memref_slice %arg23[%dma_wait3A_180, %dma_wait3A_181] : memref<10000x144xf32, #tpu.memory_space<vmem_shared>> -> memref<10000x144xf32, #tpu.memory_space<vmem_shared>>
            tpu.wait_indirect_dma semaphore(%arg27 : memref<!tpu.dma_semaphore, #tpu.memory_space<semaphore_mem>>) src(%arg20 : memref<80x144xf32, #tpu.memory_space<vmem>>) dst(%dma_wait3A_182 : memref<10000x144xf32, #tpu.memory_space<vmem_shared>>)
          } else {
          }
          %dma_start3A_177 = arith.constant 0 : i32
          %dma_start3A_178 = arith.constant 0 : i32
          %dma_start3A_179 = tpu.memref_slice %arg2[%dma_start3A_177, %dma_start3A_178] : memref<10240x144xf32, #tpu.memory_space<hbm>> -> memref<10240x144xf32, #tpu.memory_space<hbm>>
          tpu.enqueue_indirect_dma source(%dma_start3A_179 : memref<10240x144xf32, #tpu.memory_space<hbm>>) target(%arg20 : memref<80x144xf32, #tpu.memory_space<vmem>>) offsets(%arg11 : memref<80xi32, #tpu.memory_space<vmem>>) semaphore(%arg24 : memref<!tpu.dma_semaphore, #tpu.memory_space<semaphore_mem>>)
        } else {
        }
        %dma_wait3A_122 = arith.constant 0 : i32
        %dma_wait3A_123 = arith.constant 0 : i32
        %dma_wait3A_124 = tpu.memref_slice %arg2[%dma_wait3A_122, %dma_wait3A_123] : memref<10240x144xf32, #tpu.memory_space<hbm>> -> memref<10240x144xf32, #tpu.memory_space<hbm>>
        tpu.wait_indirect_dma semaphore(%arg26 : memref<!tpu.dma_semaphore, #tpu.memory_space<semaphore_mem>>) src(%dma_wait3A_124 : memref<10240x144xf32, #tpu.memory_space<hbm>>) dst(%arg22 : memref<80x144xf32, #tpu.memory_space<vmem>>)
        %scan3A_125 = arith.constant 0 : i32
        %scan3A_126 = arith.constant 0 : i32
        %scan3A_127 = arith.constant 20 : i32
        %scan3A_128 = arith.addi %scan3A_126, %scan3A_127 : i32
        %scan3A_129 = arith.constant 1 : i32
        scf.for %scan3A_161 = %scan3A_126 to %scan3A_128 step %scan3A_129  : i32 {
          %mul3A_162 = arith.constant 4 : i32
          %mul3A_163 = arith.muli %scan3A_161, %mul3A_162 : i32
          %add3A_164 = arith.constant 0 : i32
          %add3A_165 = arith.addi %mul3A_163, %add3A_164 : i32
          %broadcast_in_dim3A = arith.constant 0 : i32
          %broadcast_in_dim3A_166 = vector.broadcast %broadcast_in_dim3A : i32 to vector<16xi32>
          %add3A_167 = vector.broadcast %add3A_165 : i32 to vector<16xi32>
          %add3A_168 = arith.addi %broadcast_in_dim3A_166, %add3A_167 : vector<16xi32>
          %gather3A = tpu.vector_load_idx %arg16[%add3A_168] : memref<80xf32, #tpu.memory_space<vmem>>[vector<16xi32>], vector<16xf32>,
          %get3A_169 = arith.index_cast %add3A_165 : i32 to index
          %get3A_170 = arith.constant 0 : index
          %get3A_171 = tpu.vector_load %arg22[%get3A_169, %get3A_170] {strides = array<i32>} : memref<80x144xf32, #tpu.memory_space<vmem>>, vector<16xf32>,
          %mul3A_172 = arith.mulf %get3A_171, %gather3A : vector<16xf32>
          %swap3A_173 = arith.index_cast %add3A_165 : i32 to index
          %swap3A_174 = arith.constant 0 : index
          %swap3A_175 = tpu.vector_load %arg22[%swap3A_173, %swap3A_174] {strides = array<i32>} : memref<80x144xf32, #tpu.memory_space<vmem>>, vector<16xf32>,
          tpu.vector_store %arg22[%swap3A_173, %swap3A_174], %mul3A_172 {strides = array<i32>} : memref<80x144xf32, #tpu.memory_space<vmem>>, vector<16xf32>,
          %get3A_176 = arith.index_cast %add3A_165 : i32 to index
          %get3A_177 = arith.constant 16 : index
          %get3A_178 = tpu.vector_load %arg22[%get3A_176, %get3A_177] {strides = array<i32>} : memref<80x144xf32, #tpu.memory_space<vmem>>, vector<16xf32>,
          %mul3A_179 = arith.mulf %get3A_178, %gather3A : vector<16xf32>
          %swap3A_180 = arith.index_cast %add3A_165 : i32 to index
          %swap3A_181 = arith.constant 16 : index
          %swap3A_182 = tpu.vector_load %arg22[%swap3A_180, %swap3A_181] {strides = array<i32>} : memref<80x144xf32, #tpu.memory_space<vmem>>, vector<16xf32>,
          tpu.vector_store %arg22[%swap3A_180, %swap3A_181], %mul3A_179 {strides = array<i32>} : memref<80x144xf32, #tpu.memory_space<vmem>>, vector<16xf32>,
          %get3A_183 = arith.index_cast %add3A_165 : i32 to index
          %get3A_184 = arith.constant 32 : index
          %get3A_185 = tpu.vector_load %arg22[%get3A_183, %get3A_184] {strides = array<i32>} : memref<80x144xf32, #tpu.memory_space<vmem>>, vector<16xf32>,
          %mul3A_186 = arith.mulf %get3A_185, %gather3A : vector<16xf32>
          %swap3A_187 = arith.index_cast %add3A_165 : i32 to index
          %swap3A_188 = arith.constant 32 : index
          %swap3A_189 = tpu.vector_load %arg22[%swap3A_187, %swap3A_188] {strides = array<i32>} : memref<80x144xf32, #tpu.memory_space<vmem>>, vector<16xf32>,
          tpu.vector_store %arg22[%swap3A_187, %swap3A_188], %mul3A_186 {strides = array<i32>} : memref<80x144xf32, #tpu.memory_space<vmem>>, vector<16xf32>,
          %get3A_190 = arith.index_cast %add3A_165 : i32 to index
          %get3A_191 = arith.constant 48 : index
          %get3A_192 = tpu.vector_load %arg22[%get3A_190, %get3A_191] {strides = array<i32>} : memref<80x144xf32, #tpu.memory_space<vmem>>, vector<16xf32>,
          %mul3A_193 = arith.mulf %get3A_192, %gather3A : vector<16xf32>
          %swap3A_194 = arith.index_cast %add3A_165 : i32 to index
          %swap3A_195 = arith.constant 48 : index
          %swap3A_196 = tpu.vector_load %arg22[%swap3A_194, %swap3A_195] {strides = array<i32>} : memref<80x144xf32, #tpu.memory_space<vmem>>, vector<16xf32>,
          tpu.vector_store %arg22[%swap3A_194, %swap3A_195], %mul3A_193 {strides = array<i32>} : memref<80x144xf32, #tpu.memory_space<vmem>>, vector<16xf32>,
          %get3A_197 = arith.index_cast %add3A_165 : i32 to index
          %get3A_198 = arith.constant 64 : index
          %get3A_199 = tpu.vector_load %arg22[%get3A_197, %get3A_198] {strides = array<i32>} : memref<80x144xf32, #tpu.memory_space<vmem>>, vector<16xf32>,
          %mul3A_200 = arith.mulf %get3A_199, %gather3A : vector<16xf32>
          %swap3A_201 = arith.index_cast %add3A_165 : i32 to index
          %swap3A_202 = arith.constant 64 : index
          %swap3A_203 = tpu.vector_load %arg22[%swap3A_201, %swap3A_202] {strides = array<i32>} : memref<80x144xf32, #tpu.memory_space<vmem>>, vector<16xf32>,
          tpu.vector_store %arg22[%swap3A_201, %swap3A_202], %mul3A_200 {strides = array<i32>} : memref<80x144xf32, #tpu.memory_space<vmem>>, vector<16xf32>,
          %get3A_204 = arith.index_cast %add3A_165 : i32 to index
          %get3A_205 = arith.constant 80 : index
          %get3A_206 = tpu.vector_load %arg22[%get3A_204, %get3A_205] {strides = array<i32>} : memref<80x144xf32, #tpu.memory_space<vmem>>, vector<16xf32>,
          %mul3A_207 = arith.mulf %get3A_206, %gather3A : vector<16xf32>
          %swap3A_208 = arith.index_cast %add3A_165 : i32 to index
          %swap3A_209 = arith.constant 80 : index
          %swap3A_210 = tpu.vector_load %arg22[%swap3A_208, %swap3A_209] {strides = array<i32>} : memref<80x144xf32, #tpu.memory_space<vmem>>, vector<16xf32>,
          tpu.vector_store %arg22[%swap3A_208, %swap3A_209], %mul3A_207 {strides = array<i32>} : memref<80x144xf32, #tpu.memory_space<vmem>>, vector<16xf32>,
          %get3A_211 = arith.index_cast %add3A_165 : i32 to index
          %get3A_212 = arith.constant 96 : index
          %get3A_213 = tpu.vector_load %arg22[%get3A_211, %get3A_212] {strides = array<i32>} : memref<80x144xf32, #tpu.memory_space<vmem>>, vector<16xf32>,
          %mul3A_214 = arith.mulf %get3A_213, %gather3A : vector<16xf32>
          %swap3A_215 = arith.index_cast %add3A_165 : i32 to index
          %swap3A_216 = arith.constant 96 : index
          %swap3A_217 = tpu.vector_load %arg22[%swap3A_215, %swap3A_216] {strides = array<i32>} : memref<80x144xf32, #tpu.memory_space<vmem>>, vector<16xf32>,
          tpu.vector_store %arg22[%swap3A_215, %swap3A_216], %mul3A_214 {strides = array<i32>} : memref<80x144xf32, #tpu.memory_space<vmem>>, vector<16xf32>,
          %get3A_218 = arith.index_cast %add3A_165 : i32 to index
          %get3A_219 = arith.constant 112 : index
          %get3A_220 = tpu.vector_load %arg22[%get3A_218, %get3A_219] {strides = array<i32>} : memref<80x144xf32, #tpu.memory_space<vmem>>, vector<16xf32>,
          %mul3A_221 = arith.mulf %get3A_220, %gather3A : vector<16xf32>
          %swap3A_222 = arith.index_cast %add3A_165 : i32 to index
          %swap3A_223 = arith.constant 112 : index
          %swap3A_224 = tpu.vector_load %arg22[%swap3A_222, %swap3A_223] {strides = array<i32>} : memref<80x144xf32, #tpu.memory_space<vmem>>, vector<16xf32>,
          tpu.vector_store %arg22[%swap3A_222, %swap3A_223], %mul3A_221 {strides = array<i32>} : memref<80x144xf32, #tpu.memory_space<vmem>>, vector<16xf32>,
          %get3A_225 = arith.index_cast %add3A_165 : i32 to index
          %get3A_226 = arith.constant 128 : index
          %get3A_227 = tpu.vector_load %arg22[%get3A_225, %get3A_226] {strides = array<i32>} : memref<80x144xf32, #tpu.memory_space<vmem>>, vector<16xf32>,
          %mul3A_228 = arith.mulf %get3A_227, %gather3A : vector<16xf32>
          %swap3A_229 = arith.index_cast %add3A_165 : i32 to index
          %swap3A_230 = arith.constant 128 : index
          %swap3A_231 = tpu.vector_load %arg22[%swap3A_229, %swap3A_230] {strides = array<i32>} : memref<80x144xf32, #tpu.memory_space<vmem>>, vector<16xf32>,
          tpu.vector_store %arg22[%swap3A_229, %swap3A_230], %mul3A_228 {strides = array<i32>} : memref<80x144xf32, #tpu.memory_space<vmem>>, vector<16xf32>,
          %mul3A_232 = arith.constant 4 : i32
          %mul3A_233 = arith.muli %scan3A_161, %mul3A_232 : i32
          %add3A_234 = arith.constant 1 : i32
          %add3A_235 = arith.addi %mul3A_233, %add3A_234 : i32
          %broadcast_in_dim3A_236 = arith.constant 0 : i32
          %broadcast_in_dim3A_237 = vector.broadcast %broadcast_in_dim3A_236 : i32 to vector<16xi32>
          %add3A_238 = vector.broadcast %add3A_235 : i32 to vector<16xi32>
          %add3A_239 = arith.addi %broadcast_in_dim3A_237, %add3A_238 : vector<16xi32>
          %gather3A_240 = tpu.vector_load_idx %arg16[%add3A_239] : memref<80xf32, #tpu.memory_space<vmem>>[vector<16xi32>], vector<16xf32>,
          %get3A_241 = arith.index_cast %add3A_235 : i32 to index
          %get3A_242 = arith.constant 0 : index
          %get3A_243 = tpu.vector_load %arg22[%get3A_241, %get3A_242] {strides = array<i32>} : memref<80x144xf32, #tpu.memory_space<vmem>>, vector<16xf32>,
          %mul3A_244 = arith.mulf %get3A_243, %gather3A_240 : vector<16xf32>
          %swap3A_245 = arith.index_cast %add3A_235 : i32 to index
          %swap3A_246 = arith.constant 0 : index
          %swap3A_247 = tpu.vector_load %arg22[%swap3A_245, %swap3A_246] {strides = array<i32>} : memref<80x144xf32, #tpu.memory_space<vmem>>, vector<16xf32>,
          tpu.vector_store %arg22[%swap3A_245, %swap3A_246], %mul3A_244 {strides = array<i32>} : memref<80x144xf32, #tpu.memory_space<vmem>>, vector<16xf32>,
          %get3A_248 = arith.index_cast %add3A_235 : i32 to index
          %get3A_249 = arith.constant 16 : index
          %get3A_250 = tpu.vector_load %arg22[%get3A_248, %get3A_249] {strides = array<i32>} : memref<80x144xf32, #tpu.memory_space<vmem>>, vector<16xf32>,
          %mul3A_251 = arith.mulf %get3A_250, %gather3A_240 : vector<16xf32>
          %swap3A_252 = arith.index_cast %add3A_235 : i32 to index
          %swap3A_253 = arith.constant 16 : index
          %swap3A_254 = tpu.vector_load %arg22[%swap3A_252, %swap3A_253] {strides = array<i32>} : memref<80x144xf32, #tpu.memory_space<vmem>>, vector<16xf32>,
          tpu.vector_store %arg22[%swap3A_252, %swap3A_253], %mul3A_251 {strides = array<i32>} : memref<80x144xf32, #tpu.memory_space<vmem>>, vector<16xf32>,
          %get3A_255 = arith.index_cast %add3A_235 : i32 to index
          %get3A_256 = arith.constant 32 : index
          %get3A_257 = tpu.vector_load %arg22[%get3A_255, %get3A_256] {strides = array<i32>} : memref<80x144xf32, #tpu.memory_space<vmem>>, vector<16xf32>,
          %mul3A_258 = arith.mulf %get3A_257, %gather3A_240 : vector<16xf32>
          %swap3A_259 = arith.index_cast %add3A_235 : i32 to index
          %swap3A_260 = arith.constant 32 : index
          %swap3A_261 = tpu.vector_load %arg22[%swap3A_259, %swap3A_260] {strides = array<i32>} : memref<80x144xf32, #tpu.memory_space<vmem>>, vector<16xf32>,
          tpu.vector_store %arg22[%swap3A_259, %swap3A_260], %mul3A_258 {strides = array<i32>} : memref<80x144xf32, #tpu.memory_space<vmem>>, vector<16xf32>,
          %get3A_262 = arith.index_cast %add3A_235 : i32 to index
          %get3A_263 = arith.constant 48 : index
          %get3A_264 = tpu.vector_load %arg22[%get3A_262, %get3A_263] {strides = array<i32>} : memref<80x144xf32, #tpu.memory_space<vmem>>, vector<16xf32>,
          %mul3A_265 = arith.mulf %get3A_264, %gather3A_240 : vector<16xf32>
          %swap3A_266 = arith.index_cast %add3A_235 : i32 to index
          %swap3A_267 = arith.constant 48 : index
          %swap3A_268 = tpu.vector_load %arg22[%swap3A_266, %swap3A_267] {strides = array<i32>} : memref<80x144xf32, #tpu.memory_space<vmem>>, vector<16xf32>,
          tpu.vector_store %arg22[%swap3A_266, %swap3A_267], %mul3A_265 {strides = array<i32>} : memref<80x144xf32, #tpu.memory_space<vmem>>, vector<16xf32>,
          %get3A_269 = arith.index_cast %add3A_235 : i32 to index
          %get3A_270 = arith.constant 64 : index
          %get3A_271 = tpu.vector_load %arg22[%get3A_269, %get3A_270] {strides = array<i32>} : memref<80x144xf32, #tpu.memory_space<vmem>>, vector<16xf32>,
          %mul3A_272 = arith.mulf %get3A_271, %gather3A_240 : vector<16xf32>
          %swap3A_273 = arith.index_cast %add3A_235 : i32 to index
          %swap3A_274 = arith.constant 64 : index
          %swap3A_275 = tpu.vector_load %arg22[%swap3A_273, %swap3A_274] {strides = array<i32>} : memref<80x144xf32, #tpu.memory_space<vmem>>, vector<16xf32>,
          tpu.vector_store %arg22[%swap3A_273, %swap3A_274], %mul3A_272 {strides = array<i32>} : memref<80x144xf32, #tpu.memory_space<vmem>>, vector<16xf32>,
          %get3A_276 = arith.index_cast %add3A_235 : i32 to index
          %get3A_277 = arith.constant 80 : index
          %get3A_278 = tpu.vector_load %arg22[%get3A_276, %get3A_277] {strides = array<i32>} : memref<80x144xf32, #tpu.memory_space<vmem>>, vector<16xf32>,
          %mul3A_279 = arith.mulf %get3A_278, %gather3A_240 : vector<16xf32>
          %swap3A_280 = arith.index_cast %add3A_235 : i32 to index
          %swap3A_281 = arith.constant 80 : index
          %swap3A_282 = tpu.vector_load %arg22[%swap3A_280, %swap3A_281] {strides = array<i32>} : memref<80x144xf32, #tpu.memory_space<vmem>>, vector<16xf32>,
          tpu.vector_store %arg22[%swap3A_280, %swap3A_281], %mul3A_279 {strides = array<i32>} : memref<80x144xf32, #tpu.memory_space<vmem>>, vector<16xf32>,
          %get3A_283 = arith.index_cast %add3A_235 : i32 to index
          %get3A_284 = arith.constant 96 : index
          %get3A_285 = tpu.vector_load %arg22[%get3A_283, %get3A_284] {strides = array<i32>} : memref<80x144xf32, #tpu.memory_space<vmem>>, vector<16xf32>,
          %mul3A_286 = arith.mulf %get3A_285, %gather3A_240 : vector<16xf32>
          %swap3A_287 = arith.index_cast %add3A_235 : i32 to index
          %swap3A_288 = arith.constant 96 : index
          %swap3A_289 = tpu.vector_load %arg22[%swap3A_287, %swap3A_288] {strides = array<i32>} : memref<80x144xf32, #tpu.memory_space<vmem>>, vector<16xf32>,
          tpu.vector_store %arg22[%swap3A_287, %swap3A_288], %mul3A_286 {strides = array<i32>} : memref<80x144xf32, #tpu.memory_space<vmem>>, vector<16xf32>,
          %get3A_290 = arith.index_cast %add3A_235 : i32 to index
          %get3A_291 = arith.constant 112 : index
          %get3A_292 = tpu.vector_load %arg22[%get3A_290, %get3A_291] {strides = array<i32>} : memref<80x144xf32, #tpu.memory_space<vmem>>, vector<16xf32>,
          %mul3A_293 = arith.mulf %get3A_292, %gather3A_240 : vector<16xf32>
          %swap3A_294 = arith.index_cast %add3A_235 : i32 to index
          %swap3A_295 = arith.constant 112 : index
          %swap3A_296 = tpu.vector_load %arg22[%swap3A_294, %swap3A_295] {strides = array<i32>} : memref<80x144xf32, #tpu.memory_space<vmem>>, vector<16xf32>,
          tpu.vector_store %arg22[%swap3A_294, %swap3A_295], %mul3A_293 {strides = array<i32>} : memref<80x144xf32, #tpu.memory_space<vmem>>, vector<16xf32>,
          %get3A_297 = arith.index_cast %add3A_235 : i32 to index
          %get3A_298 = arith.constant 128 : index
          %get3A_299 = tpu.vector_load %arg22[%get3A_297, %get3A_298] {strides = array<i32>} : memref<80x144xf32, #tpu.memory_space<vmem>>, vector<16xf32>,
          %mul3A_300 = arith.mulf %get3A_299, %gather3A_240 : vector<16xf32>
          %swap3A_301 = arith.index_cast %add3A_235 : i32 to index
          %swap3A_302 = arith.constant 128 : index
          %swap3A_303 = tpu.vector_load %arg22[%swap3A_301, %swap3A_302] {strides = array<i32>} : memref<80x144xf32, #tpu.memory_space<vmem>>, vector<16xf32>,
          tpu.vector_store %arg22[%swap3A_301, %swap3A_302], %mul3A_300 {strides = array<i32>} : memref<80x144xf32, #tpu.memory_space<vmem>>, vector<16xf32>,
          %mul3A_304 = arith.constant 4 : i32
          %mul3A_305 = arith.muli %scan3A_161, %mul3A_304 : i32
          %add3A_306 = arith.constant 2 : i32
          %add3A_307 = arith.addi %mul3A_305, %add3A_306 : i32
          %broadcast_in_dim3A_308 = arith.constant 0 : i32
          %broadcast_in_dim3A_309 = vector.broadcast %broadcast_in_dim3A_308 : i32 to vector<16xi32>
          %add3A_310 = vector.broadcast %add3A_307 : i32 to vector<16xi32>
          %add3A_311 = arith.addi %broadcast_in_dim3A_309, %add3A_310 : vector<16xi32>
          %gather3A_312 = tpu.vector_load_idx %arg16[%add3A_311] : memref<80xf32, #tpu.memory_space<vmem>>[vector<16xi32>], vector<16xf32>,
          %get3A_313 = arith.index_cast %add3A_307 : i32 to index
          %get3A_314 = arith.constant 0 : index
          %get3A_315 = tpu.vector_load %arg22[%get3A_313, %get3A_314] {strides = array<i32>} : memref<80x144xf32, #tpu.memory_space<vmem>>, vector<16xf32>,
          %mul3A_316 = arith.mulf %get3A_315, %gather3A_312 : vector<16xf32>
          %swap3A_317 = arith.index_cast %add3A_307 : i32 to index
          %swap3A_318 = arith.constant 0 : index
          %swap3A_319 = tpu.vector_load %arg22[%swap3A_317, %swap3A_318] {strides = array<i32>} : memref<80x144xf32, #tpu.memory_space<vmem>>, vector<16xf32>,
          tpu.vector_store %arg22[%swap3A_317, %swap3A_318], %mul3A_316 {strides = array<i32>} : memref<80x144xf32, #tpu.memory_space<vmem>>, vector<16xf32>,
          %get3A_320 = arith.index_cast %add3A_307 : i32 to index
          %get3A_321 = arith.constant 16 : index
          %get3A_322 = tpu.vector_load %arg22[%get3A_320, %get3A_321] {strides = array<i32>} : memref<80x144xf32, #tpu.memory_space<vmem>>, vector<16xf32>,
          %mul3A_323 = arith.mulf %get3A_322, %gather3A_312 : vector<16xf32>
          %swap3A_324 = arith.index_cast %add3A_307 : i32 to index
          %swap3A_325 = arith.constant 16 : index
          %swap3A_326 = tpu.vector_load %arg22[%swap3A_324, %swap3A_325] {strides = array<i32>} : memref<80x144xf32, #tpu.memory_space<vmem>>, vector<16xf32>,
          tpu.vector_store %arg22[%swap3A_324, %swap3A_325], %mul3A_323 {strides = array<i32>} : memref<80x144xf32, #tpu.memory_space<vmem>>, vector<16xf32>,
          %get3A_327 = arith.index_cast %add3A_307 : i32 to index
          %get3A_328 = arith.constant 32 : index
          %get3A_329 = tpu.vector_load %arg22[%get3A_327, %get3A_328] {strides = array<i32>} : memref<80x144xf32, #tpu.memory_space<vmem>>, vector<16xf32>,
          %mul3A_330 = arith.mulf %get3A_329, %gather3A_312 : vector<16xf32>
          %swap3A_331 = arith.index_cast %add3A_307 : i32 to index
          %swap3A_332 = arith.constant 32 : index
          %swap3A_333 = tpu.vector_load %arg22[%swap3A_331, %swap3A_332] {strides = array<i32>} : memref<80x144xf32, #tpu.memory_space<vmem>>, vector<16xf32>,
          tpu.vector_store %arg22[%swap3A_331, %swap3A_332], %mul3A_330 {strides = array<i32>} : memref<80x144xf32, #tpu.memory_space<vmem>>, vector<16xf32>,
          %get3A_334 = arith.index_cast %add3A_307 : i32 to index
          %get3A_335 = arith.constant 48 : index
          %get3A_336 = tpu.vector_load %arg22[%get3A_334, %get3A_335] {strides = array<i32>} : memref<80x144xf32, #tpu.memory_space<vmem>>, vector<16xf32>,
          %mul3A_337 = arith.mulf %get3A_336, %gather3A_312 : vector<16xf32>
          %swap3A_338 = arith.index_cast %add3A_307 : i32 to index
          %swap3A_339 = arith.constant 48 : index
          %swap3A_340 = tpu.vector_load %arg22[%swap3A_338, %swap3A_339] {strides = array<i32>} : memref<80x144xf32, #tpu.memory_space<vmem>>, vector<16xf32>,
          tpu.vector_store %arg22[%swap3A_338, %swap3A_339], %mul3A_337 {strides = array<i32>} : memref<80x144xf32, #tpu.memory_space<vmem>>, vector<16xf32>,
          %get3A_341 = arith.index_cast %add3A_307 : i32 to index
          %get3A_342 = arith.constant 64 : index
          %get3A_343 = tpu.vector_load %arg22[%get3A_341, %get3A_342] {strides = array<i32>} : memref<80x144xf32, #tpu.memory_space<vmem>>, vector<16xf32>,
          %mul3A_344 = arith.mulf %get3A_343, %gather3A_312 : vector<16xf32>
          %swap3A_345 = arith.index_cast %add3A_307 : i32 to index
          %swap3A_346 = arith.constant 64 : index
          %swap3A_347 = tpu.vector_load %arg22[%swap3A_345, %swap3A_346] {strides = array<i32>} : memref<80x144xf32, #tpu.memory_space<vmem>>, vector<16xf32>,
          tpu.vector_store %arg22[%swap3A_345, %swap3A_346], %mul3A_344 {strides = array<i32>} : memref<80x144xf32, #tpu.memory_space<vmem>>, vector<16xf32>,
          %get3A_348 = arith.index_cast %add3A_307 : i32 to index
          %get3A_349 = arith.constant 80 : index
          %get3A_350 = tpu.vector_load %arg22[%get3A_348, %get3A_349] {strides = array<i32>} : memref<80x144xf32, #tpu.memory_space<vmem>>, vector<16xf32>,
          %mul3A_351 = arith.mulf %get3A_350, %gather3A_312 : vector<16xf32>
          %swap3A_352 = arith.index_cast %add3A_307 : i32 to index
          %swap3A_353 = arith.constant 80 : index
          %swap3A_354 = tpu.vector_load %arg22[%swap3A_352, %swap3A_353] {strides = array<i32>} : memref<80x144xf32, #tpu.memory_space<vmem>>, vector<16xf32>,
          tpu.vector_store %arg22[%swap3A_352, %swap3A_353], %mul3A_351 {strides = array<i32>} : memref<80x144xf32, #tpu.memory_space<vmem>>, vector<16xf32>,
          %get3A_355 = arith.index_cast %add3A_307 : i32 to index
          %get3A_356 = arith.constant 96 : index
          %get3A_357 = tpu.vector_load %arg22[%get3A_355, %get3A_356] {strides = array<i32>} : memref<80x144xf32, #tpu.memory_space<vmem>>, vector<16xf32>,
          %mul3A_358 = arith.mulf %get3A_357, %gather3A_312 : vector<16xf32>
          %swap3A_359 = arith.index_cast %add3A_307 : i32 to index
          %swap3A_360 = arith.constant 96 : index
          %swap3A_361 = tpu.vector_load %arg22[%swap3A_359, %swap3A_360] {strides = array<i32>} : memref<80x144xf32, #tpu.memory_space<vmem>>, vector<16xf32>,
          tpu.vector_store %arg22[%swap3A_359, %swap3A_360], %mul3A_358 {strides = array<i32>} : memref<80x144xf32, #tpu.memory_space<vmem>>, vector<16xf32>,
          %get3A_362 = arith.index_cast %add3A_307 : i32 to index
          %get3A_363 = arith.constant 112 : index
          %get3A_364 = tpu.vector_load %arg22[%get3A_362, %get3A_363] {strides = array<i32>} : memref<80x144xf32, #tpu.memory_space<vmem>>, vector<16xf32>,
          %mul3A_365 = arith.mulf %get3A_364, %gather3A_312 : vector<16xf32>
          %swap3A_366 = arith.index_cast %add3A_307 : i32 to index
          %swap3A_367 = arith.constant 112 : index
          %swap3A_368 = tpu.vector_load %arg22[%swap3A_366, %swap3A_367] {strides = array<i32>} : memref<80x144xf32, #tpu.memory_space<vmem>>, vector<16xf32>,
          tpu.vector_store %arg22[%swap3A_366, %swap3A_367], %mul3A_365 {strides = array<i32>} : memref<80x144xf32, #tpu.memory_space<vmem>>, vector<16xf32>,
          %get3A_369 = arith.index_cast %add3A_307 : i32 to index
          %get3A_370 = arith.constant 128 : index
          %get3A_371 = tpu.vector_load %arg22[%get3A_369, %get3A_370] {strides = array<i32>} : memref<80x144xf32, #tpu.memory_space<vmem>>, vector<16xf32>,
          %mul3A_372 = arith.mulf %get3A_371, %gather3A_312 : vector<16xf32>
          %swap3A_373 = arith.index_cast %add3A_307 : i32 to index
          %swap3A_374 = arith.constant 128 : index
          %swap3A_375 = tpu.vector_load %arg22[%swap3A_373, %swap3A_374] {strides = array<i32>} : memref<80x144xf32, #tpu.memory_space<vmem>>, vector<16xf32>,
          tpu.vector_store %arg22[%swap3A_373, %swap3A_374], %mul3A_372 {strides = array<i32>} : memref<80x144xf32, #tpu.memory_space<vmem>>, vector<16xf32>,
          %mul3A_376 = arith.constant 4 : i32
          %mul3A_377 = arith.muli %scan3A_161, %mul3A_376 : i32
          %add3A_378 = arith.constant 3 : i32
          %add3A_379 = arith.addi %mul3A_377, %add3A_378 : i32
          %broadcast_in_dim3A_380 = arith.constant 0 : i32
          %broadcast_in_dim3A_381 = vector.broadcast %broadcast_in_dim3A_380 : i32 to vector<16xi32>
          %add3A_382 = vector.broadcast %add3A_379 : i32 to vector<16xi32>
          %add3A_383 = arith.addi %broadcast_in_dim3A_381, %add3A_382 : vector<16xi32>
          %gather3A_384 = tpu.vector_load_idx %arg16[%add3A_383] : memref<80xf32, #tpu.memory_space<vmem>>[vector<16xi32>], vector<16xf32>,
          %get3A_385 = arith.index_cast %add3A_379 : i32 to index
          %get3A_386 = arith.constant 0 : index
          %get3A_387 = tpu.vector_load %arg22[%get3A_385, %get3A_386] {strides = array<i32>} : memref<80x144xf32, #tpu.memory_space<vmem>>, vector<16xf32>,
          %mul3A_388 = arith.mulf %get3A_387, %gather3A_384 : vector<16xf32>
          %swap3A_389 = arith.index_cast %add3A_379 : i32 to index
          %swap3A_390 = arith.constant 0 : index
          %swap3A_391 = tpu.vector_load %arg22[%swap3A_389, %swap3A_390] {strides = array<i32>} : memref<80x144xf32, #tpu.memory_space<vmem>>, vector<16xf32>,
          tpu.vector_store %arg22[%swap3A_389, %swap3A_390], %mul3A_388 {strides = array<i32>} : memref<80x144xf32, #tpu.memory_space<vmem>>, vector<16xf32>,
          %get3A_392 = arith.index_cast %add3A_379 : i32 to index
          %get3A_393 = arith.constant 16 : index
          %get3A_394 = tpu.vector_load %arg22[%get3A_392, %get3A_393] {strides = array<i32>} : memref<80x144xf32, #tpu.memory_space<vmem>>, vector<16xf32>,
          %mul3A_395 = arith.mulf %get3A_394, %gather3A_384 : vector<16xf32>
          %swap3A_396 = arith.index_cast %add3A_379 : i32 to index
          %swap3A_397 = arith.constant 16 : index
          %swap3A_398 = tpu.vector_load %arg22[%swap3A_396, %swap3A_397] {strides = array<i32>} : memref<80x144xf32, #tpu.memory_space<vmem>>, vector<16xf32>,
          tpu.vector_store %arg22[%swap3A_396, %swap3A_397], %mul3A_395 {strides = array<i32>} : memref<80x144xf32, #tpu.memory_space<vmem>>, vector<16xf32>,
          %get3A_399 = arith.index_cast %add3A_379 : i32 to index
          %get3A_400 = arith.constant 32 : index
          %get3A_401 = tpu.vector_load %arg22[%get3A_399, %get3A_400] {strides = array<i32>} : memref<80x144xf32, #tpu.memory_space<vmem>>, vector<16xf32>,
          %mul3A_402 = arith.mulf %get3A_401, %gather3A_384 : vector<16xf32>
          %swap3A_403 = arith.index_cast %add3A_379 : i32 to index
          %swap3A_404 = arith.constant 32 : index
          %swap3A_405 = tpu.vector_load %arg22[%swap3A_403, %swap3A_404] {strides = array<i32>} : memref<80x144xf32, #tpu.memory_space<vmem>>, vector<16xf32>,
          tpu.vector_store %arg22[%swap3A_403, %swap3A_404], %mul3A_402 {strides = array<i32>} : memref<80x144xf32, #tpu.memory_space<vmem>>, vector<16xf32>,
          %get3A_406 = arith.index_cast %add3A_379 : i32 to index
          %get3A_407 = arith.constant 48 : index
          %get3A_408 = tpu.vector_load %arg22[%get3A_406, %get3A_407] {strides = array<i32>} : memref<80x144xf32, #tpu.memory_space<vmem>>, vector<16xf32>,
          %mul3A_409 = arith.mulf %get3A_408, %gather3A_384 : vector<16xf32>
          %swap3A_410 = arith.index_cast %add3A_379 : i32 to index
          %swap3A_411 = arith.constant 48 : index
          %swap3A_412 = tpu.vector_load %arg22[%swap3A_410, %swap3A_411] {strides = array<i32>} : memref<80x144xf32, #tpu.memory_space<vmem>>, vector<16xf32>,
          tpu.vector_store %arg22[%swap3A_410, %swap3A_411], %mul3A_409 {strides = array<i32>} : memref<80x144xf32, #tpu.memory_space<vmem>>, vector<16xf32>,
          %get3A_413 = arith.index_cast %add3A_379 : i32 to index
          %get3A_414 = arith.constant 64 : index
          %get3A_415 = tpu.vector_load %arg22[%get3A_413, %get3A_414] {strides = array<i32>} : memref<80x144xf32, #tpu.memory_space<vmem>>, vector<16xf32>,
          %mul3A_416 = arith.mulf %get3A_415, %gather3A_384 : vector<16xf32>
          %swap3A_417 = arith.index_cast %add3A_379 : i32 to index
          %swap3A_418 = arith.constant 64 : index
          %swap3A_419 = tpu.vector_load %arg22[%swap3A_417, %swap3A_418] {strides = array<i32>} : memref<80x144xf32, #tpu.memory_space<vmem>>, vector<16xf32>,
          tpu.vector_store %arg22[%swap3A_417, %swap3A_418], %mul3A_416 {strides = array<i32>} : memref<80x144xf32, #tpu.memory_space<vmem>>, vector<16xf32>,
          %get3A_420 = arith.index_cast %add3A_379 : i32 to index
          %get3A_421 = arith.constant 80 : index
          %get3A_422 = tpu.vector_load %arg22[%get3A_420, %get3A_421] {strides = array<i32>} : memref<80x144xf32, #tpu.memory_space<vmem>>, vector<16xf32>,
          %mul3A_423 = arith.mulf %get3A_422, %gather3A_384 : vector<16xf32>
          %swap3A_424 = arith.index_cast %add3A_379 : i32 to index
          %swap3A_425 = arith.constant 80 : index
          %swap3A_426 = tpu.vector_load %arg22[%swap3A_424, %swap3A_425] {strides = array<i32>} : memref<80x144xf32, #tpu.memory_space<vmem>>, vector<16xf32>,
          tpu.vector_store %arg22[%swap3A_424, %swap3A_425], %mul3A_423 {strides = array<i32>} : memref<80x144xf32, #tpu.memory_space<vmem>>, vector<16xf32>,
          %get3A_427 = arith.index_cast %add3A_379 : i32 to index
          %get3A_428 = arith.constant 96 : index
          %get3A_429 = tpu.vector_load %arg22[%get3A_427, %get3A_428] {strides = array<i32>} : memref<80x144xf32, #tpu.memory_space<vmem>>, vector<16xf32>,
          %mul3A_430 = arith.mulf %get3A_429, %gather3A_384 : vector<16xf32>
          %swap3A_431 = arith.index_cast %add3A_379 : i32 to index
          %swap3A_432 = arith.constant 96 : index
          %swap3A_433 = tpu.vector_load %arg22[%swap3A_431, %swap3A_432] {strides = array<i32>} : memref<80x144xf32, #tpu.memory_space<vmem>>, vector<16xf32>,
          tpu.vector_store %arg22[%swap3A_431, %swap3A_432], %mul3A_430 {strides = array<i32>} : memref<80x144xf32, #tpu.memory_space<vmem>>, vector<16xf32>,
          %get3A_434 = arith.index_cast %add3A_379 : i32 to index
          %get3A_435 = arith.constant 112 : index
          %get3A_436 = tpu.vector_load %arg22[%get3A_434, %get3A_435] {strides = array<i32>} : memref<80x144xf32, #tpu.memory_space<vmem>>, vector<16xf32>,
          %mul3A_437 = arith.mulf %get3A_436, %gather3A_384 : vector<16xf32>
          %swap3A_438 = arith.index_cast %add3A_379 : i32 to index
          %swap3A_439 = arith.constant 112 : index
          %swap3A_440 = tpu.vector_load %arg22[%swap3A_438, %swap3A_439] {strides = array<i32>} : memref<80x144xf32, #tpu.memory_space<vmem>>, vector<16xf32>,
          tpu.vector_store %arg22[%swap3A_438, %swap3A_439], %mul3A_437 {strides = array<i32>} : memref<80x144xf32, #tpu.memory_space<vmem>>, vector<16xf32>,
          %get3A_441 = arith.index_cast %add3A_379 : i32 to index
          %get3A_442 = arith.constant 128 : index
          %get3A_443 = tpu.vector_load %arg22[%get3A_441, %get3A_442] {strides = array<i32>} : memref<80x144xf32, #tpu.memory_space<vmem>>, vector<16xf32>,
          %mul3A_444 = arith.mulf %get3A_443, %gather3A_384 : vector<16xf32>
          %swap3A_445 = arith.index_cast %add3A_379 : i32 to index
          %swap3A_446 = arith.constant 128 : index
          %swap3A_447 = tpu.vector_load %arg22[%swap3A_445, %swap3A_446] {strides = array<i32>} : memref<80x144xf32, #tpu.memory_space<vmem>>, vector<16xf32>,
          tpu.vector_store %arg22[%swap3A_445, %swap3A_446], %mul3A_444 {strides = array<i32>} : memref<80x144xf32, #tpu.memory_space<vmem>>, vector<16xf32>,
        }
        %scan3A_130 = arith.constant 20 : i32
        %get3A_131 = arith.constant 0 : index
        %get3A_132 = tpu.vector_load %arg10[%get3A_131] {strides = array<i32>} : memref<80xi32, #tpu.memory_space<vmem>>, vector<16xi32>,
        %swap3A_133 = arith.constant 0 : index
        %swap3A_134 = tpu.vector_load %arg19[%swap3A_133] {strides = array<i32>} : memref<80xi32, #tpu.memory_space<vmem>>, vector<16xi32>,
        tpu.vector_store %arg19[%swap3A_133], %get3A_132 {strides = array<i32>} : memref<80xi32, #tpu.memory_space<vmem>>, vector<16xi32>,
        %get3A_135 = arith.constant 16 : index
        %get3A_136 = tpu.vector_load %arg10[%get3A_135] {strides = array<i32>} : memref<80xi32, #tpu.memory_space<vmem>>, vector<16xi32>,
        %swap3A_137 = arith.constant 16 : index
        %swap3A_138 = tpu.vector_load %arg19[%swap3A_137] {strides = array<i32>} : memref<80xi32, #tpu.memory_space<vmem>>, vector<16xi32>,
        tpu.vector_store %arg19[%swap3A_137], %get3A_136 {strides = array<i32>} : memref<80xi32, #tpu.memory_space<vmem>>, vector<16xi32>,
        %get3A_139 = arith.constant 32 : index
        %get3A_140 = tpu.vector_load %arg10[%get3A_139] {strides = array<i32>} : memref<80xi32, #tpu.memory_space<vmem>>, vector<16xi32>,
        %swap3A_141 = arith.constant 32 : index
        %swap3A_142 = tpu.vector_load %arg19[%swap3A_141] {strides = array<i32>} : memref<80xi32, #tpu.memory_space<vmem>>, vector<16xi32>,
        tpu.vector_store %arg19[%swap3A_141], %get3A_140 {strides = array<i32>} : memref<80xi32, #tpu.memory_space<vmem>>, vector<16xi32>,
        %get3A_143 = arith.constant 48 : index
        %get3A_144 = tpu.vector_load %arg10[%get3A_143] {strides = array<i32>} : memref<80xi32, #tpu.memory_space<vmem>>, vector<16xi32>,
        %swap3A_145 = arith.constant 48 : index
        %swap3A_146 = tpu.vector_load %arg19[%swap3A_145] {strides = array<i32>} : memref<80xi32, #tpu.memory_space<vmem>>, vector<16xi32>,
        tpu.vector_store %arg19[%swap3A_145], %get3A_144 {strides = array<i32>} : memref<80xi32, #tpu.memory_space<vmem>>, vector<16xi32>,
        %get3A_147 = arith.constant 64 : index
        %get3A_148 = tpu.vector_load %arg10[%get3A_147] {strides = array<i32>} : memref<80xi32, #tpu.memory_space<vmem>>, vector<16xi32>,
        %swap3A_149 = arith.constant 64 : index
        %swap3A_150 = tpu.vector_load %arg19[%swap3A_149] {strides = array<i32>} : memref<80xi32, #tpu.memory_space<vmem>>, vector<16xi32>,
        tpu.vector_store %arg19[%swap3A_149], %get3A_148 {strides = array<i32>} : memref<80xi32, #tpu.memory_space<vmem>>, vector<16xi32>,
        %add3A_151 = arith.constant 2 : i32
        %add3A_152 = arith.addi %add3A_114, %add3A_151 : i32
        %lt3A_153 = arith.constant 125 : i32
        %lt3A_154 = arith.cmpi slt, %add3A_152, %lt3A_153 : i32
        %convert_element_type3A_155 = arith.extui %lt3A_154 : i1 to i32
        %cond3A_156 = arith.constant 0 : i32
        %cond3A_157 = arith.cmpi ne, %convert_element_type3A_155, %cond3A_156 : i32
        scf.if %cond3A_157 {
          %add3A_161 = arith.constant 2 : i32
          %add3A_162 = arith.addi %add3A_114, %add3A_161 : i32
          %mul3A_163 = arith.constant 80 : i32
          %mul3A_164 = arith.muli %add3A_162, %mul3A_163 : i32
          %add3A_165 = arith.addi %mul3A_2, %mul3A_164 : i32
          %dma_start3A_166 = tpu.memref_slice %arg3[%add3A_165] : memref<320000xi32, #tpu.memory_space<hbm>> -> memref<80xi32, #tpu.memory_space<hbm>>
          %dma_start3A_167 = tpu.memref_slice %arg3[%add3A_165] : memref<320000xi32, #tpu.memory_space<hbm>> -> memref<80xi32, #tpu.memory_space<hbm>>
          tpu.enqueue_dma source(%dma_start3A_167 : memref<80xi32, #tpu.memory_space<hbm>>) target(%arg9 : memref<80xi32, #tpu.memory_space<vmem>>) target_semaphore(%arg31 : memref<!tpu.dma_semaphore, #tpu.memory_space<semaphore_mem>>)
          %dma_start3A_168 = tpu.memref_slice %arg4[%add3A_165] : memref<320000xi32, #tpu.memory_space<hbm>> -> memref<80xi32, #tpu.memory_space<hbm>>
          %dma_start3A_169 = tpu.memref_slice %arg4[%add3A_165] : memref<320000xi32, #tpu.memory_space<hbm>> -> memref<80xi32, #tpu.memory_space<hbm>>
          tpu.enqueue_dma source(%dma_start3A_169 : memref<80xi32, #tpu.memory_space<hbm>>) target(%arg12 : memref<80xi32, #tpu.memory_space<vmem>>) target_semaphore(%arg31 : memref<!tpu.dma_semaphore, #tpu.memory_space<semaphore_mem>>)
          %dma_start3A_170 = tpu.memref_slice %arg5[%add3A_165] : memref<320000xf32, #tpu.memory_space<hbm>> -> memref<80xf32, #tpu.memory_space<hbm>>
          %dma_start3A_171 = tpu.memref_slice %arg5[%add3A_165] : memref<320000xf32, #tpu.memory_space<hbm>> -> memref<80xf32, #tpu.memory_space<hbm>>
          tpu.enqueue_dma source(%dma_start3A_171 : memref<80xf32, #tpu.memory_space<hbm>>) target(%arg15 : memref<80xf32, #tpu.memory_space<vmem>>) target_semaphore(%arg31 : memref<!tpu.dma_semaphore, #tpu.memory_space<semaphore_mem>>)
        } else {
        }
        %dma_start3A_158 = arith.constant 0 : i32
        %dma_start3A_159 = arith.constant 0 : i32
        %dma_start3A_160 = tpu.memref_slice %arg23[%dma_start3A_158, %dma_start3A_159] : memref<10000x144xf32, #tpu.memory_space<vmem_shared>> -> memref<10000x144xf32, #tpu.memory_space<vmem_shared>>
        tpu.enqueue_indirect_dma source(%arg22 : memref<80x144xf32, #tpu.memory_space<vmem>>) target(%dma_start3A_160 : memref<10000x144xf32, #tpu.memory_space<vmem_shared>>) offsets(%arg19 : memref<80xi32, #tpu.memory_space<vmem>>) semaphore(%arg29 : memref<!tpu.dma_semaphore, #tpu.memory_space<semaphore_mem>>) {add = true}
      } else {
      }
    }
    %scan3A_40 = arith.constant 42 : i32
    %dma_wait3A_41 = arith.constant 0 : i32
    %dma_wait3A_42 = arith.constant 0 : i32
    %dma_wait3A_43 = tpu.memref_slice %arg23[%dma_wait3A_41, %dma_wait3A_42] : memref<10000x144xf32, #tpu.memory_space<vmem_shared>> -> memref<10000x144xf32, #tpu.memory_space<vmem_shared>>
    tpu.wait_indirect_dma semaphore(%arg29 : memref<!tpu.dma_semaphore, #tpu.memory_space<semaphore_mem>>) src(%arg22 : memref<80x144xf32, #tpu.memory_space<vmem>>) dst(%dma_wait3A_43 : memref<10000x144xf32, #tpu.memory_space<vmem_shared>>)
    %dma_wait3A_44 = arith.constant 0 : i32
    %dma_wait3A_45 = arith.constant 0 : i32
    %dma_wait3A_46 = tpu.memref_slice %arg23[%dma_wait3A_44, %dma_wait3A_45] : memref<10000x144xf32, #tpu.memory_space<vmem_shared>> -> memref<10000x144xf32, #tpu.memory_space<vmem_shared>>
    tpu.wait_indirect_dma semaphore(%arg27 : memref<!tpu.dma_semaphore, #tpu.memory_space<semaphore_mem>>) src(%arg20 : memref<80x144xf32, #tpu.memory_space<vmem>>) dst(%dma_wait3A_46 : memref<10000x144xf32, #tpu.memory_space<vmem_shared>>)
    %dma_wait3A_47 = arith.constant 0 : i32
    %dma_wait3A_48 = arith.constant 0 : i32
    %dma_wait3A_49 = tpu.memref_slice %arg23[%dma_wait3A_47, %dma_wait3A_48] : memref<10000x144xf32, #tpu.memory_space<vmem_shared>> -> memref<10000x144xf32, #tpu.memory_space<vmem_shared>>
    tpu.wait_indirect_dma semaphore(%arg28 : memref<!tpu.dma_semaphore, #tpu.memory_space<semaphore_mem>>) src(%arg21 : memref<80x144xf32, #tpu.memory_space<vmem>>) dst(%dma_wait3A_49 : memref<10000x144xf32, #tpu.memory_space<vmem_shared>>)
    %barrier3A_50 = arith.constant 0 : index
    tpu.barrier barrier_id(%barrier3A_50)
    %mul3A_51 = arith.constant 625 : i32
    %mul3A_52 = arith.muli %arg1, %mul3A_51 : i32
    %mul3A_53 = arith.constant 625 : i32
    %mul3A_54 = arith.muli %arg1, %mul3A_53 : i32
    "tpu.region"() ({
      %run_scoped3A = tpu.sem_alloc : memref<!tpu.dma_semaphore, #tpu.memory_space<semaphore_mem>>
      %dma_start3A_55 = arith.constant 0 : i32
      %dma_start3A_56 = tpu.memref_slice %arg7[%arg0, %mul3A_54, %dma_start3A_55] : memref<2x10000x144xf32, #tpu.memory_space<hbm>> -> memref<1x625x144xf32, #tpu.memory_space<hbm>>
      %dma_start3A_57 = tpu.memref_squeeze %dma_start3A_56 : memref<1x625x144xf32, #tpu.memory_space<hbm>> -> memref<625x144xf32, #tpu.memory_space<hbm>>
      %dma_start3A_58 = arith.constant 0 : i32
      %dma_start3A_59 = tpu.memref_slice %arg23[%mul3A_52, %dma_start3A_58] : memref<10000x144xf32, #tpu.memory_space<vmem_shared>> -> memref<625x144xf32, #tpu.memory_space<vmem_shared>>
      tpu.enqueue_dma source(%dma_start3A_59 : memref<625x144xf32, #tpu.memory_space<vmem_shared>>) target(%dma_start3A_57 : memref<625x144xf32, #tpu.memory_space<hbm>>) target_semaphore(%run_scoped3A : memref<!tpu.dma_semaphore, #tpu.memory_space<semaphore_mem>>)
      %dma_wait3A_60 = arith.constant 0 : i32
      %dma_wait3A_61 = tpu.memref_slice %arg7[%arg0, %mul3A_54, %dma_wait3A_60] : memref<2x10000x144xf32, #tpu.memory_space<hbm>> -> memref<1x625x144xf32, #tpu.memory_space<hbm>>
      %dma_wait3A_62 = tpu.memref_squeeze %dma_wait3A_61 : memref<1x625x144xf32, #tpu.memory_space<hbm>> -> memref<625x144xf32, #tpu.memory_space<hbm>>
      %dma_wait3A_63 = arith.constant 0 : i32
      %dma_wait3A_64 = tpu.memref_slice %arg23[%mul3A_52, %dma_wait3A_63] : memref<10000x144xf32, #tpu.memory_space<vmem_shared>> -> memref<625x144xf32, #tpu.memory_space<vmem_shared>>
      tpu.wait_dma2 semaphore(%run_scoped3A : memref<!tpu.dma_semaphore, #tpu.memory_space<semaphore_mem>>) src(%dma_wait3A_64 : memref<625x144xf32, #tpu.memory_space<vmem_shared>>) dst(%dma_wait3A_62 : memref<625x144xf32, #tpu.memory_space<hbm>>)
      tpu.yield
    }) : () -> ()
    return
  }
}

module attributes {stable_mosaic.version = 14 : i64} {
  func.func @_node_stage_body(%arg0: i32, %arg1: memref<1024x128xf32, #tpu.memory_space<vmem>>, %arg2: memref<128x128xf32, #tpu.memory_space<vmem>>, %arg3: memref<1x256xf32, #tpu.memory_space<vmem>>, %arg4: memref<1024x144xf32, #tpu.memory_space<vmem>>, %arg5: memref<1024xf32, #tpu.memory_space<vmem>>, %arg6: memref<1024xf32, #tpu.memory_space<vmem>>, %arg7: memref<1024xf32, #tpu.memory_space<vmem>>) attributes {dimension_semantics = [#tpu.dimension_semantics<arbitrary>], iteration_bounds = array<i64: 10>, scalar_prefetch = 0 : i64, scratch_operands = 0 : i64, tpu.core_type = #tpu.core_type<tc>, window_params = [{transform_indices = @transform_0, window_bounds = array<i64: 1024, 128>}, {pipeline_mode = #tpu.pipeline_mode<synchronous>, transform_indices = @transform_1, window_bounds = array<i64: 128, 128>}, {pipeline_mode = #tpu.pipeline_mode<synchronous>, transform_indices = @transform_2, window_bounds = array<i64: 1, 256>}, {transform_indices = @transform_3, window_bounds = array<i64: 1024, 144>}, {transform_indices = @transform_4, window_bounds = array<i64: 1024>}, {transform_indices = @transform_5, window_bounds = array<i64: 1024>}, {transform_indices = @transform_6, window_bounds = array<i64: 1024>}]} {
    %get3A = arith.constant 0 : index
    %get3A_0 = arith.constant 0 : index
    %get3A_1 = vector.load %arg1[%get3A, %get3A_0] : memref<1024x128xf32, #tpu.memory_space<vmem>>, vector<1024x128xf32>
    %get3A_2 = arith.constant 0 : index
    %get3A_3 = arith.constant 0 : index
    %get3A_4 = vector.load %arg2[%get3A_2, %get3A_3] : memref<128x128xf32, #tpu.memory_space<vmem>>, vector<128x128xf32>
    %get3A_5 = arith.constant 0 : index
    %get3A_6 = arith.constant 0 : index
    %get3A_7 = vector.load %arg3[%get3A_5, %get3A_6] : memref<1x256xf32, #tpu.memory_space<vmem>>, vector<1x256xf32>
    %mul3A = arith.mulf %get3A_1, %get3A_1 : vector<1024x128xf32>
    %reduce_sum3A = arith.constant dense<0.000000e+00> : vector<1024xf32>
    %reduce_sum3A_8 = vector.multi_reduction <add>, %mul3A, %reduce_sum3A [1] : vector<1024x128xf32> to vector<1024xf32>
    %broadcast_in_dim3A = vector.shape_cast %reduce_sum3A_8 : vector<1024xf32> to vector<1024x1xf32>
    %sqrt3A = math.sqrt %broadcast_in_dim3A : vector<1024x1xf32>
    %jit3A = arith.constant 1.000000e-15 : f32
    %max3A = vector.broadcast %jit3A : f32 to vector<1024x1xf32>
    %max3A_9 = arith.maximumf %max3A, %sqrt3A : vector<1024x1xf32>
    %dot_general3A = arith.constant dense<0.000000e+00> : vector<1024x128xf32>
    %dot_general3A_10 = tpu.matmul %get3A_1, %get3A_4, %dot_general3A {dimension_numbers = #tpu.dot_dimension_numbers<[1], [0], [0], [1], [0, 0, 1, 1], [], []>, transpose_lhs_hint = false} : vector<1024x128xf32>, vector<128x128xf32>, vector<1024x128xf32> -> vector<1024x128xf32>
    %mul3A_11 = arith.mulf %dot_general3A_10, %dot_general3A_10 : vector<1024x128xf32>
    %reduce_sum3A_12 = arith.constant dense<0.000000e+00> : vector<1024xf32>
    %reduce_sum3A_13 = vector.multi_reduction <add>, %mul3A_11, %reduce_sum3A_12 [1] : vector<1024x128xf32> to vector<1024xf32>
    %broadcast_in_dim3A_14 = vector.shape_cast %reduce_sum3A_13 : vector<1024xf32> to vector<1024x1xf32>
    %sqrt3A_15 = math.sqrt %broadcast_in_dim3A_14 : vector<1024x1xf32>
    %jit3A_16 = arith.constant 1.000000e-15 : f32
    %max3A_17 = vector.broadcast %jit3A_16 : f32 to vector<1024x1xf32>
    %max3A_18 = arith.maximumf %max3A_17, %sqrt3A_15 : vector<1024x1xf32>
    %div3A = arith.divf %max3A_18, %max3A_9 : vector<1024x1xf32>
    %jit3A_19 = arith.constant -0.99999988 : f32
    %jit3A_20 = arith.constant 0.99999988 : f32
    %max3A_21 = vector.broadcast %jit3A_19 : f32 to vector<1024x1xf32>
    %max3A_22 = arith.maximumf %max3A_21, %max3A_9 : vector<1024x1xf32>
    %min3A = vector.broadcast %jit3A_20 : f32 to vector<1024x1xf32>
    %min3A_23 = arith.minimumf %min3A, %max3A_22 : vector<1024x1xf32>
    %add3A = arith.constant 1.000000e+00 : f32
    %add3A_24 = vector.broadcast %add3A : f32 to vector<1024x1xf32>
    %add3A_25 = arith.addf %add3A_24, %min3A_23 : vector<1024x1xf32>
    %sub3A = arith.constant 1.000000e+00 : f32
    %sub3A_26 = vector.broadcast %sub3A : f32 to vector<1024x1xf32>
    %sub3A_27 = arith.subf %sub3A_26, %min3A_23 : vector<1024x1xf32>
    %div3A_28 = arith.divf %add3A_25, %sub3A_27 : vector<1024x1xf32>
    %log3A = math.log %div3A_28 : vector<1024x1xf32>
    %mul3A_29 = arith.constant 5.000000e-01 : f32
    %mul3A_30 = vector.broadcast %mul3A_29 : f32 to vector<1024x1xf32>
    %mul3A_31 = arith.mulf %mul3A_30, %log3A : vector<1024x1xf32>
    %mul3A_32 = arith.mulf %div3A, %mul3A_31 : vector<1024x1xf32>
    %jit3A_33 = arith.constant -1.500000e+01 : f32
    %jit3A_34 = arith.constant 1.500000e+01 : f32
    %max3A_35 = vector.broadcast %jit3A_33 : f32 to vector<1024x1xf32>
    %max3A_36 = arith.maximumf %max3A_35, %mul3A_32 : vector<1024x1xf32>
    %min3A_37 = vector.broadcast %jit3A_34 : f32 to vector<1024x1xf32>
    %min3A_38 = arith.minimumf %min3A_37, %max3A_36 : vector<1024x1xf32>
    %tanh3A = math.tanh %min3A_38 : vector<1024x1xf32>
    %mul3A_39 = vector.broadcast %tanh3A : vector<1024x1xf32> to vector<1024x128xf32>
    %mul3A_40 = arith.mulf %mul3A_39, %dot_general3A_10 : vector<1024x128xf32>
    %div3A_41 = vector.broadcast %max3A_18 : vector<1024x1xf32> to vector<1024x128xf32>
    %div3A_42 = arith.divf %mul3A_40, %div3A_41 : vector<1024x128xf32>
    %mul3A_43 = arith.mulf %div3A_42, %div3A_42 : vector<1024x128xf32>
    %reduce_sum3A_44 = arith.constant dense<0.000000e+00> : vector<1024xf32>
    %reduce_sum3A_45 = vector.multi_reduction <add>, %mul3A_43, %reduce_sum3A_44 [1] : vector<1024x128xf32> to vector<1024xf32>
    %broadcast_in_dim3A_46 = vector.shape_cast %reduce_sum3A_45 : vector<1024xf32> to vector<1024x1xf32>
    %sqrt3A_47 = math.sqrt %broadcast_in_dim3A_46 : vector<1024x1xf32>
    %jit3A_48 = arith.constant 1.000000e-15 : f32
    %max3A_49 = vector.broadcast %jit3A_48 : f32 to vector<1024x1xf32>
    %max3A_50 = arith.maximumf %max3A_49, %sqrt3A_47 : vector<1024x1xf32>
    %gt3A = arith.constant 0.995999991 : f32
    %gt3A_51 = vector.broadcast %gt3A : f32 to vector<1024x1xf32>
    %gt3A_52 = arith.cmpf ogt, %max3A_50, %gt3A_51 : vector<1024x1xf32>
    %div3A_53 = vector.broadcast %max3A_50 : vector<1024x1xf32> to vector<1024x128xf32>
    %div3A_54 = arith.divf %div3A_42, %div3A_53 : vector<1024x128xf32>
    %mul3A_55 = arith.constant 0.995999991 : f32
    %mul3A_56 = vector.broadcast %mul3A_55 : f32 to vector<1024x128xf32>
    %mul3A_57 = arith.mulf %div3A_54, %mul3A_56 : vector<1024x128xf32>
    %broadcast_in_dim3A_58 = vector.shape_cast %gt3A_52 : vector<1024x1xi1> to vector<1024x1xi1>
    %broadcast_in_dim3A_59 = vector.broadcast %broadcast_in_dim3A_58 : vector<1024x1xi1> to vector<1024x128xi1>
    %select_n3A = arith.select %broadcast_in_dim3A_59, %mul3A_57, %div3A_42 : vector<1024x128xi1>, vector<1024x128xf32>
    %mul3A_60 = arith.mulf %select_n3A, %select_n3A : vector<1024x128xf32>
    %reduce_sum3A_61 = arith.constant dense<0.000000e+00> : vector<1024xf32>
    %reduce_sum3A_62 = vector.multi_reduction <add>, %mul3A_60, %reduce_sum3A_61 [1] : vector<1024x128xf32> to vector<1024xf32>
    %broadcast_in_dim3A_63 = vector.shape_cast %reduce_sum3A_62 : vector<1024xf32> to vector<1024x1xf32>
    %sqrt3A_64 = math.sqrt %broadcast_in_dim3A_63 : vector<1024x1xf32>
    %jit3A_65 = arith.constant 1.000000e-15 : f32
    %max3A_66 = vector.broadcast %jit3A_65 : f32 to vector<1024x1xf32>
    %max3A_67 = arith.maximumf %max3A_66, %sqrt3A_64 : vector<1024x1xf32>
    %div3A_68 = vector.broadcast %max3A_67 : vector<1024x1xf32> to vector<1024x128xf32>
    %div3A_69 = arith.divf %select_n3A, %div3A_68 : vector<1024x128xf32>
    %jit3A_70 = arith.constant -0.99999988 : f32
    %jit3A_71 = arith.constant 0.99999988 : f32
    %max3A_72 = vector.broadcast %jit3A_70 : f32 to vector<1024x1xf32>
    %max3A_73 = arith.maximumf %max3A_72, %max3A_67 : vector<1024x1xf32>
    %min3A_74 = vector.broadcast %jit3A_71 : f32 to vector<1024x1xf32>
    %min3A_75 = arith.minimumf %min3A_74, %max3A_73 : vector<1024x1xf32>
    %add3A_76 = arith.constant 1.000000e+00 : f32
    %add3A_77 = vector.broadcast %add3A_76 : f32 to vector<1024x1xf32>
    %add3A_78 = arith.addf %add3A_77, %min3A_75 : vector<1024x1xf32>
    %sub3A_79 = arith.constant 1.000000e+00 : f32
    %sub3A_80 = vector.broadcast %sub3A_79 : f32 to vector<1024x1xf32>
    %sub3A_81 = arith.subf %sub3A_80, %min3A_75 : vector<1024x1xf32>
    %div3A_82 = arith.divf %add3A_78, %sub3A_81 : vector<1024x1xf32>
    %log3A_83 = math.log %div3A_82 : vector<1024x1xf32>
    %mul3A_84 = arith.constant 5.000000e-01 : f32
    %mul3A_85 = vector.broadcast %mul3A_84 : f32 to vector<1024x1xf32>
    %mul3A_86 = arith.mulf %mul3A_85, %log3A_83 : vector<1024x1xf32>
    %mul3A_87 = vector.broadcast %mul3A_86 : vector<1024x1xf32> to vector<1024x128xf32>
    %mul3A_88 = arith.mulf %div3A_69, %mul3A_87 : vector<1024x128xf32>
    %mul3A_89 = arith.mulf %mul3A_88, %mul3A_88 : vector<1024x128xf32>
    %reduce_sum3A_90 = arith.constant dense<0.000000e+00> : vector<1024xf32>
    %reduce_sum3A_91 = vector.multi_reduction <add>, %mul3A_89, %reduce_sum3A_90 [1] : vector<1024x128xf32> to vector<1024xf32>
    %swap3A = arith.constant 0 : index
    %swap3A_92 = vector.load %arg5[%swap3A] : memref<1024xf32, #tpu.memory_space<vmem>>, vector<1024xf32>
    tpu.vector_store %arg5[%swap3A], %reduce_sum3A_91 {strides = array<i32>} : memref<1024xf32, #tpu.memory_space<vmem>>, vector<1024xf32>,
    %slice3A = vector.extract_strided_slice %get3A_7 {offsets = [0, 0], sizes = [1, 128], strides = [1, 1]} : vector<1x256xf32> to vector<1x128xf32>
    %mul3A_93 = vector.broadcast %slice3A : vector<1x128xf32> to vector<1024x128xf32>
    %mul3A_94 = arith.mulf %mul3A_88, %mul3A_93 : vector<1024x128xf32>
    %reduce_sum3A_95 = arith.constant dense<0.000000e+00> : vector<1024xf32>
    %reduce_sum3A_96 = vector.multi_reduction <add>, %mul3A_94, %reduce_sum3A_95 [1] : vector<1024x128xf32> to vector<1024xf32>
    %swap3A_97 = arith.constant 0 : index
    %swap3A_98 = vector.load %arg6[%swap3A_97] : memref<1024xf32, #tpu.memory_space<vmem>>, vector<1024xf32>
    tpu.vector_store %arg6[%swap3A_97], %reduce_sum3A_96 {strides = array<i32>} : memref<1024xf32, #tpu.memory_space<vmem>>, vector<1024xf32>,
    %slice3A_99 = vector.extract_strided_slice %get3A_7 {offsets = [0, 128], sizes = [1, 128], strides = [1, 1]} : vector<1x256xf32> to vector<1x128xf32>
    %mul3A_100 = vector.broadcast %slice3A_99 : vector<1x128xf32> to vector<1024x128xf32>
    %mul3A_101 = arith.mulf %mul3A_88, %mul3A_100 : vector<1024x128xf32>
    %reduce_sum3A_102 = arith.constant dense<0.000000e+00> : vector<1024xf32>
    %reduce_sum3A_103 = vector.multi_reduction <add>, %mul3A_101, %reduce_sum3A_102 [1] : vector<1024x128xf32> to vector<1024xf32>
    %swap3A_104 = arith.constant 0 : index
    %swap3A_105 = vector.load %arg7[%swap3A_104] : memref<1024xf32, #tpu.memory_space<vmem>>, vector<1024xf32>
    tpu.vector_store %arg7[%swap3A_104], %reduce_sum3A_103 {strides = array<i32>} : memref<1024xf32, #tpu.memory_space<vmem>>, vector<1024xf32>,
    %broadcast_in_dim3A_106 = arith.constant 1.000000e+00 : f32
    %broadcast_in_dim3A_107 = vector.broadcast %broadcast_in_dim3A_106 : f32 to vector<1024x1xf32>
    %broadcast_in_dim3A_108 = arith.constant 0.000000e+00 : f32
    %broadcast_in_dim3A_109 = vector.broadcast %broadcast_in_dim3A_108 : f32 to vector<1024x15xf32>
    %concatenate3A = tpu.concatenate %mul3A_88, %broadcast_in_dim3A_107, %broadcast_in_dim3A_109 in 1 : vector<1024x128xf32>, vector<1024x1xf32>, vector<1024x15xf32> -> vector<1024x144xf32>
    %swap3A_110 = arith.constant 0 : index
    %swap3A_111 = arith.constant 0 : index
    %swap3A_112 = vector.load %arg4[%swap3A_110, %swap3A_111] : memref<1024x144xf32, #tpu.memory_space<vmem>>, vector<1024x144xf32>
    tpu.vector_store %arg4[%swap3A_110, %swap3A_111], %concatenate3A {strides = array<i32>} : memref<1024x144xf32, #tpu.memory_space<vmem>>, vector<1024x144xf32>,
    return
  }
  func.func @transform_0(%arg0: i32) -> (i32, i32) {
    %c0_i32 = arith.constant 0 : i32
    %c0_i32_0 = arith.constant 0 : i32
    return %arg0, %c0_i32 : i32, i32
  }
  func.func @transform_1(%arg0: i32) -> (i32, i32) {
    %c0_i32 = arith.constant 0 : i32
    %c0_i32_0 = arith.constant 0 : i32
    %c0_i32_1 = arith.constant 0 : i32
    return %c0_i32, %c0_i32_0 : i32, i32
  }
  func.func @transform_2(%arg0: i32) -> (i32, i32) {
    %c0_i32 = arith.constant 0 : i32
    %c0_i32_0 = arith.constant 0 : i32
    %c0_i32_1 = arith.constant 0 : i32
    return %c0_i32, %c0_i32_0 : i32, i32
  }
  func.func @transform_3(%arg0: i32) -> (i32, i32) {
    %c0_i32 = arith.constant 0 : i32
    %c0_i32_0 = arith.constant 0 : i32
    return %arg0, %c0_i32 : i32, i32
  }
  func.func @transform_4(%arg0: i32) -> i32 {
    %c0_i32 = arith.constant 0 : i32
    return %arg0 : i32
  }
  func.func @transform_5(%arg0: i32) -> i32 {
    %c0_i32 = arith.constant 0 : i32
    return %arg0 : i32
  }
  func.func @transform_6(%arg0: i32) -> i32 {
    %c0_i32 = arith.constant 0 : i32
    return %arg0 : i32
  }
}

module attributes {stable_mosaic.version = 14 : i64} {
  func.func @_edge_weight_body(%arg0: memref<2500x128xf32, #tpu.memory_space<vmem>>, %arg1: memref<2500x128xf32, #tpu.memory_space<vmem>>, %arg2: memref<2500x128xf32, #tpu.memory_space<vmem>>) attributes {dimension_semantics = [], scalar_prefetch = 0 : i64, scratch_operands = 0 : i64, tpu.core_type = #tpu.core_type<tc>} {
    %get3A = arith.constant 0 : index
    %get3A_0 = arith.constant 0 : index
    %get3A_1 = vector.load %arg0[%get3A, %get3A_0] : memref<2500x128xf32, #tpu.memory_space<vmem>>, vector<2500x128xf32>
    %get3A_2 = arith.constant 0 : index
    %get3A_3 = arith.constant 0 : index
    %get3A_4 = vector.load %arg1[%get3A_2, %get3A_3] : memref<2500x128xf32, #tpu.memory_space<vmem>>, vector<2500x128xf32>
    %sqrt3A = math.sqrt %get3A_1 : vector<2500x128xf32>
    %max3A = arith.constant 1.000000e-15 : f32
    %max3A_5 = vector.broadcast %max3A : f32 to vector<2500x128xf32>
    %max3A_6 = arith.maximumf %sqrt3A, %max3A_5 : vector<2500x128xf32>
    %jit3A = arith.constant -1.500000e+01 : f32
    %jit3A_7 = arith.constant 1.500000e+01 : f32
    %max3A_8 = vector.broadcast %jit3A : f32 to vector<2500x128xf32>
    %max3A_9 = arith.maximumf %max3A_8, %max3A_6 : vector<2500x128xf32>
    %min3A = vector.broadcast %jit3A_7 : f32 to vector<2500x128xf32>
    %min3A_10 = arith.minimumf %min3A, %max3A_9 : vector<2500x128xf32>
    %tanh3A = math.tanh %min3A_10 : vector<2500x128xf32>
    %div3A = arith.divf %tanh3A, %max3A_6 : vector<2500x128xf32>
    %mul3A = arith.mulf %div3A, %sqrt3A : vector<2500x128xf32>
    %max3A_11 = arith.constant 1.000000e-15 : f32
    %max3A_12 = vector.broadcast %max3A_11 : f32 to vector<2500x128xf32>
    %max3A_13 = arith.maximumf %mul3A, %max3A_12 : vector<2500x128xf32>
    %gt3A = arith.constant 0.995999991 : f32
    %gt3A_14 = vector.broadcast %gt3A : f32 to vector<2500x128xf32>
    %gt3A_15 = arith.cmpf ogt, %max3A_13, %gt3A_14 : vector<2500x128xf32>
    %div3A_16 = arith.constant 0.995999991 : f32
    %div3A_17 = vector.broadcast %div3A_16 : f32 to vector<2500x128xf32>
    %div3A_18 = arith.divf %div3A_17, %max3A_13 : vector<2500x128xf32>
    %jit3A_19 = arith.constant 1.000000e+00 : f32
    %broadcast_in_dim3A = vector.broadcast %jit3A_19 : f32 to vector<2500x128xf32>
    %select_n3A = arith.select %gt3A_15, %div3A_18, %broadcast_in_dim3A : vector<2500x128xi1>, vector<2500x128xf32>
    %mul3A_20 = arith.mulf %div3A, %select_n3A : vector<2500x128xf32>
    %mul3A_21 = arith.mulf %mul3A_20, %sqrt3A : vector<2500x128xf32>
    %max3A_22 = arith.constant 1.000000e-15 : f32
    %max3A_23 = vector.broadcast %max3A_22 : f32 to vector<2500x128xf32>
    %max3A_24 = arith.maximumf %mul3A_21, %max3A_23 : vector<2500x128xf32>
    %mul3A_25 = arith.mulf %mul3A_20, %get3A_4 : vector<2500x128xf32>
    %abs3A = math.absf %mul3A_25 : vector<2500x128xf32>
    %max3A_26 = arith.constant 1.000000e-15 : f32
    %max3A_27 = vector.broadcast %max3A_26 : f32 to vector<2500x128xf32>
    %max3A_28 = arith.maximumf %abs3A, %max3A_27 : vector<2500x128xf32>
    %div3A_29 = arith.divf %max3A_28, %max3A_24 : vector<2500x128xf32>
    %jit3A_30 = arith.constant -0.99999988 : f32
    %jit3A_31 = arith.constant 0.99999988 : f32
    %max3A_32 = vector.broadcast %jit3A_30 : f32 to vector<2500x128xf32>
    %max3A_33 = arith.maximumf %max3A_32, %max3A_24 : vector<2500x128xf32>
    %min3A_34 = vector.broadcast %jit3A_31 : f32 to vector<2500x128xf32>
    %min3A_35 = arith.minimumf %min3A_34, %max3A_33 : vector<2500x128xf32>
    %add3A = arith.constant 1.000000e+00 : f32
    %add3A_36 = vector.broadcast %add3A : f32 to vector<2500x128xf32>
    %add3A_37 = arith.addf %add3A_36, %min3A_35 : vector<2500x128xf32>
    %sub3A = arith.constant 1.000000e+00 : f32
    %sub3A_38 = vector.broadcast %sub3A : f32 to vector<2500x128xf32>
    %sub3A_39 = arith.subf %sub3A_38, %min3A_35 : vector<2500x128xf32>
    %div3A_40 = arith.divf %add3A_37, %sub3A_39 : vector<2500x128xf32>
    %log3A = math.log %div3A_40 : vector<2500x128xf32>
    %mul3A_41 = arith.constant 5.000000e-01 : f32
    %mul3A_42 = vector.broadcast %mul3A_41 : f32 to vector<2500x128xf32>
    %mul3A_43 = arith.mulf %mul3A_42, %log3A : vector<2500x128xf32>
    %mul3A_44 = arith.mulf %div3A_29, %mul3A_43 : vector<2500x128xf32>
    %jit3A_45 = arith.constant -1.500000e+01 : f32
    %jit3A_46 = arith.constant 1.500000e+01 : f32
    %max3A_47 = vector.broadcast %jit3A_45 : f32 to vector<2500x128xf32>
    %max3A_48 = arith.maximumf %max3A_47, %mul3A_44 : vector<2500x128xf32>
    %min3A_49 = vector.broadcast %jit3A_46 : f32 to vector<2500x128xf32>
    %min3A_50 = arith.minimumf %min3A_49, %max3A_48 : vector<2500x128xf32>
    %tanh3A_51 = math.tanh %min3A_50 : vector<2500x128xf32>
    %mul3A_52 = arith.mulf %tanh3A_51, %mul3A_25 : vector<2500x128xf32>
    %div3A_53 = arith.divf %mul3A_52, %max3A_28 : vector<2500x128xf32>
    %mul3A_54 = arith.mulf %div3A_53, %div3A_53 : vector<2500x128xf32>
    %reduce_sum3A = vector.shape_cast %mul3A_54 : vector<2500x128xf32> to vector<1x2500x128xf32>
    %reduce_sum3A_55 = arith.constant dense<0.000000e+00> : vector<1xf32>
    %reduce_sum3A_56 = vector.multi_reduction <add>, %reduce_sum3A, %reduce_sum3A_55 [1, 2] : vector<1x2500x128xf32> to vector<1xf32>
    %reduce_sum3A_57 = vector.shape_cast %reduce_sum3A_56 : vector<1xf32> to vector<1x1x1xf32>
    %reduce_sum3A_58 = vector.extract %reduce_sum3A_57[0, 0, 0] : f32 from vector<1x1x1xf32>
    %sqrt3A_59 = math.sqrt %reduce_sum3A_58 : f32
    %gt3A_60 = arith.constant 0.995999991 : f32
    %gt3A_61 = arith.cmpf ogt, %sqrt3A_59, %gt3A_60 : f32
    %div3A_62 = arith.constant 0.995999991 : f32
    %div3A_63 = arith.divf %div3A_62, %sqrt3A_59 : f32
    %jit3A_64 = arith.constant 1.000000e+00 : f32
    %select_n3A_65 = arith.select %gt3A_61, %div3A_63, %jit3A_64 : f32
    %mul3A_66 = arith.mulf %sqrt3A_59, %select_n3A_65 : f32
    %max3A_67 = arith.constant 1.000000e-15 : f32
    %max3A_68 = arith.maximumf %mul3A_66, %max3A_67 : f32
    %jit3A_69 = arith.constant -0.99999988 : f32
    %jit3A_70 = arith.constant 0.99999988 : f32
    %max3A_71 = arith.maximumf %jit3A_69, %max3A_68 : f32
    %min3A_72 = arith.minimumf %jit3A_70, %max3A_71 : f32
    %add3A_73 = arith.constant 1.000000e+00 : f32
    %add3A_74 = arith.addf %add3A_73, %min3A_72 : f32
    %sub3A_75 = arith.constant 1.000000e+00 : f32
    %sub3A_76 = arith.subf %sub3A_75, %min3A_72 : f32
    %div3A_77 = arith.divf %add3A_74, %sub3A_76 : f32
    %log3A_78 = math.log %div3A_77 : f32
    %mul3A_79 = arith.constant 5.000000e-01 : f32
    %mul3A_80 = arith.mulf %mul3A_79, %log3A_78 : f32
    %div3A_81 = arith.divf %mul3A_80, %max3A_68 : f32
    %mul3A_82 = arith.mulf %div3A_81, %select_n3A_65 : f32
    %mul3A_83 = vector.broadcast %mul3A_82 : f32 to vector<2500x128xf32>
    %mul3A_84 = arith.mulf %div3A_53, %mul3A_83 : vector<2500x128xf32>
    %mul3A_85 = arith.constant 5.000000e-01 : f32
    %mul3A_86 = vector.broadcast %mul3A_85 : f32 to vector<2500x128xf32>
    %mul3A_87 = arith.mulf %mul3A_86, %mul3A_84 : vector<2500x128xf32>
    %sqrt3A_88 = arith.constant 2.000000e+00 : f32
    %sqrt3A_89 = math.sqrt %sqrt3A_88 : f32
    %div3A_90 = vector.broadcast %sqrt3A_89 : f32 to vector<2500x128xf32>
    %div3A_91 = arith.divf %mul3A_84, %div3A_90 : vector<2500x128xf32>
    %erf3A = math.erf %div3A_91 : vector<2500x128xf32>
    %add3A_92 = arith.constant 1.000000e+00 : f32
    %add3A_93 = vector.broadcast %add3A_92 : f32 to vector<2500x128xf32>
    %add3A_94 = arith.addf %add3A_93, %erf3A : vector<2500x128xf32>
    %mul3A_95 = arith.mulf %mul3A_87, %add3A_94 : vector<2500x128xf32>
    %neg3A = arith.constant 0.000000e+00 : f32
    %neg3A_96 = vector.broadcast %neg3A : f32 to vector<2500x128xf32>
    %neg3A_97 = arith.subf %neg3A_96, %mul3A_95 : vector<2500x128xf32>
    %exp3A = math.exp %neg3A_97 : vector<2500x128xf32>
    %swap3A = arith.constant 0 : index
    %swap3A_98 = arith.constant 0 : index
    %swap3A_99 = vector.load %arg2[%swap3A, %swap3A_98] : memref<2500x128xf32, #tpu.memory_space<vmem>>, vector<2500x128xf32>
    tpu.vector_store %arg2[%swap3A, %swap3A_98], %exp3A {strides = array<i32>} : memref<2500x128xf32, #tpu.memory_space<vmem>>, vector<2500x128xf32>,
    return
  }
}

module attributes {stable_mosaic.version = 14 : i64} {
  func.func @_finalize_body(%arg0: memref<2x10000x144xf32, #tpu.memory_space<vmem>>, %arg1: memref<10000x128xf32, #tpu.memory_space<vmem>>) attributes {dimension_semantics = [], scalar_prefetch = 0 : i64, scratch_operands = 0 : i64, tpu.core_type = #tpu.core_type<tc>} {
    %get3A = arith.constant 0 : index
    %get3A_0 = arith.constant 0 : index
    %get3A_1 = arith.constant 0 : index
    %get3A_2 = vector.load %arg0[%get3A, %get3A_0, %get3A_1] : memref<2x10000x144xf32, #tpu.memory_space<vmem>>, vector<1x10000x144xf32>
    %get3A_3 = vector.shape_cast %get3A_2 : vector<1x10000x144xf32> to vector<10000x144xf32>
    %get3A_4 = arith.constant 1 : index
    %get3A_5 = arith.constant 0 : index
    %get3A_6 = arith.constant 0 : index
    %get3A_7 = vector.load %arg0[%get3A_4, %get3A_5, %get3A_6] : memref<2x10000x144xf32, #tpu.memory_space<vmem>>, vector<1x10000x144xf32>
    %get3A_8 = vector.shape_cast %get3A_7 : vector<1x10000x144xf32> to vector<10000x144xf32>
    %add3A = arith.addf %get3A_3, %get3A_8 : vector<10000x144xf32>
    %slice3A = vector.extract_strided_slice %add3A {offsets = [0, 0], sizes = [10000, 128], strides = [1, 1]} : vector<10000x144xf32> to vector<10000x128xf32>
    %iota3A = tpu.iota {dimensions = array<i32: 1>} : vector<10000x144xi32>
    %eq3A = arith.constant 128 : i32
    %eq3A_9 = vector.broadcast %eq3A : i32 to vector<10000x144xi32>
    %eq3A_10 = arith.cmpi eq, %iota3A, %eq3A_9 : vector<10000x144xi32>
    %jit3A = arith.constant 0.000000e+00 : f32
    %broadcast_in_dim3A = vector.broadcast %jit3A : f32 to vector<10000x144xf32>
    %select_n3A = arith.select %eq3A_10, %add3A, %broadcast_in_dim3A : vector<10000x144xi1>, vector<10000x144xf32>
    %reduce_sum3A = arith.constant dense<0.000000e+00> : vector<10000xf32>
    %reduce_sum3A_11 = vector.multi_reduction <add>, %select_n3A, %reduce_sum3A [1] : vector<10000x144xf32> to vector<10000xf32>
    %broadcast_in_dim3A_12 = vector.shape_cast %reduce_sum3A_11 : vector<10000xf32> to vector<10000x1xf32>
    %div3A = vector.broadcast %broadcast_in_dim3A_12 : vector<10000x1xf32> to vector<10000x128xf32>
    %div3A_13 = arith.divf %slice3A, %div3A : vector<10000x128xf32>
    %max3A = arith.constant 0.000000e+00 : f32
    %max3A_14 = vector.broadcast %max3A : f32 to vector<10000x128xf32>
    %max3A_15 = arith.maximumf %div3A_13, %max3A_14 : vector<10000x128xf32>
    %mul3A = arith.mulf %max3A_15, %max3A_15 : vector<10000x128xf32>
    %reduce_sum3A_16 = arith.constant dense<0.000000e+00> : vector<10000xf32>
    %reduce_sum3A_17 = vector.multi_reduction <add>, %mul3A, %reduce_sum3A_16 [1] : vector<10000x128xf32> to vector<10000xf32>
    %broadcast_in_dim3A_18 = vector.shape_cast %reduce_sum3A_17 : vector<10000xf32> to vector<10000x1xf32>
    %sqrt3A = math.sqrt %broadcast_in_dim3A_18 : vector<10000x1xf32>
    %jit3A_19 = arith.constant 1.000000e-15 : f32
    %max3A_20 = vector.broadcast %jit3A_19 : f32 to vector<10000x1xf32>
    %max3A_21 = arith.maximumf %max3A_20, %sqrt3A : vector<10000x1xf32>
    %jit3A_22 = arith.constant -1.500000e+01 : f32
    %jit3A_23 = arith.constant 1.500000e+01 : f32
    %max3A_24 = vector.broadcast %jit3A_22 : f32 to vector<10000x1xf32>
    %max3A_25 = arith.maximumf %max3A_24, %max3A_21 : vector<10000x1xf32>
    %min3A = vector.broadcast %jit3A_23 : f32 to vector<10000x1xf32>
    %min3A_26 = arith.minimumf %min3A, %max3A_25 : vector<10000x1xf32>
    %tanh3A = math.tanh %min3A_26 : vector<10000x1xf32>
    %mul3A_27 = vector.broadcast %tanh3A : vector<10000x1xf32> to vector<10000x128xf32>
    %mul3A_28 = arith.mulf %mul3A_27, %max3A_15 : vector<10000x128xf32>
    %div3A_29 = vector.broadcast %max3A_21 : vector<10000x1xf32> to vector<10000x128xf32>
    %div3A_30 = arith.divf %mul3A_28, %div3A_29 : vector<10000x128xf32>
    %mul3A_31 = arith.mulf %div3A_30, %div3A_30 : vector<10000x128xf32>
    %reduce_sum3A_32 = arith.constant dense<0.000000e+00> : vector<10000xf32>
    %reduce_sum3A_33 = vector.multi_reduction <add>, %mul3A_31, %reduce_sum3A_32 [1] : vector<10000x128xf32> to vector<10000xf32>
    %broadcast_in_dim3A_34 = vector.shape_cast %reduce_sum3A_33 : vector<10000xf32> to vector<10000x1xf32>
    %sqrt3A_35 = math.sqrt %broadcast_in_dim3A_34 : vector<10000x1xf32>
    %jit3A_36 = arith.constant 1.000000e-15 : f32
    %max3A_37 = vector.broadcast %jit3A_36 : f32 to vector<10000x1xf32>
    %max3A_38 = arith.maximumf %max3A_37, %sqrt3A_35 : vector<10000x1xf32>
    %gt3A = arith.constant 0.995999991 : f32
    %gt3A_39 = vector.broadcast %gt3A : f32 to vector<10000x1xf32>
    %gt3A_40 = arith.cmpf ogt, %max3A_38, %gt3A_39 : vector<10000x1xf32>
    %div3A_41 = vector.broadcast %max3A_38 : vector<10000x1xf32> to vector<10000x128xf32>
    %div3A_42 = arith.divf %div3A_30, %div3A_41 : vector<10000x128xf32>
    %mul3A_43 = arith.constant 0.995999991 : f32
    %mul3A_44 = vector.broadcast %mul3A_43 : f32 to vector<10000x128xf32>
    %mul3A_45 = arith.mulf %div3A_42, %mul3A_44 : vector<10000x128xf32>
    %broadcast_in_dim3A_46 = vector.shape_cast %gt3A_40 : vector<10000x1xi1> to vector<10000x1xi1>
    %broadcast_in_dim3A_47 = vector.broadcast %broadcast_in_dim3A_46 : vector<10000x1xi1> to vector<10000x128xi1>
    %select_n3A_48 = arith.select %broadcast_in_dim3A_47, %mul3A_45, %div3A_30 : vector<10000x128xi1>, vector<10000x128xf32>
    %swap3A = arith.constant 0 : index
    %swap3A_49 = arith.constant 0 : index
    %swap3A_50 = vector.load %arg1[%swap3A, %swap3A_49] : memref<10000x128xf32, #tpu.memory_space<vmem>>, vector<10000x128xf32>
    tpu.vector_store %arg1[%swap3A, %swap3A_49], %select_n3A_48 {strides = array<i32>} : memref<10000x128xf32, #tpu.memory_space<vmem>>, vector<10000x128xf32>,
    return
  }
}

</mosaic_0001>

<sc_bundles>
// kernel: kernel.10.cloned.1.call-start
scs
__scs_entry_jumppad:
0x0: {  	(pc) =	sbr.rel $0x88, $3  }
0x1: {  	(tag) =	ssettag $0x0;
	lr =	simm.s32 $0x1  }
0x2: {  	[smem:$0x3F9D] =	sst lr;
	_ =	strace $0xD0000000  }
0x3: {  	_ = 	snop  }
0x4: {  	_ = 	snop  }
0x5: {  	_ = 	snop  }
0x6: {  	_ = 	snop  }
0x7: {  	_ = 	snop  }
__scs_overlays_trampoline_lowered:
0x8: {  	[smem:$0x3FAC] =	sst s0  }
0x9: {  	[smem:$0x3FAD] =	sst s1  }
0xa: {  	[smem:$0x3FAE] =	sst s2  }
0xb: {  	[smem:$0x3FAF] =	sst s3  }
0xc: {  	[smem:$0x3FB0] =	sst s4  }
0xd: {  	[smem:$0x3FB1] =	sst s5  }
0xe: {  	[smem:$0x3FB2] =	sst s6  }
0xf: {  	[smem:$0x3FB3] =	sst s7  }
0x10: {  	[smem:$0x3FB4] =	sst s8  }
0x11: {  	[smem:$0x3FB5] =	sst s9;
	s0 =	simm.s32 @!p0 $0x0  }
0x12: {  	s1 =	sld [smem:$0x3F9B];
	s0 =	simm.s32 @p0 $0x1  }
0x13: {  	[smem:$0x3FB6] =	sst s0;
	s0 =	simm.s32 @!p1 $0x0  }
0x14: {  	s2 =	sld [smem:$0x3F9A];
	s0 =	simm.s32 @p1 $0x1  }
0x15: {  	[smem:$0x3FB7] =	sst s0;
	s0 =	simm.s32 @!p2 $0x0  }
0x16: {  	s3 =	sld [smem:$0x3FDB];
	s0 =	simm.s32 @p2 $0x1  }
0x17: {  	s4 =	simm.s32 $0x1BF5;
	[smem:$0x3FB9] =	sst s0  }
0x18: {  	s0 =	sld [smem:$0x3F9C];
	_ =	swait.ge [sflag:s4], $0x0  }
0x19: {  	s7 =	sld [smem:$0x3F9D]  }
0x1a: {  	s8 =	sadd.s32 $0xFFFFE003, lr  }
0x1b: {  	s9 =	sadd.s32 $0xFFFFFEF7, lr;
	s5 =	simm.s32 $0xFFFFFFFF;
	p2 =	slt.u32 s8, $0xFFFFF086  }
0x1c: {  	p1 =	slt.u32 s9, $0xF7A;
	s5 =	simm.s32 @!p2 $0x0  }
0x1d: {  	s5 =	simm.s32 @p1 $0x1;
	p0 =	seq.s32 s7, s2  }
0x1e: {  	s7 =	smul.u32 @!p0 $0xF7A, s2;
	p2 =	seq.s32 @!p0 s5, $0x0  }
0x1f: {  	s9 =	smul.u32 $0xF7A, s1;
	s8 =	simm.s32 @!p0 $0x1BF5;
	p2 =	por !p2, p0  }
0x20: {  	[sflag:s8] =	ssyncset.s32 @!p0 $0xFFFFF086;
	s6 =	sadd.s32 @!p0 s3, s7;
	s7 =	simm.s32 @!p0 $0x108  }
0x21: {  	s3 =	sadd.s32 s3, s9;
	s6 =	sadd.s32 @!p0 $0x88, s6;
	s7 =	simm.s32 @p2 $0x1082  }
0x22: {  	[simem:s7], [sflag:s8] =	dma.local @!p0 [hbm:s6], $0xF7A  }
0x23: {  	s9 =	sor.u32 $0xD0000000, s2;
	s6 =	simm.s32 $0x108;
	_ =	swait.ge @!p0 [sflag:s8], $0x0  }
0x24: {  	s3 =	sadd.s32 $0x88, s3;
	s6 =	simm.s32 @!p1 $0x1082;
	[sflag:s4] =	ssyncset.s32 $0xFFFFF086  }
0x25: {  	[simem:s6], [sflag:s4] =	dma.local [hbm:s3], $0xF7A  }
0x26: {  	[smem:$0x3F9D] =	sst s1;
	(tag) =	ssettag s2;
	_ =	strace s9  }
0x27: {  	s1 =	sld [smem:$0x3FAD]  }
0x28: {  	s2 =	sld [smem:$0x3FAE]  }
0x29: {  	s4 =	sld [smem:$0x3FB0]  }
0x2a: {  	p0 =	seq.s32 s5, $0x0;
	s5 =	sld [smem:$0x3FB1]  }
0x2b: {  	s6 =	sld [smem:$0x3FB2]  }
0x2c: {  	s7 =	sld [smem:$0x3FB3]  }
0x2d: {  	s3 =	simm.s32 $0x108;
	s8 =	sld [smem:$0x3FB4]  }
0x2e: {  	s3 =	simm.s32 @!p0 $0x1082;
	s9 =	sld [smem:$0x3FB5]  }
0x2f: {  	lr =	sadd.s32 s0, s3;
	s0 =	sld [smem:$0x3FAC]  }
0x30: {  	s3 =	sld [smem:$0x3FAF]  }
0x31: {  	[smem:$0x3FB8] =	sst s10  }
0x32: {  	s10 =	sld [smem:$0x3FB6];
	_ =	sdelay $0x3  }
0x33: {  	p0 =	seq.s32 s10, $0x1;
	s10 =	sld [smem:$0x3FB8];
	_ =	sdelay $0x3  }
0x34: {  	[smem:$0x3FB8] =	sst s10  }
0x35: {  	s10 =	sld [smem:$0x3FB7];
	_ =	sdelay $0x3  }
0x36: {  	p1 =	seq.s32 s10, $0x1;
	s10 =	sld [smem:$0x3FB8];
	_ =	sdelay $0x3  }
0x37: {  	[smem:$0x3FB8] =	sst s10  }
0x38: {  	s10 =	sld [smem:$0x3FB9]  }
0x39: {  	_ = 	snop;
	(pc) =	sbr.ind lr, $3  }
0x3a: {  	_ = 	snop  }
0x3b: {  	_ = 	snop  }
0x3c: {  	p2 =	seq.s32 s10, $0x1;
	s10 =	sld [smem:$0x3FB8]  }
0x3d: {  	_ =	shalt  }
0x3e: {  	_ =	shalt  }
0x3f: {  	_ =	shalt  }
0x40: {  	_ =	shalt  }
0x41: {  	_ =	shalt  }
0x42: {  	_ =	shalt  }
0x43: {  	_ =	shalt  }
0x44: {  	_ =	shalt  }
0x45: {  	_ =	shalt  }
0x46: {  	_ =	shalt  }
0x47: {  	_ =	shalt  }
0x48: {  	_ =	shalt  }
0x49: {  	_ =	shalt  }
0x4a: {  	_ =	shalt  }
0x4b: {  	_ =	shalt  }
0x4c: {  	_ =	shalt  }
0x4d: {  	_ =	shalt  }
0x4e: {  	_ =	shalt  }
0x4f: {  	_ =	shalt  }
0x50: {  	_ =	shalt  }
0x51: {  	_ =	shalt  }
0x52: {  	_ =	shalt  }
0x53: {  	_ =	shalt  }
0x54: {  	_ =	shalt  }
0x55: {  	_ =	shalt  }
0x56: {  	_ =	shalt  }
0x57: {  	_ =	shalt  }
0x58: {  	_ =	shalt  }
0x59: {  	_ =	shalt  }
0x5a: {  	_ =	shalt  }
0x5b: {  	_ =	shalt  }
0x5c: {  	_ =	shalt  }
0x5d: {  	_ =	shalt  }
0x5e: {  	_ =	shalt  }
0x5f: {  	_ =	shalt  }
0x60: {  	_ =	shalt  }
0x61: {  	_ =	shalt  }
0x62: {  	_ =	shalt  }
0x63: {  	_ =	shalt  }
0x64: {  	_ =	shalt  }
0x65: {  	_ =	shalt  }
0x66: {  	_ =	shalt  }
0x67: {  	_ =	shalt  }
0x68: {  	_ =	shalt  }
0x69: {  	_ =	shalt  }
0x6a: {  	_ =	shalt  }
0x6b: {  	_ =	shalt  }
0x6c: {  	_ =	shalt  }
0x6d: {  	_ =	shalt  }
0x6e: {  	_ =	shalt  }
0x6f: {  	_ =	shalt  }
0x70: {  	_ =	shalt  }
0x71: {  	_ =	shalt  }
0x72: {  	_ =	shalt  }
0x73: {  	_ =	shalt  }
0x74: {  	_ =	shalt  }
0x75: {  	_ =	shalt  }
0x76: {  	_ =	shalt  }
0x77: {  	_ =	shalt  }
0x78: {  	_ =	shalt  }
0x79: {  	_ =	shalt  }
0x7a: {  	_ =	shalt  }
0x7b: {  	_ =	shalt  }
0x7c: {  	_ =	shalt  }
0x7d: {  	_ =	shalt  }
0x7e: {  	_ =	shalt  }
0x7f: {  	_ =	shalt  }
0x80: {  	_ =	shalt  }
0x81: {  	_ =	shalt  }
0x82: {  	_ =	shalt  }
0x83: {  	_ =	shalt  }
0x84: {  	_ =	shalt  }
0x85: {  	_ =	shalt  }
0x86: {  	_ =	shalt  }
0x87: {  	_ =	shalt  }
.Lfunc_end0:
.L_simem_size_0:
called_computation.1_lowered:
.L_overlay_start_0:
0x88: {  	s2 =	sld [smem:$0x3FD9]  }
0x89: {  	s3 =	sld [smem:$0x3FFE];
	_ =	sdelay $0x1  }
0x8a: {  	s1 =	srdreg.scid  }
0x8b: {  	s0 =	sand.u32 $0x1, s1  }
0x8c: {  	s17 =	sshll.u32 s0, $0xA;
	s2 =	sadd.s32 s3, s2  }
0x8d: {  	s2 =	sadd.s32 s2, s17  }
0x8e: {  	[smem:$0x3FC4] =	sst s2  }
0x8f: {  	_ = 	snop  }
0x90: {  	s2 =	sld [smem:$0x3FD0];
	(tm) =	ssettm $0x1  }
0x91: {  	s18 =	sld [smem:$0x3FFB];
	_ =	sdelay $0x3  }
0x92: {  	_ =	strace s18  }
0x93: {  	s3 =	sld [smem:$0x3FFC];
	_ =	sdelay $0x3  }
0x94: {  	_ =	strace s3  }
0x95: {  	s3 =	sld [smem:$0x3FFD];
	_ =	sdelay $0x3  }
0x96: {  	_ =	strace s3  }
0x97: {  	_ =	strace $0x8FFFFFFF  }
0x98: {  	s19 =	sld [smem:$0x3FDB];
	_ =	sdelay $0x1  }
0x99: {  	s4 =	simm.s32 $_scs_section_size  }
0x9a: {  	s5 =	simm.s32 $_size__tile_overlayer_lowered;
	s6 =	simm.s32 $_tile_overlayer_lowered  }
0x9b: {  	s22 =	simm.s32 $0x1BFF;
	s21 =	sshll.u32 s6, $0x1;
	s3 =	sadd.s32 s4, s19  }
0x9c: {  	s7 =	simm.s32 $0x0;
	s20 =	sshll.u32 s5, $0x1;
	s5 =	sadd.s32 s21, s3  }
0x9d: {  	[timem:s7], [sflag:s22] =	dma.local [hbm:s5], s20  }
0x9e: {  	_ =	swait.ge [sflag:s22], s20  }
0x9f: {  	s4 =	ssub.s32 $0x0, s20;
	[sflag:s22] =	ssyncset.done $0x0  }
0xa0: {  	[sflag:s22] =	ssyncadd.s32 s4;
	_ =	sdelay $0x1  }
0xa1: {  	s23 =	simm.s32 $0x1B8B  }
0xa2: {  	_ =	swait.ge [sflag:s23], $0x1  }
0xa3: {  	[sflag:s23] =	ssyncset.done $0x0  }
0xa4: {  	s25 =	simm.s32 $0x1B8E;
	s24 =	sld [smem:$0x3FFE];
	[sflag:s23] =	ssyncadd.s32 $0xFFFFFFFF  }
0xa5: {  	s26 =	simm.s32 $execute0_lowered;
	[smem:$0x3FD2] =	sst s25  }
0xa6: {  	s5 =	sshll.u32 s26, $0x1;
	_ =	strace $0x80000049;
	[dreg:$0x1] =	wrdreg $0xFFFFFFFF  }
0xa7: {  	s28 =	simm.s32 $_size_execute0_lowered;
	s3 =	sadd.s32 s3, s5;
	[dreg:$0x0] =	wrdreg $0x0  }
0xa8: {  	s5 =	sshll.u32 s28, $0x1;
	[dreg:$0x2] =	wrdreg s3  }
0xa9: {  	[dreg:$0x3] =	wrdreg s5  }
0xaa: {  	[dreg:$0x4] =	wrdreg $0xC0  }
0xab: {  	_ =	task [dreg:s7], $0x5FFFF  }
0xac: {  	[dreg:$0x1] =	wrdreg $0xFFFFFFFF  }
0xad: {  	[dreg:$0x0] =	wrdreg $0x60  }
0xae: {  	[dreg:$0x2] =	wrdreg s24  }
0xaf: {  	[dreg:$0x3] =	wrdreg s2  }
0xb0: {  	[dreg:$0x4] =	wrdreg $0x8AC00  }
0xb1: {  	[dreg:$0x5] =	wrdreg $0x9  }
0xb2: {  	_ =	task.clear_ibuf [dreg:s7], $0x6FFFF;
	_ =	strace $0x90000049  }
0xb3: {  	s29 =	simm.s32 $0x9;
	_ =	strace $0x8000004B  }
0xb4: {  	_ =	swait.ge [sflag:s29], $0x1  }
0xb5: {  	[sflag:s29] =	ssyncadd.s32 $0xFFFFFFFF  }
0xb6: {  	_ =	strace $0x9000004B  }
0xb7: {  	_ =	sfence  }
0xb8: {  	s30 =	sld [smem:$0x0];
	_ =	sdelay $0x2  }
0xb9: {  	s31 =	sshll.u32 s1, $0xD;
	s1 =	sshrl.u32 s1, $0x2  }
0xba: {  	s3 =	sand.u32 $0x4000, s31;
	s1 =	sadd.s32 s1, s30  }
0xbb: {  	s0 =	sor.u32 s3, s0;
	s1 =	sshll.u32 s1, $0x11  }
0xbc: {  	s0 =	sor.u32 s1, s0  }
0xbd: {  	s0 =	sadd.s32 $0x8F2B, s0  }
0xbe: {  	[sflag:s0] =	ssyncadd.remote.s32 $0x1  }
0xbf: {  	_ =	sfence.sel $0xFFFF  }
0xc0: {  	[dreg:$0x0] =	wrdreg $0xFFFFFFFF;
	(pc) =	sbr.abs _section_cstart, $3  }
0xc1: {  	[dreg:$0x1] =	wrdreg $0xFFFFFFFF  }
0xc2: {  	_ =	task.clear_ibuf [dreg:s7], $0x2FFFF;
	_ =	strace $0x9FFFFFFF  }
0xc3: {  	(tm) =	ssettm $0x7FFFFFFF  }
tec
execute0_lowered:
.L_overlay_start_1:
0x0: {  	(tag) =	ssettag $0x1  }
0x1: {  	s0 =	rddreg [dreg:$0x0]  }
0x2: {  	s1 =	rddreg [dreg:$0x1]  }
0x3: {  	s3 =	rddreg [dreg:$0x2]  }
0x4: {  	s4 =	simm.s32 $0x0;
	s13 =	stileid.u32;
	s2 =	srdreg.scid  }
0x5: {  	s15 =	simm.s32 $0xA;
	s28 =	simm.s32 $0x230;
	s29 =	simm.s32 $0x7  }
0x6: {  	s30 =	simm.s32 $0x3C0;
	s31 =	simm.s32 $0x8;
	s14 =	simm.s32 $0x280  }
0x7: {  	[smem:$0x7FF] =	sst s4;
	s8 =	smul.u32 $0x15F90, s13;
	s2 =	sand.u32 $0x1, s2  }
0x8: {  	s5 =	sadd.s32 $0x20400, s0;
	s6 =	sadd.s32 $0x1800, s0;
	s7 =	sadd.s32 $0xB600, s0  }
0x9: {  	s11 =	sshll.u32 s13, $0x1;
	s18 =	sshll.u32 s13, $0x6;
	_ =	strace $0x8000004A  }
0xa: {  	s9 =	smul.u32 $0x15F900, s2;
	s12 =	ssub.s32 $0x2, s2;
	s2 =	sor.u32 s2, s11  }
0xb: {  	s13 =	sor.u32 $0x1C0A, s18;
	s10 =	sshrl.u32 s8, $0x3;
	s17 =	sshrl.u32 s12, $0x1  }
0xc: {  	s2 =	smul.u32 $0x2710, s2;
	[dreg:$0x5] =	wrdreg s13;
	s9 =	sadd.s32 s8, s9  }
0xd: {  	s10 =	sadd.s32 s10, s0;
	s8 =	sadd.s32 s8, s3;
	s9 =	sshrl.u32 s9, $0x3  }
0xe: {  	s10 =	sadd.s32 $0x4D400, s10;
	s19 =	sshrl.u32 s2, $0x3;
	s16 =	sadd.s32 $0xA0, s2  }
0xf: {  	s18 =	sadd.s32 $0x140, s2;
	s11 =	sshrl.u32 s8, $0x3;
	s8 =	simm.s32 $0x2  }
0x10: {  	s0 =	sadd.s32 s9, s0;
	s9 =	ssub.s32 s12, s17;
	[dreg:$0x4] =	wrdreg s10  }
0x11: {  	s20 =	sadd.s32 s6, s19;
	s21 =	sadd.s32 s1, s19;
	[dreg:$0xe] =	wrdreg s11  }
0x12: {  	s22 =	sadd.s32 $0xA, s19;
	s10 =	sadd.s32 s7, s19;
	[dreg:$0x6] =	wrdreg s20  }
0x13: {  	s17 =	sadd.s32 $0xF0, s2;
	s2 =	simm.s32 $0x1;
	[dreg:$0x7] =	wrdreg s21  }
0x14: {  	s12 =	simm.s32 $0x4;
	[dreg:$0x8] =	wrdreg s10;
	s23 =	sadd.s32 s6, s22  }
0x15: {  	s19 =	simm.s32 $0x5DC0;
	s24 =	sadd.s32 s1, s22;
	[dreg:$0x9] =	wrdreg s23  }
.Ltmp0:
0x16: {  	s25 =	sadd.s32 s7, s22;
	[dreg:$0xa] =	wrdreg s24;
	(pc) =	sbr.rel .LBB2_1-.Ltmp0, $4  }
0x17: {  	s0 =	sadd.s32 $0x79400, s0;
	s26 =	smax.u32 s9, $0x1;
	[dreg:$0xb] =	wrdreg s25  }
0x18: {  	s10 =	simm.s32 $0x320;
	s20 =	simm.s32 $0x0;
	[dreg:$0xc] =	wrdreg s0  }
0x19: {  	[dreg:$0xd] =	wrdreg s26;
	s23 =	simm.s32 $0xF0;
	s24 =	simm.s32 $0x1E0  }
0x1a: {  	s25 =	simm.s32 $0x50;
	s26 =	simm.s32 $0x140;
	s0 =	simm.s32 $0x30C0  }
.LBB2_10:
0x1b: {  	[spmem:s3] =	stream.indirect.scatter.add.f32 [tilespmem:s0], [sflag:$0x5], $0x90, s10, s25, $0xb8;
	[tilespmem:$0x1EA50] =	vst v63  }
0x1c: {  	s9 =	simm.s32 $0x6  }
0x1d: {  	_ =	swait.ge [sflag:s9], $0x2D00  }
0x1e: {  	[sflag:s9] =	ssyncset.done $0x0  }
0x1f: {  	[sflag:s9] =	ssyncadd.s32 $0xFFFFD300  }
0x20: {  	_ =	swait.ge [sflag:s12], $0x2D00  }
0x21: {  	[sflag:s12] =	ssyncset.done $0x0  }
0x22: {  	s20 =	simm.s32 $0x5;
	[sflag:s12] =	ssyncadd.s32 $0xFFFFD300  }
0x23: {  	_ =	swait.ge [sflag:s20], $0x2D00  }
0x24: {  	[sflag:s20] =	ssyncset.done $0x0  }
0x25: {  	[sflag:s20] =	ssyncadd.s32 $0xFFFFD300  }
0x26: {  	[bflag:$0x0] =	sbarrier.arrive $0xFFFF  }
0x27: {  	s13 =	rddreg [dreg:$0x5]  }
0x28: {  	s21 =	rddreg [dreg:$0xc]  }
0x29: {  	s15 =	simm.s32 $0xA;
	s11 =	rddreg [dreg:$0xe]  }
0x2a: {  	[hbm:s21], [sflag:s13] =	dma.local [spmem:s11], $0x2BF2  }
0x2b: {  	_ =	swait.ge [sflag:s15], $0x2BF2  }
0x2c: {  	s20 =	rddreg [dreg:$0xf]  }
0x2d: {  	s22 =	rddreg [dreg:$0xd];
	s20 =	sadd.s32 $0x1, s20  }
0x2e: {  	p0 =	sne.s32 s20, s22  }
.Ltmp1:
0x2f: {  	_ = 	snop;
	(pc) =	sbr.rel @!p0 .LBB2_11-.Ltmp1, $3  }
0x30: {  	_ =	sdelay $0x1  }
0x31: {  	[sflag:s15] =	ssyncset.done $0x0  }
0x32: {  	[sflag:s15] =	ssyncadd.s32 $0xFFFFD40E  }
.LBB2_1:
0x33: {  	[dreg:$0xf] =	wrdreg s20  }
0x34: {  	s9 =	rddreg [dreg:$0x4]  }
0x35: {  	[spmem:s11], [sflag:s13] =	dma.local [hbm:s9], $0x2BF2  }
0x36: {  	_ =	swait.ge [sflag:s15], $0x2BF2  }
0x37: {  	[sflag:s15] =	ssyncset.done $0x0  }
0x38: {  	[sflag:s15] =	ssyncadd.s32 $0xFFFFD40E  }
0x39: {  	[bflag:$0x0] =	sbarrier.arrive $0xFFFF  }
0x3a: {  	s11 =	rddreg [dreg:$0x6]  }
0x3b: {  	[tilespmem:s4], [sflag:$0x7] =	stream.linear.gather [hbm4b:s11+s4], $0x50, $0x38;
	[tilespmem:$0x1EA50] =	vst v63  }
0x3c: {  	s13 =	rddreg [dreg:$0x7]  }
0x3d: {  	[tilespmem:s23], [sflag:$0x7] =	stream.linear.gather [hbm4b:s13+s4], $0x50, $0x38;
	[tilespmem:$0x1EA50] =	vst v63  }
0x3e: {  	s15 =	rddreg [dreg:$0x8]  }
0x3f: {  	[tilespmem:s24], [sflag:$0x7] =	stream.linear.gather [hbm4b:s15+s4], $0x50, $0x38;
	[tilespmem:$0x1EA50] =	vst v63  }
0x40: {  	s20 =	rddreg [dreg:$0x9]  }
0x41: {  	[tilespmem:s25], [sflag:$0x8] =	stream.linear.gather [hbm4b:s20+s4], $0x50, $0x38;
	[tilespmem:$0x1EA50] =	vst v63  }
0x42: {  	s21 =	rddreg [dreg:$0xa]  }
0x43: {  	[tilespmem:s26], [sflag:$0x8] =	stream.linear.gather [hbm4b:s21+s4], $0x50, $0x38;
	[tilespmem:$0x1EA50] =	vst v63  }
0x44: {  	s22 =	rddreg [dreg:$0xb]  }
0x45: {  	[tilespmem:s28], [sflag:$0x8] =	stream.linear.gather [hbm4b:s22+s4], $0x50, $0x38;
	[tilespmem:$0x1EA50] =	vst v63  }
0x46: {  	_ =	swait.ge [sflag:s29], $0x50  }
0x47: {  	[sflag:s29] =	ssyncset.done $0x0  }
0x48: {  	[sflag:s29] =	ssyncadd.s32 $0xFFFFFFB0  }
0x49: {  	_ =	swait.ge [sflag:s29], $0x50  }
0x4a: {  	[sflag:s29] =	ssyncset.done $0x0  }
0x4b: {  	[sflag:s29] =	ssyncadd.s32 $0xFFFFFFB0  }
0x4c: {  	_ =	swait.ge [sflag:s29], $0x50  }
0x4d: {  	[sflag:s29] =	ssyncset.done $0x0  }
0x4e: {  	s11 =	simm.s32 $0x0;
	[sflag:s29] =	ssyncadd.s32 $0xFFFFFFB0  }
0x4f: {  	[tilespmem:s30], [sflag:$0x1] =	stream.indirect.gather [hbm4b:s5+s25], $0x90, s23, s25, $0xb8;
	[tilespmem:$0x1EA50] =	vst v63  }
.LBB2_2:
0x50: {  	_ =	swait.ge [sflag:s31], $0x50  }
0x51: {  	[sflag:s31] =	ssyncset.done $0x0  }
0x52: {  	[sflag:s31] =	ssyncadd.s32 $0xFFFFFFB0  }
0x53: {  	_ =	swait.ge [sflag:s31], $0x50  }
0x54: {  	[sflag:s31] =	ssyncset.done $0x0  }
0x55: {  	[sflag:s31] =	ssyncadd.s32 $0xFFFFFFB0  }
0x56: {  	_ =	swait.ge [sflag:s31], $0x50  }
0x57: {  	p0 =	seq.s32 s11, $0x0;
	s13 =	simm.s32 $0x0;
	[sflag:s31] =	ssyncset.done $0x0  }
0x58: {  	s9 =	simm.s32 @!p0 $0x5;
	v0 =	vmov s13;
	[sflag:s31] =	ssyncadd.s32 $0xFFFFFFB0  }
0x59: {  	v0 =	vand.u32 $0xFFFFFFFC, v0;
	_ =	swait.ge @!p0 [sflag:s9], $0x2D00  }
0x5a: {  	v0 =	vbroadcast v0, $0x0;
	[sflag:s9] =	ssyncset.done @!p0 $0x0  }
0x5b: {  	[sflag:s9] =	ssyncadd.s32 @!p0 $0xFFFFD300  }
0x5c: {  	[tilespmem:s0], [sflag:$0x2] =	stream.indirect.gather [hbm4b:s5+s25], $0x90, s26, s25, $0xb8;
	[tilespmem:$0x1EA50] =	vst v63  }
0x5d: {  	_ =	swait.ge [sflag:s2], $0x2D00  }
0x5e: {  	[sflag:s2] =	ssyncset.done $0x0  }
0x5f: {  	[sflag:s2] =	ssyncadd.s32 $0xFFFFD300  }
0x60: {  	s13 =	simm.s32 $0x4E0;
	v0 =	vld.idx.msk [tilespmem:v0+s24+$0x0], $0xffff  }
0x61: {  	v2 =	vld [tilespmem:s13+$0xFFFFFEE0]  }
0x62: {  	v3 =	vld [tilespmem:s13+$0xFFFFFF60]  }
0x63: {  	v4 =	vld [tilespmem:s13+$0xFFFFFF00]  }
0x64: {  	v5 =	vld [tilespmem:s13+$0xFFFFFF10]  }
0x65: {  	v1 =	vld [tilespmem:s13+$0xFFFFFF30]  }
0x66: {  	v7 =	vld [tilespmem:s13+$0xFFFFFF50];
	v2 =	vmul.f32 v2, v0  }
0x67: {  	v9 =	vld [tilespmem:s13+$0xFFFFFF20];
	v3 =	vmul.f32 v3, v0  }
0x68: {  	s21 =	simm.s32 $0x1;
	v6 =	vld [tilespmem:s13+$0xFFFFFF40];
	v4 =	vmul.f32 v4, v0;
	[tilespmem:s13+$0xFFFFFEE0] =	vst v2  }
0x69: {  	v8 =	vld [tilespmem:s13+$0xFFFFFEF0];
	v2 =	vmul.f32 v5, v0;
	[tilespmem:s13+$0xFFFFFF60] =	vst v3;
	v3 =	vmov s21  }
0x6a: {  	v1 =	vmul.f32 v1, v0;
	[tilespmem:s13+$0xFFFFFF00] =	vst v4;
	v3 =	vand.u32 $0xFFFFFFFD, v3  }
0x6b: {  	v4 =	vmul.f32 v7, v0;
	[tilespmem:s13+$0xFFFFFF10] =	vst v2;
	v2 =	vbroadcast v3, $0x0  }
0x6c: {  	[tilespmem:s13+$0xFFFFFF30] =	vst v1;
	v1 =	vmul.f32 v9, v0  }
0x6d: {  	v3 =	vmul.f32 v6, v0;
	[tilespmem:s13+$0xFFFFFF50] =	vst v4  }
0x6e: {  	v4 =	vmul.f32 v8, v0;
	[tilespmem:s13+$0xFFFFFF20] =	vst v1  }
0x6f: {  	[tilespmem:s13+$0xFFFFFF40] =	vst v3  }
0x70: {  	[tilespmem:s13+$0xFFFFFEF0] =	vst v4;
	v3 =	vld [tilespmem:s13+$0xFFFFFF70]  }
0x71: {  	v2 =	vld.idx.msk [tilespmem:v2+s24+$0x0], $0xffff  }
0x72: {  	v4 =	vld [tilespmem:s13+$0xFFFFFFE0]  }
0x73: {  	v5 =	vld [tilespmem:s13+$0xFFFFFF90]  }
0x74: {  	v1 =	vld [tilespmem:s13+$0xFFFFFFC0]  }
0x75: {  	v6 =	vld [tilespmem:s13+$0xFFFFFFA0]  }
0x76: {  	v62 =	vld [tilespmem:s13+$0xFFFFFFF0];
	v3 =	vmul.f32 v3, v2  }
0x77: {  	v7 =	vld [tilespmem:s13+$0xFFFFFFB0];
	v4 =	vmul.f32 v4, v2  }
0x78: {  	s22 =	simm.s32 $0x2;
	v10 =	vld [tilespmem:s13+$0xFFFFFFD0];
	v5 =	vmul.f32 v5, v2;
	[tilespmem:s13+$0xFFFFFF70] =	vst v3  }
0x79: {  	v63 =	vld [tilespmem:s13+$0xFFFFFF80];
	v1 =	vmul.f32 v1, v2;
	[tilespmem:s13+$0xFFFFFFE0] =	vst v4;
	v4 =	vmov s22  }
0x7a: {  	v3 =	vmul.f32 v6, v2;
	[tilespmem:s13+$0xFFFFFF90] =	vst v5;
	v4 =	vand.u32 $0xFFFFFFFE, v4  }
0x7b: {  	v5 =	vmul.f32 v62, v2;
	[tilespmem:s13+$0xFFFFFFC0] =	vst v1;
	v6 =	vbroadcast v4, $0x0  }
0x7c: {  	[tilespmem:s13+$0xFFFFFFA0] =	vst v3;
	v3 =	vmul.f32 v7, v2  }
0x7d: {  	v0 =	vld [tilespmem:s13+$0x0];
	v4 =	vmul.f32 v10, v2;
	[tilespmem:s13+$0xFFFFFFF0] =	vst v5  }
0x7e: {  	v1 =	vld [tilespmem:s13+$0x40];
	v2 =	vmul.f32 v63, v2;
	[tilespmem:s13+$0xFFFFFFB0] =	vst v3  }
0x7f: {  	[tilespmem:s13+$0xFFFFFFD0] =	vst v4;
	v4 =	vld [tilespmem:s13+$0x30]  }
0x80: {  	[tilespmem:s13+$0xFFFFFF80] =	vst v2;
	v3 =	vld [tilespmem:s13+$0x80]  }
0x81: {  	s9 =	simm.s32 $0x3;
	s21 =	simm.s32 $0x7;
	s22 =	simm.s32 $0x4E0;
	v2 =	vld.idx.msk [tilespmem:v6+s24+$0x0], $0xffff  }
.LBB2_3:
0x82: {  	p0 =	sne.s32 s21, $0x4F  }
0x83: {  	v5 =	vld [tilespmem:s13+$0x20];
	s22 =	sadd.s32 $0x240, s22;
	s20 =	smov.u32 s21;
	s21 =	sadd.s32 $0x4, s21  }
0x84: {  	v6 =	vld [tilespmem:s13+$0x50]  }
0x85: {  	v7 =	vld [tilespmem:s13+$0x70]  }
0x86: {  	v8 =	vld [tilespmem:s13+$0x60];
	_ =	sdelay $0x1  }
0x87: {  	v0 =	vmul.f32 v0, v2;
	v1 =	vmul.f32 v1, v2  }
0x88: {  	v4 =	vmul.f32 v4, v2;
	v5 =	vmul.f32 v5, v2;
	v9 =	vld [tilespmem:s13+$0x10]  }
0x89: {  	v6 =	vmul.f32 v6, v2;
	[tilespmem:s13+$0x0] =	vst v0;
	v7 =	vmul.f32 v7, v2  }
0x8a: {  	v3 =	vmul.f32 v3, v2;
	[tilespmem:s13+$0x30] =	vst v4;
	v4 =	vmul.f32 v8, v2  }
0x8b: {  	[tilespmem:s13+$0x20] =	vst v5  }
0x8c: {  	v0 =	vld [tilespmem:s22+$0x0];
	[tilespmem:s13+$0x40] =	vst v1  }
0x8d: {  	v1 =	vld [tilespmem:s22+$0x40];
	v2 =	vmul.f32 v9, v2;
	[tilespmem:s13+$0x80] =	vst v3;
	v3 =	vmov s9;
	s9 =	smov.u32 s20  }
0x8e: {  	[tilespmem:s13+$0x50] =	vst v6;
	v5 =	vld [tilespmem:s13+$0xB0]  }
0x8f: {  	[tilespmem:s13+$0x60] =	vst v4;
	v4 =	vld [tilespmem:s13+$0x90]  }
0x90: {  	[tilespmem:s13+$0x10] =	vst v2;
	v2 =	vld [tilespmem:s13+$0xE0]  }
0x91: {  	[tilespmem:s13+$0x70] =	vst v7;
	v6 =	vld [tilespmem:s13+$0xC0]  }
0x92: {  	v3 =	vld.idx.msk [tilespmem:v3+s24+$0x0], $0xffff  }
0x93: {  	v7 =	vld [tilespmem:s13+$0xA0]  }
0x94: {  	v8 =	vld [tilespmem:s13+$0x100]  }
0x95: {  	v9 =	vld [tilespmem:s13+$0xD0]  }
0x96: {  	v10 =	vld [tilespmem:s13+$0xF0]  }
0x97: {  	v11 =	vld [tilespmem:s13+$0x110]  }
0x98: {  	v4 =	vmul.f32 v4, v3;
	v7 =	vmul.f32 v7, v3  }
0x99: {  	v5 =	vmul.f32 v5, v3;
	v6 =	vmul.f32 v6, v3  }
0x9a: {  	s20 =	sadd.s32 $0xFFFFFFFD, s9;
	v2 =	vmul.f32 v2, v3;
	[tilespmem:s13+$0x90] =	vst v4;
	v4 =	vmul.f32 v9, v3  }
0x9b: {  	v8 =	vmul.f32 v8, v3;
	v9 =	vmov s20;
	[tilespmem:s13+$0xB0] =	vst v5;
	v5 =	vmul.f32 v10, v3  }
0x9c: {  	v9 =	vand.u32 $0xFFFFFFFC, v9;
	[tilespmem:s13+$0xC0] =	vst v6;
	v3 =	vmul.f32 v11, v3  }
0x9d: {  	v6 =	vbroadcast v9, $0x0;
	[tilespmem:s13+$0xE0] =	vst v2  }
0x9e: {  	[tilespmem:s13+$0x110] =	vst v3  }
0x9f: {  	v2 =	vld [tilespmem:s22+$0xFFFFFF30];
	[tilespmem:s13+$0xD0] =	vst v4  }
0xa0: {  	v3 =	vld [tilespmem:s22+$0xFFFFFF10];
	[tilespmem:s13+$0x100] =	vst v8  }
0xa1: {  	v4 =	vld [tilespmem:s22+$0xFFFFFF40];
	[tilespmem:s13+$0xA0] =	vst v7  }
0xa2: {  	v7 =	vld [tilespmem:s22+$0xFFFFFF60];
	[tilespmem:s13+$0xF0] =	vst v5;
	s13 =	smov.u32 s22  }
0xa3: {  	v5 =	vld.idx.msk [tilespmem:v6+s24+$0x0], $0xffff  }
0xa4: {  	v6 =	vld [tilespmem:s22+$0xFFFFFEE0]  }
0xa5: {  	v8 =	vld [tilespmem:s22+$0xFFFFFF00]  }
0xa6: {  	v9 =	vld [tilespmem:s22+$0xFFFFFEF0]  }
0xa7: {  	v10 =	vld [tilespmem:s22+$0xFFFFFF20]  }
0xa8: {  	v11 =	vld [tilespmem:s22+$0xFFFFFF50]  }
0xa9: {  	v7 =	vmul.f32 v7, v5;
	v6 =	vmul.f32 v6, v5  }
0xaa: {  	v4 =	vmul.f32 v4, v5;
	v8 =	vmul.f32 v8, v5  }
0xab: {  	s20 =	sadd.s32 $0xFFFFFFFE, s9;
	v3 =	vmul.f32 v3, v5;
	[tilespmem:s22+$0xFFFFFEE0] =	vst v6;
	v6 =	vmul.f32 v9, v5  }
0xac: {  	v2 =	vmul.f32 v2, v5;
	v9 =	vmul.f32 v10, v5;
	[tilespmem:s22+$0xFFFFFF60] =	vst v7;
	v7 =	vmov s20  }
0xad: {  	[tilespmem:s22+$0xFFFFFF00] =	vst v8;
	v5 =	vmul.f32 v11, v5;
	v7 =	vand.u32 $0xFFFFFFFD, v7  }
0xae: {  	[tilespmem:s22+$0xFFFFFF10] =	vst v3;
	v3 =	vbroadcast v7, $0x0  }
0xaf: {  	[tilespmem:s22+$0xFFFFFF30] =	vst v2  }
0xb0: {  	[tilespmem:s22+$0xFFFFFF50] =	vst v5;
	v2 =	vld [tilespmem:s22+$0xFFFFFFC0]  }
0xb1: {  	[tilespmem:s22+$0xFFFFFF40] =	vst v4;
	v4 =	vld [tilespmem:s22+$0xFFFFFFD0]  }
0xb2: {  	[tilespmem:s22+$0xFFFFFF20] =	vst v9;
	v5 =	vld [tilespmem:s22+$0xFFFFFFA0]  }
0xb3: {  	[tilespmem:s22+$0xFFFFFEF0] =	vst v6;
	v6 =	vld [tilespmem:s22+$0xFFFFFFE0]  }
0xb4: {  	v3 =	vld.idx.msk [tilespmem:v3+s24+$0x0], $0xffff  }
0xb5: {  	v7 =	vld [tilespmem:s22+$0xFFFFFF70]  }
0xb6: {  	v8 =	vld [tilespmem:s22+$0xFFFFFF90]  }
0xb7: {  	v9 =	vld [tilespmem:s22+$0xFFFFFFB0]  }
0xb8: {  	v10 =	vld [tilespmem:s22+$0xFFFFFF80]  }
0xb9: {  	v11 =	vld [tilespmem:s22+$0xFFFFFFF0]  }
0xba: {  	v6 =	vmul.f32 v6, v3;
	v7 =	vmul.f32 v7, v3  }
0xbb: {  	v5 =	vmul.f32 v5, v3;
	v8 =	vmul.f32 v8, v3  }
0xbc: {  	s20 =	sadd.s32 $0xFFFFFFFF, s9;
	v4 =	vmul.f32 v4, v3;
	[tilespmem:s22+$0xFFFFFF70] =	vst v7;
	v7 =	vmul.f32 v9, v3  }
0xbd: {  	v2 =	vmul.f32 v2, v3;
	v9 =	vmul.f32 v10, v3;
	[tilespmem:s22+$0xFFFFFFE0] =	vst v6;
	v6 =	vmov s20  }
0xbe: {  	[tilespmem:s22+$0xFFFFFF90] =	vst v8;
	v3 =	vmul.f32 v11, v3;
	v6 =	vand.u32 $0xFFFFFFFE, v6  }
0xbf: {  	[tilespmem:s22+$0xFFFFFFA0] =	vst v5;
	v5 =	vbroadcast v6, $0x0  }
0xc0: {  	[tilespmem:s22+$0xFFFFFFC0] =	vst v2  }
.Ltmp2:
0xc1: {  	[tilespmem:s22+$0xFFFFFFF0] =	vst v3;
	(pc) =	sbr.rel @p0 .LBB2_3-.Ltmp2, $4  }
0xc2: {  	[tilespmem:s22+$0xFFFFFFB0] =	vst v7  }
0xc3: {  	[tilespmem:s22+$0xFFFFFFD0] =	vst v4;
	v4 =	vld [tilespmem:s22+$0x30]  }
0xc4: {  	[tilespmem:s22+$0xFFFFFF80] =	vst v9;
	v3 =	vld [tilespmem:s22+$0x80]  }
0xc5: {  	v2 =	vld.idx.msk [tilespmem:v5+s24+$0x0], $0xffff  }
0xc6: {  	_ =	sdelay $0x2  }
0xc7: {  	v5 =	vld [tilespmem:s13+$0x20]  }
0xc8: {  	v6 =	vld [tilespmem:s13+$0x50];
	v0 =	vmul.f32 v0, v2  }
0xc9: {  	v7 =	vld [tilespmem:s13+$0x60];
	v4 =	vmul.f32 v4, v2  }
0xca: {  	v8 =	vld [tilespmem:s13+$0x10];
	v1 =	vmul.f32 v1, v2;
	[tilespmem:s13+$0x0] =	vst v0  }
0xcb: {  	v3 =	vmul.f32 v3, v2;
	v0 =	vld [tilespmem:s13+$0x70];
	[tilespmem:s13+$0x30] =	vst v4  }
0xcc: {  	v5 =	vmul.f32 v5, v2;
	[tilespmem:s13+$0x40] =	vst v1  }
0xcd: {  	v4 =	vmul.f32 v6, v2;
	[tilespmem:s13+$0x80] =	vst v3  }
0xce: {  	v1 =	vmul.f32 v7, v2;
	v3 =	vmov s9;
	[tilespmem:s13+$0x20] =	vst v5  }
0xcf: {  	v5 =	vmul.f32 v8, v2;
	[tilespmem:s13+$0x50] =	vst v4  }
0xd0: {  	[tilespmem:s13+$0x60] =	vst v1;
	v0 =	vmul.f32 v0, v2  }
0xd1: {  	[tilespmem:s13+$0x10] =	vst v5  }
0xd2: {  	v1 =	vld [tilespmem:s13+$0x90];
	[tilespmem:s13+$0x70] =	vst v0  }
0xd3: {  	v0 =	vld.idx.msk [tilespmem:v3+s24+$0x0], $0xffff  }
0xd4: {  	v2 =	vld [tilespmem:s13+$0xB0]  }
0xd5: {  	v4 =	vld [tilespmem:s13+$0xC0]  }
0xd6: {  	v3 =	vld [tilespmem:s13+$0xE0]  }
0xd7: {  	v6 =	vld [tilespmem:s13+$0x110]  }
0xd8: {  	v7 =	vld [tilespmem:s13+$0xD0];
	v1 =	vmul.f32 v1, v0  }
0xd9: {  	v60 =	vld [tilespmem:s13+$0x100];
	v2 =	vmul.f32 v2, v0  }
0xda: {  	v5 =	vld [tilespmem:s13+$0xA0];
	v4 =	vmul.f32 v4, v0;
	[tilespmem:s13+$0x90] =	vst v1  }
0xdb: {  	v3 =	vmul.f32 v3, v0;
	v1 =	vld [tilespmem:s13+$0xF0];
	[tilespmem:s13+$0xB0] =	vst v2  }
0xdc: {  	[tilespmem:s13+$0xC0] =	vst v4;
	v2 =	vmul.f32 v6, v0  }
0xdd: {  	v4 =	vmul.f32 v7, v0;
	[tilespmem:s13+$0xE0] =	vst v3  }
0xde: {  	v3 =	vmul.f32 v60, v0;
	[tilespmem:s13+$0x110] =	vst v2  }
0xdf: {  	v2 =	vmul.f32 v5, v0;
	[tilespmem:s13+$0xD0] =	vst v4  }
0xe0: {  	[tilespmem:s13+$0x100] =	vst v3;
	v0 =	vmul.f32 v1, v0  }
0xe1: {  	[tilespmem:s13+$0xA0] =	vst v2  }
0xe2: {  	[tilespmem:s13+$0xF0] =	vst v0  }
0xe3: {  	v0 =	vld [tilespmem:$0x0]  }
0xe4: {  	v1 =	vld [tilespmem:$0x10]  }
0xe5: {  	v2 =	vld [tilespmem:$0x20]  }
0xe6: {  	v3 =	vld [tilespmem:$0x30]  }
0xe7: {  	v4 =	vld [tilespmem:$0x40]  }
0xe8: {  	[tilespmem:$0x2D0] =	vst v0  }
0xe9: {  	[tilespmem:$0x2E0] =	vst v1  }
0xea: {  	p0 =	seq.s32 s11, $0x29;
	[tilespmem:$0x2F0] =	vst v2  }
0xeb: {  	s20 =	simm.s32 @p0 $0x3C0;
	[tilespmem:$0x300] =	vst v3  }
0xec: {  	s21 =	smul.u32 @!p0 $0xF0, s11;
	s9 =	simm.s32 @p0 $0x50;
	s13 =	simm.s32 @p0 $0x2D0;
	[tilespmem:$0x310] =	vst v4  }
0xed: {  	[spmem:s3] =	stream.indirect.scatter.add.f32 @p0 [tilespmem:s20], [sflag:$0x4], $0x90, s13, s9, $0xb8;
	[tilespmem:$0x1EA50] =	vst v63  }
0xee: {  	s9 =	sadd.s32 @!p0 s21, s16  }
0xef: {  	s9 =	sshrl.u32 @!p0 s9, $0x3  }
0xf0: {  	s20 =	simm.s32 @!p0 $0x0;
	s21 =	simm.s32 @!p0 $0xA0;
	s13 =	sadd.s32 @!p0 s6, s9  }
0xf1: {  	[tilespmem:s21], [sflag:$0x9] =	stream.linear.gather @!p0 [hbm4b:s13+s20], $0x50, $0x38;
	[tilespmem:$0x1EA50] =	vst v63  }
0xf2: {  	s13 =	sadd.s32 @!p0 s1, s9;
	s21 =	simm.s32 @!p0 $0x190  }
0xf3: {  	[tilespmem:s21], [sflag:$0x9] =	stream.linear.gather @!p0 [hbm4b:s13+s20], $0x50, $0x38;
	[tilespmem:$0x1EA50] =	vst v63  }
0xf4: {  	s9 =	sadd.s32 @!p0 s7, s9;
	s13 =	simm.s32 @!p0 $0x280  }
0xf5: {  	[tilespmem:s13], [sflag:$0x9] =	stream.linear.gather @!p0 [hbm4b:s9+s20], $0x50, $0x38;
	[tilespmem:$0x1EA50] =	vst v63  }
0xf6: {  	s9 =	simm.s32 @!p0 $0x50;
	s13 =	simm.s32 @!p0 $0x2D0;
	s20 =	simm.s32 @!p0 $0x3C0  }
0xf7: {  	[spmem:s3] =	stream.indirect.scatter.add.f32 @!p0 [tilespmem:s20], [sflag:$0x4], $0x90, s13, s9, $0xb8;
	[tilespmem:$0x1EA50] =	vst v63  }
0xf8: {  	s13 =	simm.s32 @!p0 $0x9  }
0xf9: {  	_ =	swait.ge @!p0 [sflag:s13], $0x50  }
0xfa: {  	[sflag:s13] =	ssyncset.done @!p0 $0x0  }
0xfb: {  	[sflag:s13] =	ssyncadd.s32 @!p0 $0xFFFFFFB0  }
0xfc: {  	_ =	swait.ge @!p0 [sflag:s13], $0x50  }
0xfd: {  	[sflag:s13] =	ssyncset.done @!p0 $0x0  }
0xfe: {  	[sflag:s13] =	ssyncadd.s32 @!p0 $0xFFFFFFB0  }
0xff: {  	p1 =	seq.s32 @!p0 s11, $0x0;
	_ =	swait.ge @!p0 [sflag:s13], $0x50  }
0x100: {  	s15 =	simm.s32 $0x0;
	p1 =	por p1, p0;
	[sflag:s13] =	ssyncset.done @!p0 $0x0  }
0x101: {  	v0 =	vmov s15;
	[sflag:s13] =	ssyncadd.s32 @!p0 $0xFFFFFFB0;
	s13 =	simm.s32 @!p1 $0x6  }
0x102: {  	v0 =	vand.u32 $0xFFFFFFFC, v0;
	_ =	swait.ge @!p1 [sflag:s13], $0x2D00  }
0x103: {  	v0 =	vbroadcast v0, $0x0;
	[sflag:s13] =	ssyncset.done @!p1 $0x0  }
0x104: {  	[sflag:s13] =	ssyncadd.s32 @!p1 $0xFFFFD300;
	s13 =	simm.s32 @!p0 $0x5DC0  }
0x105: {  	[tilespmem:s13], [sflag:$0x3] =	stream.indirect.gather @!p0 [hbm4b:s5+s9], $0x90, s21, s9, $0xb8;
	[tilespmem:$0x1EA50] =	vst v63  }
0x106: {  	_ =	swait.ge [sflag:s8], $0x2D00  }
0x107: {  	[sflag:s8] =	ssyncset.done $0x0  }
0x108: {  	[sflag:s8] =	ssyncadd.s32 $0xFFFFD300  }
0x109: {  	s13 =	simm.s32 $0x31E0;
	v0 =	vld.idx.msk [tilespmem:v0+s28+$0x0], $0xffff  }
0x10a: {  	v2 =	vld [tilespmem:s13+$0xFFFFFEE0]  }
0x10b: {  	v3 =	vld [tilespmem:s13+$0xFFFFFF60]  }
0x10c: {  	v4 =	vld [tilespmem:s13+$0xFFFFFF00]  }
0x10d: {  	v5 =	vld [tilespmem:s13+$0xFFFFFF10]  }
0x10e: {  	v1 =	vld [tilespmem:s13+$0xFFFFFF30]  }
0x10f: {  	v7 =	vld [tilespmem:s13+$0xFFFFFF50];
	v2 =	vmul.f32 v2, v0  }
0x110: {  	v9 =	vld [tilespmem:s13+$0xFFFFFF20];
	v3 =	vmul.f32 v3, v0  }
0x111: {  	s21 =	simm.s32 $0x1;
	v6 =	vld [tilespmem:s13+$0xFFFFFF40];
	v4 =	vmul.f32 v4, v0;
	[tilespmem:s13+$0xFFFFFEE0] =	vst v2  }
0x112: {  	v61 =	vld [tilespmem:s13+$0xFFFFFEF0];
	v2 =	vmul.f32 v5, v0;
	[tilespmem:s13+$0xFFFFFF60] =	vst v3;
	v3 =	vmov s21  }
0x113: {  	v1 =	vmul.f32 v1, v0;
	[tilespmem:s13+$0xFFFFFF00] =	vst v4;
	v3 =	vand.u32 $0xFFFFFFFD, v3  }
0x114: {  	v4 =	vmul.f32 v7, v0;
	[tilespmem:s13+$0xFFFFFF10] =	vst v2;
	v2 =	vbroadcast v3, $0x0  }
0x115: {  	[tilespmem:s13+$0xFFFFFF30] =	vst v1;
	v1 =	vmul.f32 v9, v0  }
0x116: {  	v3 =	vmul.f32 v6, v0;
	[tilespmem:s13+$0xFFFFFF50] =	vst v4  }
0x117: {  	v4 =	vmul.f32 v61, v0;
	[tilespmem:s13+$0xFFFFFF20] =	vst v1  }
0x118: {  	[tilespmem:s13+$0xFFFFFF40] =	vst v3  }
0x119: {  	[tilespmem:s13+$0xFFFFFEF0] =	vst v4;
	v3 =	vld [tilespmem:s13+$0xFFFFFF70]  }
0x11a: {  	v2 =	vld.idx.msk [tilespmem:v2+s28+$0x0], $0xffff  }
0x11b: {  	v4 =	vld [tilespmem:s13+$0xFFFFFFE0]  }
0x11c: {  	v5 =	vld [tilespmem:s13+$0xFFFFFF90]  }
0x11d: {  	v1 =	vld [tilespmem:s13+$0xFFFFFFC0]  }
0x11e: {  	v6 =	vld [tilespmem:s13+$0xFFFFFFA0]  }
0x11f: {  	v62 =	vld [tilespmem:s13+$0xFFFFFFF0];
	v3 =	vmul.f32 v3, v2  }
0x120: {  	v7 =	vld [tilespmem:s13+$0xFFFFFFB0];
	v4 =	vmul.f32 v4, v2  }
0x121: {  	s22 =	simm.s32 $0x2;
	v10 =	vld [tilespmem:s13+$0xFFFFFFD0];
	v5 =	vmul.f32 v5, v2;
	[tilespmem:s13+$0xFFFFFF70] =	vst v3  }
0x122: {  	v63 =	vld [tilespmem:s13+$0xFFFFFF80];
	v1 =	vmul.f32 v1, v2;
	[tilespmem:s13+$0xFFFFFFE0] =	vst v4;
	v4 =	vmov s22  }
0x123: {  	v3 =	vmul.f32 v6, v2;
	[tilespmem:s13+$0xFFFFFF90] =	vst v5;
	v4 =	vand.u32 $0xFFFFFFFE, v4  }
0x124: {  	v5 =	vmul.f32 v62, v2;
	[tilespmem:s13+$0xFFFFFFC0] =	vst v1;
	v6 =	vbroadcast v4, $0x0  }
0x125: {  	[tilespmem:s13+$0xFFFFFFA0] =	vst v3;
	v3 =	vmul.f32 v7, v2  }
0x126: {  	v0 =	vld [tilespmem:s13+$0x0];
	v4 =	vmul.f32 v10, v2;
	[tilespmem:s13+$0xFFFFFFF0] =	vst v5  }
0x127: {  	v1 =	vld [tilespmem:s13+$0x40];
	v2 =	vmul.f32 v63, v2;
	[tilespmem:s13+$0xFFFFFFB0] =	vst v3  }
0x128: {  	[tilespmem:s13+$0xFFFFFFD0] =	vst v4;
	v4 =	vld [tilespmem:s13+$0x30]  }
0x129: {  	[tilespmem:s13+$0xFFFFFF80] =	vst v2;
	v3 =	vld [tilespmem:s13+$0x80]  }
0x12a: {  	s9 =	simm.s32 $0x3;
	s21 =	simm.s32 $0x7;
	s22 =	simm.s32 $0x31E0;
	v2 =	vld.idx.msk [tilespmem:v6+s28+$0x0], $0xffff  }
.LBB2_5:
0x12b: {  	p1 =	sne.s32 s21, $0x4F  }
0x12c: {  	v5 =	vld [tilespmem:s13+$0x20];
	s22 =	sadd.s32 $0x240, s22;
	s20 =	smov.u32 s21;
	s21 =	sadd.s32 $0x4, s21  }
0x12d: {  	v6 =	vld [tilespmem:s13+$0x50]  }
0x12e: {  	v7 =	vld [tilespmem:s13+$0x70]  }
0x12f: {  	v8 =	vld [tilespmem:s13+$0x60];
	_ =	sdelay $0x1  }
0x130: {  	v0 =	vmul.f32 v0, v2;
	v1 =	vmul.f32 v1, v2  }
0x131: {  	v4 =	vmul.f32 v4, v2;
	v5 =	vmul.f32 v5, v2;
	v9 =	vld [tilespmem:s13+$0x10]  }
0x132: {  	v6 =	vmul.f32 v6, v2;
	[tilespmem:s13+$0x0] =	vst v0;
	v7 =	vmul.f32 v7, v2  }
0x133: {  	v3 =	vmul.f32 v3, v2;
	[tilespmem:s13+$0x30] =	vst v4;
	v4 =	vmul.f32 v8, v2  }
0x134: {  	[tilespmem:s13+$0x20] =	vst v5  }
0x135: {  	v0 =	vld [tilespmem:s22+$0x0];
	[tilespmem:s13+$0x40] =	vst v1  }
0x136: {  	v1 =	vld [tilespmem:s22+$0x40];
	v2 =	vmul.f32 v9, v2;
	[tilespmem:s13+$0x80] =	vst v3;
	v3 =	vmov s9;
	s9 =	smov.u32 s20  }
0x137: {  	[tilespmem:s13+$0x50] =	vst v6;
	v5 =	vld [tilespmem:s13+$0xB0]  }
0x138: {  	[tilespmem:s13+$0x60] =	vst v4;
	v4 =	vld [tilespmem:s13+$0x90]  }
0x139: {  	[tilespmem:s13+$0x10] =	vst v2;
	v2 =	vld [tilespmem:s13+$0xE0]  }
0x13a: {  	[tilespmem:s13+$0x70] =	vst v7;
	v6 =	vld [tilespmem:s13+$0xC0]  }
0x13b: {  	v3 =	vld.idx.msk [tilespmem:v3+s28+$0x0], $0xffff  }
0x13c: {  	v7 =	vld [tilespmem:s13+$0xA0]  }
0x13d: {  	v8 =	vld [tilespmem:s13+$0x100]  }
0x13e: {  	v9 =	vld [tilespmem:s13+$0xD0]  }
0x13f: {  	v10 =	vld [tilespmem:s13+$0xF0]  }
0x140: {  	v11 =	vld [tilespmem:s13+$0x110]  }
0x141: {  	v4 =	vmul.f32 v4, v3;
	v7 =	vmul.f32 v7, v3  }
0x142: {  	v5 =	vmul.f32 v5, v3;
	v6 =	vmul.f32 v6, v3  }
0x143: {  	s20 =	sadd.s32 $0xFFFFFFFD, s9;
	v2 =	vmul.f32 v2, v3;
	[tilespmem:s13+$0x90] =	vst v4;
	v4 =	vmul.f32 v9, v3  }
0x144: {  	v8 =	vmul.f32 v8, v3;
	v9 =	vmov s20;
	[tilespmem:s13+$0xB0] =	vst v5;
	v5 =	vmul.f32 v10, v3  }
0x145: {  	v9 =	vand.u32 $0xFFFFFFFC, v9;
	[tilespmem:s13+$0xC0] =	vst v6;
	v3 =	vmul.f32 v11, v3  }
0x146: {  	v6 =	vbroadcast v9, $0x0;
	[tilespmem:s13+$0xE0] =	vst v2  }
0x147: {  	[tilespmem:s13+$0x110] =	vst v3  }
0x148: {  	v2 =	vld [tilespmem:s22+$0xFFFFFF30];
	[tilespmem:s13+$0xD0] =	vst v4  }
0x149: {  	v3 =	vld [tilespmem:s22+$0xFFFFFF10];
	[tilespmem:s13+$0x100] =	vst v8  }
0x14a: {  	v4 =	vld [tilespmem:s22+$0xFFFFFF40];
	[tilespmem:s13+$0xA0] =	vst v7  }
0x14b: {  	v7 =	vld [tilespmem:s22+$0xFFFFFF60];
	[tilespmem:s13+$0xF0] =	vst v5;
	s13 =	smov.u32 s22  }
0x14c: {  	v5 =	vld.idx.msk [tilespmem:v6+s28+$0x0], $0xffff  }
0x14d: {  	v6 =	vld [tilespmem:s22+$0xFFFFFEE0]  }
0x14e: {  	v8 =	vld [tilespmem:s22+$0xFFFFFF00]  }
0x14f: {  	v9 =	vld [tilespmem:s22+$0xFFFFFEF0]  }
0x150: {  	v10 =	vld [tilespmem:s22+$0xFFFFFF20]  }
0x151: {  	v11 =	vld [tilespmem:s22+$0xFFFFFF50]  }
0x152: {  	v7 =	vmul.f32 v7, v5;
	v6 =	vmul.f32 v6, v5  }
0x153: {  	v4 =	vmul.f32 v4, v5;
	v8 =	vmul.f32 v8, v5  }
0x154: {  	s20 =	sadd.s32 $0xFFFFFFFE, s9;
	v3 =	vmul.f32 v3, v5;
	[tilespmem:s22+$0xFFFFFEE0] =	vst v6;
	v6 =	vmul.f32 v9, v5  }
0x155: {  	v2 =	vmul.f32 v2, v5;
	v9 =	vmul.f32 v10, v5;
	[tilespmem:s22+$0xFFFFFF60] =	vst v7;
	v7 =	vmov s20  }
0x156: {  	[tilespmem:s22+$0xFFFFFF00] =	vst v8;
	v5 =	vmul.f32 v11, v5;
	v7 =	vand.u32 $0xFFFFFFFD, v7  }
0x157: {  	[tilespmem:s22+$0xFFFFFF10] =	vst v3;
	v3 =	vbroadcast v7, $0x0  }
0x158: {  	[tilespmem:s22+$0xFFFFFF30] =	vst v2  }
0x159: {  	[tilespmem:s22+$0xFFFFFF50] =	vst v5;
	v2 =	vld [tilespmem:s22+$0xFFFFFFC0]  }
0x15a: {  	[tilespmem:s22+$0xFFFFFF40] =	vst v4;
	v4 =	vld [tilespmem:s22+$0xFFFFFFD0]  }
0x15b: {  	[tilespmem:s22+$0xFFFFFF20] =	vst v9;
	v5 =	vld [tilespmem:s22+$0xFFFFFFA0]  }
0x15c: {  	[tilespmem:s22+$0xFFFFFEF0] =	vst v6;
	v6 =	vld [tilespmem:s22+$0xFFFFFFE0]  }
0x15d: {  	v3 =	vld.idx.msk [tilespmem:v3+s28+$0x0], $0xffff  }
0x15e: {  	v7 =	vld [tilespmem:s22+$0xFFFFFF70]  }
0x15f: {  	v8 =	vld [tilespmem:s22+$0xFFFFFF90]  }
0x160: {  	v9 =	vld [tilespmem:s22+$0xFFFFFFB0]  }
0x161: {  	v10 =	vld [tilespmem:s22+$0xFFFFFF80]  }
0x162: {  	v11 =	vld [tilespmem:s22+$0xFFFFFFF0]  }
0x163: {  	v6 =	vmul.f32 v6, v3;
	v7 =	vmul.f32 v7, v3  }
0x164: {  	v5 =	vmul.f32 v5, v3;
	v8 =	vmul.f32 v8, v3  }
0x165: {  	s20 =	sadd.s32 $0xFFFFFFFF, s9;
	v4 =	vmul.f32 v4, v3;
	[tilespmem:s22+$0xFFFFFF70] =	vst v7;
	v7 =	vmul.f32 v9, v3  }
0x166: {  	v2 =	vmul.f32 v2, v3;
	v9 =	vmul.f32 v10, v3;
	[tilespmem:s22+$0xFFFFFFE0] =	vst v6;
	v6 =	vmov s20  }
0x167: {  	[tilespmem:s22+$0xFFFFFF90] =	vst v8;
	v3 =	vmul.f32 v11, v3;
	v6 =	vand.u32 $0xFFFFFFFE, v6  }
0x168: {  	[tilespmem:s22+$0xFFFFFFA0] =	vst v5;
	v5 =	vbroadcast v6, $0x0  }
0x169: {  	[tilespmem:s22+$0xFFFFFFC0] =	vst v2  }
.Ltmp3:
0x16a: {  	[tilespmem:s22+$0xFFFFFFF0] =	vst v3;
	(pc) =	sbr.rel @p1 .LBB2_5-.Ltmp3, $4  }
0x16b: {  	[tilespmem:s22+$0xFFFFFFB0] =	vst v7  }
0x16c: {  	[tilespmem:s22+$0xFFFFFFD0] =	vst v4;
	v4 =	vld [tilespmem:s22+$0x30]  }
0x16d: {  	[tilespmem:s22+$0xFFFFFF80] =	vst v9;
	v3 =	vld [tilespmem:s22+$0x80]  }
0x16e: {  	v2 =	vld.idx.msk [tilespmem:v5+s28+$0x0], $0xffff  }
0x16f: {  	_ =	sdelay $0x2  }
0x170: {  	v5 =	vld [tilespmem:s13+$0x20]  }
0x171: {  	v6 =	vld [tilespmem:s13+$0x50];
	v0 =	vmul.f32 v0, v2  }
0x172: {  	v7 =	vld [tilespmem:s13+$0x60];
	v4 =	vmul.f32 v4, v2  }
0x173: {  	v8 =	vld [tilespmem:s13+$0x10];
	v1 =	vmul.f32 v1, v2;
	[tilespmem:s13+$0x0] =	vst v0  }
0x174: {  	v45 =	vld [tilespmem:s13+$0x70];
	v3 =	vmul.f32 v3, v2;
	[tilespmem:s13+$0x30] =	vst v4  }
0x175: {  	v5 =	vmul.f32 v5, v2;
	[tilespmem:s13+$0x40] =	vst v1  }
0x176: {  	v46 =	vmul.f32 v6, v2;
	[tilespmem:s13+$0x80] =	vst v3  }
0x177: {  	v48 =	vmov s9;
	v47 =	vmul.f32 v7, v2;
	[tilespmem:s13+$0x20] =	vst v5  }
0x178: {  	v49 =	vmul.f32 v8, v2;
	[tilespmem:s13+$0x50] =	vst v46  }
0x179: {  	v0 =	vmul.f32 v45, v2;
	[tilespmem:s13+$0x60] =	vst v47  }
0x17a: {  	[tilespmem:s13+$0x10] =	vst v49  }
0x17b: {  	v50 =	vld [tilespmem:s13+$0x90];
	[tilespmem:s13+$0x70] =	vst v0  }
0x17c: {  	v0 =	vld.idx.msk [tilespmem:v48+s28+$0x0], $0xffff  }
0x17d: {  	v51 =	vld [tilespmem:s13+$0xB0]  }
0x17e: {  	v53 =	vld [tilespmem:s13+$0xC0]  }
0x17f: {  	v52 =	vld [tilespmem:s13+$0xE0]  }
0x180: {  	v55 =	vld [tilespmem:s13+$0x110]  }
0x181: {  	v56 =	vld [tilespmem:s13+$0xD0];
	v1 =	vmul.f32 v50, v0  }
0x182: {  	v57 =	vld [tilespmem:s13+$0x100];
	v2 =	vmul.f32 v51, v0  }
0x183: {  	v54 =	vld [tilespmem:s13+$0xA0];
	v4 =	vmul.f32 v53, v0;
	[tilespmem:s13+$0x90] =	vst v1  }
0x184: {  	v58 =	vld [tilespmem:s13+$0xF0];
	v3 =	vmul.f32 v52, v0;
	[tilespmem:s13+$0xB0] =	vst v2  }
0x185: {  	v59 =	vmul.f32 v55, v0;
	[tilespmem:s13+$0xC0] =	vst v4  }
0x186: {  	v60 =	vmul.f32 v56, v0;
	[tilespmem:s13+$0xE0] =	vst v3  }
0x187: {  	v61 =	vmul.f32 v57, v0;
	[tilespmem:s13+$0x110] =	vst v59  }
0x188: {  	v62 =	vmul.f32 v54, v0;
	[tilespmem:s13+$0xD0] =	vst v60  }
0x189: {  	v0 =	vmul.f32 v58, v0;
	[tilespmem:s13+$0x100] =	vst v61  }
0x18a: {  	[tilespmem:s13+$0xA0] =	vst v62  }
0x18b: {  	[tilespmem:s13+$0xF0] =	vst v0  }
0x18c: {  	v0 =	vld [tilespmem:$0x50]  }
0x18d: {  	v63 =	vld [tilespmem:$0x60]  }
0x18e: {  	v2 =	vld [tilespmem:$0x70]  }
0x18f: {  	v3 =	vld [tilespmem:$0x80]  }
0x190: {  	v4 =	vld [tilespmem:$0x90]  }
.Ltmp4:
0x191: {  	[tilespmem:$0x320] =	vst v0;
	(pc) =	sbr.rel @p0 .LBB2_10-.Ltmp4, $4  }
0x192: {  	[tilespmem:$0x330] =	vst v63  }
0x193: {  	[tilespmem:$0x340] =	vst v2  }
0x194: {  	[tilespmem:$0x350] =	vst v3  }
0x195: {  	[tilespmem:$0x360] =	vst v4  }
0x196: {  	s13 =	smul.u32 $0xF0, s11;
	_ =	sdelay $0x1  }
0x197: {  	s9 =	sadd.s32 s13, s17  }
0x198: {  	s9 =	sshrl.u32 s9, $0x3  }
0x199: {  	s20 =	sadd.s32 s6, s9  }
0x19a: {  	[tilespmem:s4], [sflag:$0x7] =	stream.linear.gather [hbm4b:s20+s4], $0x50, $0x38;
	[tilespmem:$0x1EA50] =	vst v63  }
0x19b: {  	s21 =	sadd.s32 s1, s9  }
0x19c: {  	[tilespmem:s23], [sflag:$0x7] =	stream.linear.gather [hbm4b:s21+s4], $0x50, $0x38;
	[tilespmem:$0x1EA50] =	vst v63  }
0x19d: {  	s9 =	sadd.s32 s7, s9  }
0x19e: {  	[tilespmem:s24], [sflag:$0x7] =	stream.linear.gather [hbm4b:s9+s4], $0x50, $0x38;
	[tilespmem:$0x1EA50] =	vst v63  }
0x19f: {  	_ = 	snop  }
0x1a0: {  	[spmem:s3] =	stream.indirect.scatter.add.f32 [tilespmem:s0], [sflag:$0x5], $0x90, s10, s25, $0xb8;
	[tilespmem:$0x1EA50] =	vst v63  }
0x1a1: {  	_ =	swait.ge [sflag:s29], $0x50  }
0x1a2: {  	[sflag:s29] =	ssyncset.done $0x0  }
0x1a3: {  	[sflag:s29] =	ssyncadd.s32 $0xFFFFFFB0  }
0x1a4: {  	_ =	swait.ge [sflag:s29], $0x50  }
0x1a5: {  	[sflag:s29] =	ssyncset.done $0x0  }
0x1a6: {  	[sflag:s29] =	ssyncadd.s32 $0xFFFFFFB0  }
0x1a7: {  	_ =	swait.ge [sflag:s29], $0x50  }
0x1a8: {  	s22 =	simm.s32 $0x0;
	[sflag:s29] =	ssyncset.done $0x0  }
0x1a9: {  	v0 =	vmov s22;
	[sflag:s29] =	ssyncadd.s32 $0xFFFFFFB0  }
0x1aa: {  	v0 =	vand.u32 $0xFFFFFFFC, v0;
	_ =	swait.ge [sflag:s12], $0x2D00  }
0x1ab: {  	v0 =	vbroadcast v0, $0x0;
	[sflag:s12] =	ssyncset.done $0x0  }
0x1ac: {  	s21 =	simm.s32 $0x3;
	[sflag:s12] =	ssyncadd.s32 $0xFFFFD300  }
0x1ad: {  	[tilespmem:s30], [sflag:$0x1] =	stream.indirect.gather [hbm4b:s5+s25], $0x90, s23, s25, $0xb8;
	[tilespmem:$0x1EA50] =	vst v63  }
0x1ae: {  	_ =	swait.ge [sflag:s21], $0x2D00  }
0x1af: {  	[sflag:s21] =	ssyncset.done $0x0  }
0x1b0: {  	[sflag:s21] =	ssyncadd.s32 $0xFFFFD300  }
0x1b1: {  	s9 =	simm.s32 $0x5EE0;
	v0 =	vld.idx.msk [tilespmem:v0+s14+$0x0], $0xffff  }
0x1b2: {  	v2 =	vld [tilespmem:s9+$0xFFFFFEE0]  }
0x1b3: {  	v3 =	vld [tilespmem:s9+$0xFFFFFF60]  }
0x1b4: {  	v4 =	vld [tilespmem:s9+$0xFFFFFF00]  }
0x1b5: {  	v5 =	vld [tilespmem:s9+$0xFFFFFF10]  }
0x1b6: {  	v1 =	vld [tilespmem:s9+$0xFFFFFF30]  }
0x1b7: {  	v7 =	vld [tilespmem:s9+$0xFFFFFF50];
	v2 =	vmul.f32 v2, v0  }
0x1b8: {  	v9 =	vld [tilespmem:s9+$0xFFFFFF20];
	v3 =	vmul.f32 v3, v0  }
0x1b9: {  	s15 =	simm.s32 $0x1;
	v6 =	vld [tilespmem:s9+$0xFFFFFF40];
	v4 =	vmul.f32 v4, v0;
	[tilespmem:s9+$0xFFFFFEE0] =	vst v2  }
0x1ba: {  	v8 =	vld [tilespmem:s9+$0xFFFFFEF0];
	v2 =	vmul.f32 v5, v0;
	[tilespmem:s9+$0xFFFFFF60] =	vst v3;
	v3 =	vmov s15  }
0x1bb: {  	v1 =	vmul.f32 v1, v0;
	[tilespmem:s9+$0xFFFFFF00] =	vst v4;
	v3 =	vand.u32 $0xFFFFFFFD, v3  }
0x1bc: {  	v4 =	vmul.f32 v7, v0;
	[tilespmem:s9+$0xFFFFFF10] =	vst v2;
	v2 =	vbroadcast v3, $0x0  }
0x1bd: {  	[tilespmem:s9+$0xFFFFFF30] =	vst v1;
	v1 =	vmul.f32 v9, v0  }
0x1be: {  	v3 =	vmul.f32 v6, v0;
	[tilespmem:s9+$0xFFFFFF50] =	vst v4  }
0x1bf: {  	v4 =	vmul.f32 v8, v0;
	[tilespmem:s9+$0xFFFFFF20] =	vst v1  }
0x1c0: {  	[tilespmem:s9+$0xFFFFFF40] =	vst v3  }
0x1c1: {  	[tilespmem:s9+$0xFFFFFEF0] =	vst v4;
	v3 =	vld [tilespmem:s9+$0xFFFFFF70]  }
0x1c2: {  	v2 =	vld.idx.msk [tilespmem:v2+s14+$0x0], $0xffff  }
0x1c3: {  	v4 =	vld [tilespmem:s9+$0xFFFFFFE0]  }
0x1c4: {  	v5 =	vld [tilespmem:s9+$0xFFFFFF90]  }
0x1c5: {  	v1 =	vld [tilespmem:s9+$0xFFFFFFC0]  }
0x1c6: {  	v6 =	vld [tilespmem:s9+$0xFFFFFFA0]  }
0x1c7: {  	v62 =	vld [tilespmem:s9+$0xFFFFFFF0];
	v3 =	vmul.f32 v3, v2  }
0x1c8: {  	v7 =	vld [tilespmem:s9+$0xFFFFFFB0];
	v4 =	vmul.f32 v4, v2  }
0x1c9: {  	s22 =	simm.s32 $0x2;
	v10 =	vld [tilespmem:s9+$0xFFFFFFD0];
	v5 =	vmul.f32 v5, v2;
	[tilespmem:s9+$0xFFFFFF70] =	vst v3  }
0x1ca: {  	v63 =	vld [tilespmem:s9+$0xFFFFFF80];
	v1 =	vmul.f32 v1, v2;
	[tilespmem:s9+$0xFFFFFFE0] =	vst v4;
	v4 =	vmov s22  }
0x1cb: {  	v3 =	vmul.f32 v6, v2;
	[tilespmem:s9+$0xFFFFFF90] =	vst v5;
	v4 =	vand.u32 $0xFFFFFFFE, v4  }
0x1cc: {  	v5 =	vmul.f32 v62, v2;
	[tilespmem:s9+$0xFFFFFFC0] =	vst v1;
	v6 =	vbroadcast v4, $0x0  }
0x1cd: {  	[tilespmem:s9+$0xFFFFFFA0] =	vst v3;
	v3 =	vmul.f32 v7, v2  }
0x1ce: {  	v0 =	vld [tilespmem:s9+$0x0];
	v4 =	vmul.f32 v10, v2;
	[tilespmem:s9+$0xFFFFFFF0] =	vst v5  }
0x1cf: {  	v1 =	vld [tilespmem:s9+$0x40];
	v2 =	vmul.f32 v63, v2;
	[tilespmem:s9+$0xFFFFFFB0] =	vst v3  }
0x1d0: {  	[tilespmem:s9+$0xFFFFFFD0] =	vst v4;
	v4 =	vld [tilespmem:s9+$0x30]  }
0x1d1: {  	[tilespmem:s9+$0xFFFFFF80] =	vst v2;
	v3 =	vld [tilespmem:s9+$0x80]  }
0x1d2: {  	s20 =	simm.s32 $0x5EE0;
	s22 =	simm.s32 $0x7;
	v2 =	vld.idx.msk [tilespmem:v6+s14+$0x0], $0xffff  }
.LBB2_8:
0x1d3: {  	p0 =	sne.s32 s22, $0x4F  }
0x1d4: {  	v5 =	vld [tilespmem:s9+$0x20];
	s20 =	sadd.s32 $0x240, s20;
	s15 =	smov.u32 s22;
	s22 =	sadd.s32 $0x4, s22  }
0x1d5: {  	v6 =	vld [tilespmem:s9+$0x50]  }
0x1d6: {  	v7 =	vld [tilespmem:s9+$0x70]  }
0x1d7: {  	v8 =	vld [tilespmem:s9+$0x60];
	_ =	sdelay $0x1  }
0x1d8: {  	v0 =	vmul.f32 v0, v2;
	v1 =	vmul.f32 v1, v2  }
0x1d9: {  	v4 =	vmul.f32 v4, v2;
	v5 =	vmul.f32 v5, v2;
	v9 =	vld [tilespmem:s9+$0x10]  }
0x1da: {  	v6 =	vmul.f32 v6, v2;
	[tilespmem:s9+$0x0] =	vst v0;
	v7 =	vmul.f32 v7, v2  }
0x1db: {  	v3 =	vmul.f32 v3, v2;
	[tilespmem:s9+$0x30] =	vst v4;
	v4 =	vmul.f32 v8, v2  }
0x1dc: {  	[tilespmem:s9+$0x20] =	vst v5  }
0x1dd: {  	v0 =	vld [tilespmem:s20+$0x0];
	[tilespmem:s9+$0x40] =	vst v1  }
0x1de: {  	v1 =	vld [tilespmem:s20+$0x40];
	v2 =	vmul.f32 v9, v2;
	[tilespmem:s9+$0x80] =	vst v3;
	v3 =	vmov s21;
	s21 =	smov.u32 s15  }
0x1df: {  	[tilespmem:s9+$0x50] =	vst v6;
	v5 =	vld [tilespmem:s9+$0xB0]  }
0x1e0: {  	[tilespmem:s9+$0x60] =	vst v4;
	v4 =	vld [tilespmem:s9+$0x90]  }
0x1e1: {  	[tilespmem:s9+$0x10] =	vst v2;
	v2 =	vld [tilespmem:s9+$0xE0]  }
0x1e2: {  	[tilespmem:s9+$0x70] =	vst v7;
	v6 =	vld [tilespmem:s9+$0xC0]  }
0x1e3: {  	v3 =	vld.idx.msk [tilespmem:v3+s14+$0x0], $0xffff  }
0x1e4: {  	v7 =	vld [tilespmem:s9+$0xA0]  }
0x1e5: {  	v8 =	vld [tilespmem:s9+$0x100]  }
0x1e6: {  	v9 =	vld [tilespmem:s9+$0xD0]  }
0x1e7: {  	v10 =	vld [tilespmem:s9+$0xF0]  }
0x1e8: {  	v11 =	vld [tilespmem:s9+$0x110]  }
0x1e9: {  	v4 =	vmul.f32 v4, v3;
	v7 =	vmul.f32 v7, v3  }
0x1ea: {  	v5 =	vmul.f32 v5, v3;
	v6 =	vmul.f32 v6, v3  }
0x1eb: {  	s15 =	sadd.s32 $0xFFFFFFFD, s21;
	v2 =	vmul.f32 v2, v3;
	[tilespmem:s9+$0x90] =	vst v4;
	v4 =	vmul.f32 v9, v3  }
0x1ec: {  	v8 =	vmul.f32 v8, v3;
	v9 =	vmov s15;
	[tilespmem:s9+$0xB0] =	vst v5;
	v5 =	vmul.f32 v10, v3  }
0x1ed: {  	v9 =	vand.u32 $0xFFFFFFFC, v9;
	[tilespmem:s9+$0xC0] =	vst v6;
	v3 =	vmul.f32 v11, v3  }
0x1ee: {  	v6 =	vbroadcast v9, $0x0;
	[tilespmem:s9+$0xE0] =	vst v2  }
0x1ef: {  	[tilespmem:s9+$0x110] =	vst v3  }
0x1f0: {  	v2 =	vld [tilespmem:s20+$0xFFFFFF30];
	[tilespmem:s9+$0xD0] =	vst v4  }
0x1f1: {  	v3 =	vld [tilespmem:s20+$0xFFFFFF10];
	[tilespmem:s9+$0x100] =	vst v8  }
0x1f2: {  	v4 =	vld [tilespmem:s20+$0xFFFFFF40];
	[tilespmem:s9+$0xA0] =	vst v7  }
0x1f3: {  	v7 =	vld [tilespmem:s20+$0xFFFFFF60];
	[tilespmem:s9+$0xF0] =	vst v5;
	s9 =	smov.u32 s20  }
0x1f4: {  	v5 =	vld.idx.msk [tilespmem:v6+s14+$0x0], $0xffff  }
0x1f5: {  	v6 =	vld [tilespmem:s20+$0xFFFFFEE0]  }
0x1f6: {  	v8 =	vld [tilespmem:s20+$0xFFFFFF00]  }
0x1f7: {  	v9 =	vld [tilespmem:s20+$0xFFFFFEF0]  }
0x1f8: {  	v10 =	vld [tilespmem:s20+$0xFFFFFF20]  }
0x1f9: {  	v11 =	vld [tilespmem:s20+$0xFFFFFF50]  }
0x1fa: {  	v7 =	vmul.f32 v7, v5;
	v6 =	vmul.f32 v6, v5  }
0x1fb: {  	v4 =	vmul.f32 v4, v5;
	v8 =	vmul.f32 v8, v5  }
0x1fc: {  	s15 =	sadd.s32 $0xFFFFFFFE, s21;
	v3 =	vmul.f32 v3, v5;
	[tilespmem:s20+$0xFFFFFEE0] =	vst v6;
	v6 =	vmul.f32 v9, v5  }
0x1fd: {  	v2 =	vmul.f32 v2, v5;
	v9 =	vmul.f32 v10, v5;
	[tilespmem:s20+$0xFFFFFF60] =	vst v7;
	v7 =	vmov s15  }
0x1fe: {  	[tilespmem:s20+$0xFFFFFF00] =	vst v8;
	v5 =	vmul.f32 v11, v5;
	v7 =	vand.u32 $0xFFFFFFFD, v7  }
0x1ff: {  	[tilespmem:s20+$0xFFFFFF10] =	vst v3;
	v3 =	vbroadcast v7, $0x0  }
0x200: {  	[tilespmem:s20+$0xFFFFFF30] =	vst v2  }
0x201: {  	[tilespmem:s20+$0xFFFFFF50] =	vst v5;
	v2 =	vld [tilespmem:s20+$0xFFFFFFC0]  }
0x202: {  	[tilespmem:s20+$0xFFFFFF40] =	vst v4;
	v4 =	vld [tilespmem:s20+$0xFFFFFFD0]  }
0x203: {  	[tilespmem:s20+$0xFFFFFF20] =	vst v9;
	v5 =	vld [tilespmem:s20+$0xFFFFFFA0]  }
0x204: {  	[tilespmem:s20+$0xFFFFFEF0] =	vst v6;
	v6 =	vld [tilespmem:s20+$0xFFFFFFE0]  }
0x205: {  	v3 =	vld.idx.msk [tilespmem:v3+s14+$0x0], $0xffff  }
0x206: {  	v7 =	vld [tilespmem:s20+$0xFFFFFF70]  }
0x207: {  	v8 =	vld [tilespmem:s20+$0xFFFFFF90]  }
0x208: {  	v9 =	vld [tilespmem:s20+$0xFFFFFFB0]  }
0x209: {  	v10 =	vld [tilespmem:s20+$0xFFFFFF80]  }
0x20a: {  	v11 =	vld [tilespmem:s20+$0xFFFFFFF0]  }
0x20b: {  	v6 =	vmul.f32 v6, v3;
	v7 =	vmul.f32 v7, v3  }
0x20c: {  	v5 =	vmul.f32 v5, v3;
	v8 =	vmul.f32 v8, v3  }
0x20d: {  	s15 =	sadd.s32 $0xFFFFFFFF, s21;
	v4 =	vmul.f32 v4, v3;
	[tilespmem:s20+$0xFFFFFF70] =	vst v7;
	v7 =	vmul.f32 v9, v3  }
0x20e: {  	v2 =	vmul.f32 v2, v3;
	v9 =	vmul.f32 v10, v3;
	[tilespmem:s20+$0xFFFFFFE0] =	vst v6;
	v6 =	vmov s15  }
0x20f: {  	[tilespmem:s20+$0xFFFFFF90] =	vst v8;
	v3 =	vmul.f32 v11, v3;
	v6 =	vand.u32 $0xFFFFFFFE, v6  }
0x210: {  	[tilespmem:s20+$0xFFFFFFA0] =	vst v5;
	v5 =	vbroadcast v6, $0x0  }
0x211: {  	[tilespmem:s20+$0xFFFFFFC0] =	vst v2  }
.Ltmp5:
0x212: {  	[tilespmem:s20+$0xFFFFFFF0] =	vst v3;
	(pc) =	sbr.rel @p0 .LBB2_8-.Ltmp5, $4  }
0x213: {  	[tilespmem:s20+$0xFFFFFFB0] =	vst v7  }
0x214: {  	[tilespmem:s20+$0xFFFFFFD0] =	vst v4;
	v4 =	vld [tilespmem:s20+$0x30]  }
0x215: {  	[tilespmem:s20+$0xFFFFFF80] =	vst v9;
	v3 =	vld [tilespmem:s20+$0x80]  }
0x216: {  	v2 =	vld.idx.msk [tilespmem:v5+s14+$0x0], $0xffff  }
0x217: {  	_ =	sdelay $0x2  }
0x218: {  	v5 =	vld [tilespmem:s9+$0x20]  }
0x219: {  	v6 =	vld [tilespmem:s9+$0x50];
	v0 =	vmul.f32 v0, v2  }
0x21a: {  	v7 =	vld [tilespmem:s9+$0x60];
	v4 =	vmul.f32 v4, v2  }
0x21b: {  	v8 =	vld [tilespmem:s9+$0x10];
	v1 =	vmul.f32 v1, v2;
	[tilespmem:s9+$0x0] =	vst v0  }
0x21c: {  	v45 =	vld [tilespmem:s9+$0x70];
	v3 =	vmul.f32 v3, v2;
	[tilespmem:s9+$0x30] =	vst v4  }
0x21d: {  	v5 =	vmul.f32 v5, v2;
	[tilespmem:s9+$0x40] =	vst v1  }
0x21e: {  	v46 =	vmul.f32 v6, v2;
	[tilespmem:s9+$0x80] =	vst v3  }
0x21f: {  	v48 =	vmov s21;
	v47 =	vmul.f32 v7, v2;
	[tilespmem:s9+$0x20] =	vst v5  }
0x220: {  	v49 =	vmul.f32 v8, v2;
	[tilespmem:s9+$0x50] =	vst v46  }
0x221: {  	v0 =	vmul.f32 v45, v2;
	[tilespmem:s9+$0x60] =	vst v47  }
0x222: {  	[tilespmem:s9+$0x10] =	vst v49  }
0x223: {  	v50 =	vld [tilespmem:s9+$0x90];
	[tilespmem:s9+$0x70] =	vst v0  }
0x224: {  	v0 =	vld.idx.msk [tilespmem:v48+s14+$0x0], $0xffff  }
0x225: {  	v51 =	vld [tilespmem:s9+$0xB0]  }
0x226: {  	v53 =	vld [tilespmem:s9+$0xC0]  }
0x227: {  	v52 =	vld [tilespmem:s9+$0xE0]  }
0x228: {  	v55 =	vld [tilespmem:s9+$0x110]  }
0x229: {  	v56 =	vld [tilespmem:s9+$0xD0];
	v1 =	vmul.f32 v50, v0  }
0x22a: {  	v57 =	vld [tilespmem:s9+$0x100];
	v2 =	vmul.f32 v51, v0  }
0x22b: {  	v54 =	vld [tilespmem:s9+$0xA0];
	v4 =	vmul.f32 v53, v0;
	[tilespmem:s9+$0x90] =	vst v1  }
0x22c: {  	v58 =	vld [tilespmem:s9+$0xF0];
	v3 =	vmul.f32 v52, v0;
	[tilespmem:s9+$0xB0] =	vst v2  }
0x22d: {  	v59 =	vmul.f32 v55, v0;
	[tilespmem:s9+$0xC0] =	vst v4  }
0x22e: {  	v60 =	vmul.f32 v56, v0;
	[tilespmem:s9+$0xE0] =	vst v3  }
0x22f: {  	v61 =	vmul.f32 v57, v0;
	[tilespmem:s9+$0x110] =	vst v59  }
0x230: {  	v62 =	vmul.f32 v54, v0;
	[tilespmem:s9+$0xD0] =	vst v60  }
0x231: {  	v0 =	vmul.f32 v58, v0;
	[tilespmem:s9+$0x100] =	vst v61  }
0x232: {  	[tilespmem:s9+$0xA0] =	vst v62  }
0x233: {  	[tilespmem:s9+$0xF0] =	vst v0  }
0x234: {  	v0 =	vld [tilespmem:$0xA0]  }
0x235: {  	v63 =	vld [tilespmem:$0xB0]  }
0x236: {  	v2 =	vld [tilespmem:$0xC0]  }
0x237: {  	v3 =	vld [tilespmem:$0xD0]  }
0x238: {  	v4 =	vld [tilespmem:$0xE0]  }
0x239: {  	[tilespmem:$0x370] =	vst v0  }
0x23a: {  	[tilespmem:$0x380] =	vst v63  }
0x23b: {  	s15 =	sadd.s32 s13, s18;
	[tilespmem:$0x390] =	vst v2  }
0x23c: {  	s9 =	sshrl.u32 s15, $0x3;
	[tilespmem:$0x3A0] =	vst v3  }
0x23d: {  	s20 =	sadd.s32 s6, s9;
	[tilespmem:$0x3B0] =	vst v4  }
0x23e: {  	[tilespmem:s25], [sflag:$0x8] =	stream.linear.gather [hbm4b:s20+s4], $0x50, $0x38;
	[tilespmem:$0x1EA50] =	vst v63  }
0x23f: {  	s21 =	sadd.s32 s1, s9  }
0x240: {  	[tilespmem:s26], [sflag:$0x8] =	stream.linear.gather [hbm4b:s21+s4], $0x50, $0x38;
	[tilespmem:$0x1EA50] =	vst v63  }
.Ltmp6:
0x241: {  	_ = 	snop;
	(pc) =	sbr.rel .LBB2_2-.Ltmp6, $4  }
0x242: {  	s9 =	sadd.s32 s7, s9  }
0x243: {  	[tilespmem:s28], [sflag:$0x8] =	stream.linear.gather [hbm4b:s9+s4], $0x50, $0x38;
	[tilespmem:$0x1EA50] =	vst v63  }
0x244: {  	s22 =	simm.s32 $0x370;
	s11 =	sadd.s32 $0x1, s11  }
0x245: {  	[spmem:s3] =	stream.indirect.scatter.add.f32 [tilespmem:s19], [sflag:$0x6], $0x90, s22, s25, $0xb8;
	[tilespmem:$0x1EA50] =	vst v63  }
.LBB2_11:
0x246: {  	_ =	sfence.sel $0x180000  }
0x247: {  	[bflag:$0x0] =	sbarrier.arrive $0xFFFF  }
0x248: {  	_ =	strace $0x9000004A  }
0x249: {  	s0 =	stileid.u32;
	[bflag:$0x2] =	sbarrier.arrive $0xFFFF  }
0x24a: {  	p0 =	sne.s32 s0, $0x0;
	s0 =	rddreg [dreg:$0x3]  }
0x24b: {  	s0 =	sadd.s32 @!p0 $0x100000, s0  }
0x24c: {  	[sflag:s0] =	ssyncadd.tile.s32 @!p0 $0x1;
	_ =	shalt  }
.Lfunc_end2:
_tile_overlayer_lowered:
.L_overlay_start_2:
0x24d: {  	(tag) =	ssettag $0x2  }
0x24e: {  	s0 =	rddreg [dreg:$0x0];
	s2 =	stileid.u32  }
0x24f: {  	s1 =	rddreg [dreg:$0x1];
	p0 =	sne.s32 s2, $0x0  }
0x250: {  	s3 =	rddreg [dreg:$0x2];
	[bflag:$0x3] =	sbarrier.arrive $0xFFFF;
	s2 =	simm.s32 @!p0 $0x1C0A  }
0x251: {  	[timem:s3], [sflag:s2] =	dma.local @!p0 [hbm:s0], s1  }
0x252: {  	s0 =	simm.s32 @!p0 $0xA  }
0x253: {  	_ =	swait.ge @!p0 [sflag:s0], s1  }
0x254: {  	s1 =	ssub.s32 @!p0 $0x0, s1;
	[sflag:s0] =	ssyncset.done @!p0 $0x0  }
0x255: {  	[sflag:s0] =	ssyncadd.s32 @!p0 s1  }
0x256: {  	[bflag:$0x3] =	sbarrier.arrive $0xFFFF  }
0x257: {  	_ =	shalt  }

// kernel: kernel.7.cloned.1.call-start
scs
__scs_entry_jumppad:
0x0: {  	(pc) =	sbr.rel $0x88, $3  }
0x1: {  	(tag) =	ssettag $0x0;
	lr =	simm.s32 $0x1  }
0x2: {  	[smem:$0x3F9D] =	sst lr;
	_ =	strace $0xD0000000  }
0x3: {  	_ = 	snop  }
0x4: {  	_ = 	snop  }
0x5: {  	_ = 	snop  }
0x6: {  	_ = 	snop  }
0x7: {  	_ = 	snop  }
__scs_overlays_trampoline_lowered:
0x8: {  	[smem:$0x3FAC] =	sst s0  }
0x9: {  	[smem:$0x3FAD] =	sst s1  }
0xa: {  	[smem:$0x3FAE] =	sst s2  }
0xb: {  	[smem:$0x3FAF] =	sst s3  }
0xc: {  	[smem:$0x3FB0] =	sst s4  }
0xd: {  	[smem:$0x3FB1] =	sst s5  }
0xe: {  	[smem:$0x3FB2] =	sst s6  }
0xf: {  	[smem:$0x3FB3] =	sst s7  }
0x10: {  	[smem:$0x3FB4] =	sst s8  }
0x11: {  	[smem:$0x3FB5] =	sst s9;
	s0 =	simm.s32 @!p0 $0x0  }
0x12: {  	s1 =	sld [smem:$0x3F9B];
	s0 =	simm.s32 @p0 $0x1  }
0x13: {  	[smem:$0x3FB6] =	sst s0;
	s0 =	simm.s32 @!p1 $0x0  }
0x14: {  	s2 =	sld [smem:$0x3F9A];
	s0 =	simm.s32 @p1 $0x1  }
0x15: {  	[smem:$0x3FB7] =	sst s0;
	s0 =	simm.s32 @!p2 $0x0  }
0x16: {  	s3 =	sld [smem:$0x3FDB];
	s0 =	simm.s32 @p2 $0x1  }
0x17: {  	s4 =	simm.s32 $0x1BF5;
	[smem:$0x3FB9] =	sst s0  }
0x18: {  	s0 =	sld [smem:$0x3F9C];
	_ =	swait.ge [sflag:s4], $0x0  }
0x19: {  	s7 =	sld [smem:$0x3F9D]  }
0x1a: {  	s8 =	sadd.s32 $0xFFFFE003, lr  }
0x1b: {  	s9 =	sadd.s32 $0xFFFFFEF7, lr;
	s5 =	simm.s32 $0xFFFFFFFF;
	p2 =	slt.u32 s8, $0xFFFFF086  }
0x1c: {  	p1 =	slt.u32 s9, $0xF7A;
	s5 =	simm.s32 @!p2 $0x0  }
0x1d: {  	s5 =	simm.s32 @p1 $0x1;
	p0 =	seq.s32 s7, s2  }
0x1e: {  	s7 =	smul.u32 @!p0 $0xF7A, s2;
	p2 =	seq.s32 @!p0 s5, $0x0  }
0x1f: {  	s9 =	smul.u32 $0xF7A, s1;
	s8 =	simm.s32 @!p0 $0x1BF5;
	p2 =	por !p2, p0  }
0x20: {  	[sflag:s8] =	ssyncset.s32 @!p0 $0xFFFFF086;
	s6 =	sadd.s32 @!p0 s3, s7;
	s7 =	simm.s32 @!p0 $0x108  }
0x21: {  	s3 =	sadd.s32 s3, s9;
	s6 =	sadd.s32 @!p0 $0x88, s6;
	s7 =	simm.s32 @p2 $0x1082  }
0x22: {  	[simem:s7], [sflag:s8] =	dma.local @!p0 [hbm:s6], $0xF7A  }
0x23: {  	s9 =	sor.u32 $0xD0000000, s2;
	s6 =	simm.s32 $0x108;
	_ =	swait.ge @!p0 [sflag:s8], $0x0  }
0x24: {  	s3 =	sadd.s32 $0x88, s3;
	s6 =	simm.s32 @!p1 $0x1082;
	[sflag:s4] =	ssyncset.s32 $0xFFFFF086  }
0x25: {  	[simem:s6], [sflag:s4] =	dma.local [hbm:s3], $0xF7A  }
0x26: {  	[smem:$0x3F9D] =	sst s1;
	(tag) =	ssettag s2;
	_ =	strace s9  }
0x27: {  	s1 =	sld [smem:$0x3FAD]  }
0x28: {  	s2 =	sld [smem:$0x3FAE]  }
0x29: {  	s4 =	sld [smem:$0x3FB0]  }
0x2a: {  	p0 =	seq.s32 s5, $0x0;
	s5 =	sld [smem:$0x3FB1]  }
0x2b: {  	s6 =	sld [smem:$0x3FB2]  }
0x2c: {  	s7 =	sld [smem:$0x3FB3]  }
0x2d: {  	s3 =	simm.s32 $0x108;
	s8 =	sld [smem:$0x3FB4]  }
0x2e: {  	s3 =	simm.s32 @!p0 $0x1082;
	s9 =	sld [smem:$0x3FB5]  }
0x2f: {  	lr =	sadd.s32 s0, s3;
	s0 =	sld [smem:$0x3FAC]  }
0x30: {  	s3 =	sld [smem:$0x3FAF]  }
0x31: {  	[smem:$0x3FB8] =	sst s10  }
0x32: {  	s10 =	sld [smem:$0x3FB6];
	_ =	sdelay $0x3  }
0x33: {  	p0 =	seq.s32 s10, $0x1;
	s10 =	sld [smem:$0x3FB8];
	_ =	sdelay $0x3  }
0x34: {  	[smem:$0x3FB8] =	sst s10  }
0x35: {  	s10 =	sld [smem:$0x3FB7];
	_ =	sdelay $0x3  }
0x36: {  	p1 =	seq.s32 s10, $0x1;
	s10 =	sld [smem:$0x3FB8];
	_ =	sdelay $0x3  }
0x37: {  	[smem:$0x3FB8] =	sst s10  }
0x38: {  	s10 =	sld [smem:$0x3FB9]  }
0x39: {  	_ = 	snop;
	(pc) =	sbr.ind lr, $3  }
0x3a: {  	_ = 	snop  }
0x3b: {  	_ = 	snop  }
0x3c: {  	p2 =	seq.s32 s10, $0x1;
	s10 =	sld [smem:$0x3FB8]  }
0x3d: {  	_ =	shalt  }
0x3e: {  	_ =	shalt  }
0x3f: {  	_ =	shalt  }
0x40: {  	_ =	shalt  }
0x41: {  	_ =	shalt  }
0x42: {  	_ =	shalt  }
0x43: {  	_ =	shalt  }
0x44: {  	_ =	shalt  }
0x45: {  	_ =	shalt  }
0x46: {  	_ =	shalt  }
0x47: {  	_ =	shalt  }
0x48: {  	_ =	shalt  }
0x49: {  	_ =	shalt  }
0x4a: {  	_ =	shalt  }
0x4b: {  	_ =	shalt  }
0x4c: {  	_ =	shalt  }
0x4d: {  	_ =	shalt  }
0x4e: {  	_ =	shalt  }
0x4f: {  	_ =	shalt  }
0x50: {  	_ =	shalt  }
0x51: {  	_ =	shalt  }
0x52: {  	_ =	shalt  }
0x53: {  	_ =	shalt  }
0x54: {  	_ =	shalt  }
0x55: {  	_ =	shalt  }
0x56: {  	_ =	shalt  }
0x57: {  	_ =	shalt  }
0x58: {  	_ =	shalt  }
0x59: {  	_ =	shalt  }
0x5a: {  	_ =	shalt  }
0x5b: {  	_ =	shalt  }
0x5c: {  	_ =	shalt  }
0x5d: {  	_ =	shalt  }
0x5e: {  	_ =	shalt  }
0x5f: {  	_ =	shalt  }
0x60: {  	_ =	shalt  }
0x61: {  	_ =	shalt  }
0x62: {  	_ =	shalt  }
0x63: {  	_ =	shalt  }
0x64: {  	_ =	shalt  }
0x65: {  	_ =	shalt  }
0x66: {  	_ =	shalt  }
0x67: {  	_ =	shalt  }
0x68: {  	_ =	shalt  }
0x69: {  	_ =	shalt  }
0x6a: {  	_ =	shalt  }
0x6b: {  	_ =	shalt  }
0x6c: {  	_ =	shalt  }
0x6d: {  	_ =	shalt  }
0x6e: {  	_ =	shalt  }
0x6f: {  	_ =	shalt  }
0x70: {  	_ =	shalt  }
0x71: {  	_ =	shalt  }
0x72: {  	_ =	shalt  }
0x73: {  	_ =	shalt  }
0x74: {  	_ =	shalt  }
0x75: {  	_ =	shalt  }
0x76: {  	_ =	shalt  }
0x77: {  	_ =	shalt  }
0x78: {  	_ =	shalt  }
0x79: {  	_ =	shalt  }
0x7a: {  	_ =	shalt  }
0x7b: {  	_ =	shalt  }
0x7c: {  	_ =	shalt  }
0x7d: {  	_ =	shalt  }
0x7e: {  	_ =	shalt  }
0x7f: {  	_ =	shalt  }
0x80: {  	_ =	shalt  }
0x81: {  	_ =	shalt  }
0x82: {  	_ =	shalt  }
0x83: {  	_ =	shalt  }
0x84: {  	_ =	shalt  }
0x85: {  	_ =	shalt  }
0x86: {  	_ =	shalt  }
0x87: {  	_ =	shalt  }
.Lfunc_end0:
.L_simem_size_0:
called_computation_lowered:
.L_overlay_start_0:
0x88: {  	s2 =	sld [smem:$0x3FD9]  }
0x89: {  	s3 =	sld [smem:$0x3FFE];
	_ =	sdelay $0x1  }
0x8a: {  	s1 =	srdreg.scid  }
0x8b: {  	s0 =	sand.u32 $0x1, s1  }
0x8c: {  	s17 =	sshll.u32 s0, $0xA;
	s2 =	sadd.s32 s3, s2  }
0x8d: {  	s2 =	sadd.s32 s2, s17  }
0x8e: {  	[smem:$0x3FC4] =	sst s2  }
0x8f: {  	_ = 	snop  }
0x90: {  	s2 =	sld [smem:$0x3FD0];
	(tm) =	ssettm $0x1  }
0x91: {  	s18 =	sld [smem:$0x3FFB];
	_ =	sdelay $0x3  }
0x92: {  	_ =	strace s18  }
0x93: {  	s3 =	sld [smem:$0x3FFC];
	_ =	sdelay $0x3  }
0x94: {  	_ =	strace s3  }
0x95: {  	s3 =	sld [smem:$0x3FFD];
	_ =	sdelay $0x3  }
0x96: {  	_ =	strace s3  }
0x97: {  	_ =	strace $0x8FFFFFFF  }
0x98: {  	s19 =	sld [smem:$0x3FDB];
	_ =	sdelay $0x1  }
0x99: {  	s4 =	simm.s32 $_scs_section_size  }
0x9a: {  	s5 =	simm.s32 $_size__tile_overlayer_lowered;
	s6 =	simm.s32 $_tile_overlayer_lowered  }
0x9b: {  	s22 =	simm.s32 $0x1BFF;
	s21 =	sshll.u32 s6, $0x1;
	s3 =	sadd.s32 s4, s19  }
0x9c: {  	s7 =	simm.s32 $0x0;
	s20 =	sshll.u32 s5, $0x1;
	s5 =	sadd.s32 s21, s3  }
0x9d: {  	[timem:s7], [sflag:s22] =	dma.local [hbm:s5], s20  }
0x9e: {  	_ =	swait.ge [sflag:s22], s20  }
0x9f: {  	s4 =	ssub.s32 $0x0, s20;
	[sflag:s22] =	ssyncset.done $0x0  }
0xa0: {  	[sflag:s22] =	ssyncadd.s32 s4;
	_ =	sdelay $0x1  }
0xa1: {  	s23 =	simm.s32 $0x1B8B  }
0xa2: {  	_ =	swait.ge [sflag:s23], $0x1  }
0xa3: {  	[sflag:s23] =	ssyncset.done $0x0  }
0xa4: {  	s25 =	simm.s32 $0x1B8E;
	s24 =	sld [smem:$0x3FFE];
	[sflag:s23] =	ssyncadd.s32 $0xFFFFFFFF  }
0xa5: {  	s26 =	simm.s32 $execute0_lowered;
	[smem:$0x3FD2] =	sst s25  }
0xa6: {  	s5 =	sshll.u32 s26, $0x1;
	_ =	strace $0x80000046;
	[dreg:$0x1] =	wrdreg $0xFFFFFFFF  }
0xa7: {  	s28 =	simm.s32 $_size_execute0_lowered;
	s3 =	sadd.s32 s3, s5;
	[dreg:$0x0] =	wrdreg $0x0  }
0xa8: {  	s5 =	sshll.u32 s28, $0x1;
	[dreg:$0x2] =	wrdreg s3  }
0xa9: {  	[dreg:$0x3] =	wrdreg s5  }
0xaa: {  	[dreg:$0x4] =	wrdreg $0xC0  }
0xab: {  	_ =	task [dreg:s7], $0x5FFFF  }
0xac: {  	[dreg:$0x1] =	wrdreg $0xFFFFFFFF  }
0xad: {  	[dreg:$0x0] =	wrdreg $0x60  }
0xae: {  	[dreg:$0x2] =	wrdreg s24  }
0xaf: {  	[dreg:$0x3] =	wrdreg s2  }
0xb0: {  	[dreg:$0x4] =	wrdreg $0x9  }
0xb1: {  	_ =	task.clear_ibuf [dreg:s7], $0x5FFFF;
	_ =	strace $0x90000046  }
0xb2: {  	s29 =	simm.s32 $0x9;
	_ =	strace $0x80000048  }
0xb3: {  	_ =	swait.ge [sflag:s29], $0x1  }
0xb4: {  	[sflag:s29] =	ssyncadd.s32 $0xFFFFFFFF  }
0xb5: {  	_ =	strace $0x90000048  }
0xb6: {  	_ =	sfence  }
0xb7: {  	s30 =	sld [smem:$0x0];
	_ =	sdelay $0x2  }
0xb8: {  	s31 =	sshll.u32 s1, $0xD;
	s1 =	sshrl.u32 s1, $0x2  }
0xb9: {  	s3 =	sand.u32 $0x4000, s31;
	s1 =	sadd.s32 s1, s30  }
0xba: {  	s0 =	sor.u32 s3, s0;
	s1 =	sshll.u32 s1, $0x11  }
0xbb: {  	s0 =	sor.u32 s1, s0  }
0xbc: {  	s0 =	sadd.s32 $0x8F2B, s0  }
0xbd: {  	[sflag:s0] =	ssyncadd.remote.s32 $0x1  }
0xbe: {  	_ =	sfence.sel $0xFFFF  }
0xbf: {  	[dreg:$0x0] =	wrdreg $0xFFFFFFFF;
	(pc) =	sbr.abs _section_cstart, $3  }
0xc0: {  	[dreg:$0x1] =	wrdreg $0xFFFFFFFF  }
0xc1: {  	_ =	task.clear_ibuf [dreg:s7], $0x2FFFF;
	_ =	strace $0x9FFFFFFF  }
0xc2: {  	(tm) =	ssettm $0x7FFFFFFF  }
0xc3: {  	_ =	shalt  }
tec
execute0_lowered:
.L_overlay_start_1:
0x0: {  	(tag) =	ssettag $0x1  }
0x1: {  	s6 =	rddreg [dreg:$0x0]  }
0x2: {  	s7 =	rddreg [dreg:$0x1]  }
0x3: {  	s0 =	rddreg [dreg:$0x2]  }
0x4: {  	s3 =	srdreg.scid;
	s1 =	stileid.u32;
	s2 =	simm.s32 $0x0  }
0x5: {  	s12 =	simm.s32 $0x5000;
	s13 =	simm.s32 $0x7800;
	s14 =	simm.s32 $0x9F80  }
0x6: {  	s15 =	simm.s32 $0x1;
	s16 =	simm.s32 $0xC700;
	s17 =	simm.s32 $0x2  }
0x7: {  	s18 =	simm.s32 $0xEE80;
	s5 =	sand.u32 $0x1, s3;
	s30 =	sshll.u32 s1, $0x1  }
0x8: {  	s19 =	simm.s32 $0x0;
	[smem:$0x7FF] =	sst s2;
	s3 =	sor.u32 s5, s30  }
0x9: {  	s4 =	sadd.s32 $0xBC00, s6;
	s9 =	ssub.s32 $0x2, s5;
	s8 =	smul.u32 $0x4E2, s3  }
0xa: {  	_ =	strace $0x80000047;
	s5 =	sadd.s32 $0xC200, s6;
	s31 =	sshrl.u32 s9, $0x1  }
0xb: {  	s3 =	sadd.s32 $0xB600, s6;
	s11 =	ssub.s32 s9, s31;
	s10 =	sadd.s32 s8, s6  }
0xc: {  	s7 =	sadd.s32 s7, s8;
	s6 =	sadd.s32 $0x1800, s10;
	s8 =	sadd.s32 $0xC800, s10  }
0xd: {  	s9 =	sadd.s32 $0x16600, s10;
	s10 =	smax.u32 s11, $0x1;
	s11 =	simm.s32 $0x2800  }
.LBB2_1:
0xe: {  	[tilespmem:s2], [sflag:$0x1] =	stream.linear.gather [hbm4b:s3+s2], $0x2800, $0x38;
	[tilespmem:$0x11600] =	vst v63  }
0xf: {  	_ = 	snop  }
0x10: {  	[tilespmem:s11], [sflag:$0x1] =	stream.linear.gather [hbm4b:s4+s2], $0x2800, $0x38;
	[tilespmem:$0x11600] =	vst v63  }
0x11: {  	_ = 	snop  }
0x12: {  	[tilespmem:s12], [sflag:$0x1] =	stream.linear.gather [hbm4b:s5+s2], $0x2800, $0x38;
	[tilespmem:$0x11600] =	vst v63  }
0x13: {  	_ = 	snop  }
0x14: {  	[tilespmem:s13], [sflag:$0x1] =	stream.linear.gather [hbm4b:s6+s2], $0x2710, $0x38;
	[tilespmem:$0x11600] =	vst v63  }
0x15: {  	_ = 	snop  }
0x16: {  	[tilespmem:s14], [sflag:$0x1] =	stream.linear.gather [hbm4b:s7+s2], $0x2710, $0x38;
	[tilespmem:$0x11600] =	vst v63  }
0x17: {  	_ =	swait.ge [sflag:s15], $0x2800  }
0x18: {  	[sflag:s15] =	ssyncset.done $0x0  }
0x19: {  	[sflag:s15] =	ssyncadd.s32 $0xFFFFD800  }
0x1a: {  	_ =	swait.ge [sflag:s15], $0x2800  }
0x1b: {  	[sflag:s15] =	ssyncset.done $0x0  }
0x1c: {  	[sflag:s15] =	ssyncadd.s32 $0xFFFFD800  }
0x1d: {  	_ =	swait.ge [sflag:s15], $0x2800  }
0x1e: {  	[sflag:s15] =	ssyncset.done $0x0  }
0x1f: {  	[sflag:s15] =	ssyncadd.s32 $0xFFFFD800  }
0x20: {  	_ =	swait.ge [sflag:s15], $0x2710  }
0x21: {  	[sflag:s15] =	ssyncset.done $0x0  }
0x22: {  	[sflag:s15] =	ssyncadd.s32 $0xFFFFD8F0  }
0x23: {  	_ =	swait.ge [sflag:s15], $0x2710  }
0x24: {  	[sflag:s15] =	ssyncset.done $0x0  }
0x25: {  	s20 =	simm.s32 $0x0;
	[sflag:s15] =	ssyncadd.s32 $0xFFFFD8F0  }
0x26: {  	v0 =	vld [tilespmem:s20+$0x7800];
	_ =	sdelay $0x1  }
0x27: {  	v1 =	vld [tilespmem:s20+$0x9F80];
	_ =	sdelay $0x4  }
0x28: {  	v4 =	vld [tilespmem:s20+$0x9F90]  }
0x29: {  	v2 =	vld.idx.msk [tilespmem:v0+s2+$0x0], $0xffff  }
0x2a: {  	v0 =	vld.idx.msk [tilespmem:v0+s11+$0x0], $0xffff  }
0x2b: {  	v3 =	vld.idx.msk [tilespmem:v1+s2+$0x0], $0xffff  }
0x2c: {  	v1 =	vld.idx.msk [tilespmem:v1+s12+$0x0], $0xffff  }
0x2d: {  	v5 =	vld [tilespmem:s20+$0x7810];
	_ =	sdelay $0x2  }
0x2e: {  	v2 =	vadd.f32 v3, v2  }
0x2f: {  	v0 =	vadd.f32 v1, v0  }
0x30: {  	[tilespmem:s20+$0xC700] =	vst v2  }
0x31: {  	[tilespmem:s20+$0xEE80] =	vst v0  }
0x32: {  	v0 =	vld.idx.msk [tilespmem:v4+s12+$0x0], $0xffff  }
0x33: {  	v1 =	vld.idx.msk [tilespmem:v5+s2+$0x0], $0xffff  }
0x34: {  	v2 =	vld.idx.msk [tilespmem:v5+s11+$0x0], $0xffff  }
0x35: {  	v3 =	vld.idx.msk [tilespmem:v4+s2+$0x0], $0xffff  }
0x36: {  	v4 =	vld [tilespmem:s20+$0x9FA0];
	_ =	sdelay $0x1  }
0x37: {  	v5 =	vld [tilespmem:s20+$0x7820];
	_ =	sdelay $0x1  }
0x38: {  	v0 =	vadd.f32 v0, v2  }
0x39: {  	v1 =	vadd.f32 v3, v1  }
0x3a: {  	[tilespmem:s20+$0xEE90] =	vst v0  }
0x3b: {  	[tilespmem:s20+$0xC710] =	vst v1  }
0x3c: {  	v0 =	vld.idx.msk [tilespmem:v4+s12+$0x0], $0xffff  }
0x3d: {  	v1 =	vld.idx.msk [tilespmem:v4+s2+$0x0], $0xffff  }
0x3e: {  	v2 =	vld.idx.msk [tilespmem:v5+s2+$0x0], $0xffff  }
0x3f: {  	v3 =	vld.idx.msk [tilespmem:v5+s11+$0x0], $0xffff  }
0x40: {  	v4 =	vld [tilespmem:s20+$0x9FB0]  }
0x41: {  	v5 =	vld [tilespmem:s20+$0x7830];
	_ =	sdelay $0x2  }
0x42: {  	v1 =	vadd.f32 v1, v2  }
0x43: {  	v0 =	vadd.f32 v0, v3  }
0x44: {  	[tilespmem:s20+$0xC720] =	vst v1  }
0x45: {  	[tilespmem:s20+$0xEEA0] =	vst v0;
	v0 =	vld [tilespmem:s20+$0x9FC0]  }
0x46: {  	v6 =	vld.idx.msk [tilespmem:v4+s2+$0x0], $0xffff  }
0x47: {  	v7 =	vld.idx.msk [tilespmem:v5+s2+$0x0], $0xffff  }
0x48: {  	v2 =	vld.idx.msk [tilespmem:v5+s11+$0x0], $0xffff  }
0x49: {  	v3 =	vld.idx.msk [tilespmem:v4+s12+$0x0], $0xffff  }
0x4a: {  	v1 =	vld [tilespmem:s20+$0x7840];
	_ =	sdelay $0x1  }
0x4b: {  	s21 =	simm.s32 $0x140;
	v4 =	vadd.f32 v6, v7  }
.LBB2_2:
0x4c: {  	p0 =	sne.s32 s21, $0x9B00;
	s22 =	smov.u32 s21;
	s21 =	sadd.s32 $0x140, s21  }
0x4d: {  	v2 =	vadd.f32 v3, v2;
	[tilespmem:s20+$0xC730] =	vst v4;
	_ =	sdelay $0x1  }
0x4e: {  	[tilespmem:s20+$0xEEB0] =	vst v2  }
0x4f: {  	v2 =	vld.idx.msk [tilespmem:v0+s12+$0x0], $0xffff  }
0x50: {  	v3 =	vld.idx.msk [tilespmem:v1+s2+$0x0], $0xffff  }
0x51: {  	v1 =	vld.idx.msk [tilespmem:v1+s11+$0x0], $0xffff  }
0x52: {  	s22 =	sshra.s32 s22, $0x2;
	v0 =	vld.idx.msk [tilespmem:v0+s2+$0x0], $0xffff  }
0x53: {  	v4 =	vld [tilespmem:s22+$0x7800]  }
0x54: {  	v5 =	vld [tilespmem:s22+$0x9F80];
	_ =	sdelay $0x2  }
0x55: {  	v1 =	vadd.f32 v2, v1  }
0x56: {  	v0 =	vadd.f32 v0, v3  }
0x57: {  	[tilespmem:s20+$0xEEC0] =	vst v1  }
0x58: {  	[tilespmem:s20+$0xC740] =	vst v0;
	s20 =	smov.u32 s22  }
0x59: {  	v0 =	vld.idx.msk [tilespmem:v4+s2+$0x0], $0xffff  }
0x5a: {  	v1 =	vld.idx.msk [tilespmem:v4+s11+$0x0], $0xffff  }
0x5b: {  	v2 =	vld.idx.msk [tilespmem:v5+s2+$0x0], $0xffff  }
0x5c: {  	v3 =	vld.idx.msk [tilespmem:v5+s12+$0x0], $0xffff  }
0x5d: {  	v4 =	vld [tilespmem:s20+$0x9F90]  }
0x5e: {  	v5 =	vld [tilespmem:s20+$0x7810];
	_ =	sdelay $0x2  }
0x5f: {  	v0 =	vadd.f32 v2, v0  }
0x60: {  	v1 =	vadd.f32 v3, v1  }
0x61: {  	[tilespmem:s20+$0xC700] =	vst v0  }
0x62: {  	[tilespmem:s20+$0xEE80] =	vst v1  }
0x63: {  	v0 =	vld.idx.msk [tilespmem:v4+s12+$0x0], $0xffff  }
0x64: {  	v1 =	vld.idx.msk [tilespmem:v5+s2+$0x0], $0xffff  }
0x65: {  	v2 =	vld.idx.msk [tilespmem:v5+s11+$0x0], $0xffff  }
0x66: {  	v3 =	vld.idx.msk [tilespmem:v4+s2+$0x0], $0xffff  }
0x67: {  	v4 =	vld [tilespmem:s20+$0x9FA0];
	_ =	sdelay $0x1  }
0x68: {  	v5 =	vld [tilespmem:s20+$0x7820];
	_ =	sdelay $0x1  }
0x69: {  	v0 =	vadd.f32 v0, v2  }
0x6a: {  	v1 =	vadd.f32 v3, v1  }
0x6b: {  	[tilespmem:s20+$0xEE90] =	vst v0  }
0x6c: {  	[tilespmem:s20+$0xC710] =	vst v1  }
0x6d: {  	v0 =	vld.idx.msk [tilespmem:v4+s12+$0x0], $0xffff  }
0x6e: {  	v1 =	vld.idx.msk [tilespmem:v4+s2+$0x0], $0xffff  }
0x6f: {  	v2 =	vld.idx.msk [tilespmem:v5+s2+$0x0], $0xffff  }
0x70: {  	v3 =	vld.idx.msk [tilespmem:v5+s11+$0x0], $0xffff  }
0x71: {  	v4 =	vld [tilespmem:s20+$0x9FB0]  }
0x72: {  	v5 =	vld [tilespmem:s20+$0x7830];
	_ =	sdelay $0x2  }
0x73: {  	v1 =	vadd.f32 v1, v2  }
0x74: {  	v0 =	vadd.f32 v0, v3  }
0x75: {  	[tilespmem:s20+$0xC720] =	vst v1  }
0x76: {  	[tilespmem:s20+$0xEEA0] =	vst v0  }
0x77: {  	v6 =	vld.idx.msk [tilespmem:v4+s2+$0x0], $0xffff  }
0x78: {  	v7 =	vld.idx.msk [tilespmem:v5+s2+$0x0], $0xffff  }
0x79: {  	v2 =	vld.idx.msk [tilespmem:v5+s11+$0x0], $0xffff  }
.Ltmp0:
0x7a: {  	v3 =	vld.idx.msk [tilespmem:v4+s12+$0x0], $0xffff;
	(pc) =	sbr.rel @p0 .LBB2_2-.Ltmp0, $3  }
0x7b: {  	v0 =	vld [tilespmem:s20+$0x9FC0]  }
0x7c: {  	v1 =	vld [tilespmem:s20+$0x7840];
	_ =	sdelay $0x1  }
0x7d: {  	v4 =	vadd.f32 v6, v7  }
0x7e: {  	_ =	sdelay $0x1  }
0x7f: {  	v2 =	vadd.f32 v3, v2  }
0x80: {  	[tilespmem:s20+$0xC730] =	vst v4  }
0x81: {  	[tilespmem:s20+$0xEEB0] =	vst v2  }
0x82: {  	v2 =	vld.idx.msk [tilespmem:v0+s12+$0x0], $0xffff  }
0x83: {  	v61 =	vld.idx.msk [tilespmem:v1+s2+$0x0], $0xffff  }
0x84: {  	v62 =	vld.idx.msk [tilespmem:v1+s11+$0x0], $0xffff  }
0x85: {  	v63 =	vld.idx.msk [tilespmem:v0+s2+$0x0], $0xffff;
	_ =	sdelay $0x3  }
0x86: {  	v1 =	vadd.f32 v2, v62  }
0x87: {  	v0 =	vadd.f32 v63, v61  }
0x88: {  	[tilespmem:s20+$0xEEC0] =	vst v1  }
0x89: {  	[tilespmem:s20+$0xC740] =	vst v0  }
0x8a: {  	[hbm4b:s8+s2] =	stream.linear.scatter [tilespmem:s16], [sflag:$0x2], $0x2710, $0x38;
	[tilespmem:$0x11600] =	vst v63  }
0x8b: {  	s19 =	sadd.s32 $0x1, s19;
	_ =	swait.ge [sflag:s17], $0x2710  }
0x8c: {  	p0 =	sne.s32 s19, s10;
	[sflag:s17] =	ssyncset.done $0x0  }
.Ltmp1:
0x8d: {  	[sflag:s17] =	ssyncadd.s32 $0xFFFFD8F0;
	(pc) =	sbr.rel @p0 .LBB2_1-.Ltmp1, $4  }
0x8e: {  	[hbm4b:s9+s2] =	stream.linear.scatter [tilespmem:s18], [sflag:$0x2], $0x2710, $0x38;
	[tilespmem:$0x11600] =	vst v63  }
0x8f: {  	_ =	swait.ge [sflag:s17], $0x2710  }
0x90: {  	[sflag:s17] =	ssyncset.done $0x0  }
0x91: {  	[sflag:s17] =	ssyncadd.s32 $0xFFFFD8F0  }
0x92: {  	_ =	sfence.sel $0x180000  }
0x93: {  	[bflag:$0x0] =	sbarrier.arrive $0xFFFF  }
0x94: {  	p0 =	sne.s32 s1, $0x0;
	_ =	strace $0x90000047  }
0x95: {  	s0 =	sadd.s32 @!p0 $0x100000, s0;
	[bflag:$0x2] =	sbarrier.arrive $0xFFFF  }
0x96: {  	[sflag:s0] =	ssyncadd.tile.s32 @!p0 $0x1;
	_ =	shalt  }
.Lfunc_end2:
_tile_overlayer_lowered:
.L_overlay_start_2:
0x97: {  	(tag) =	ssettag $0x2  }
0x98: {  	s0 =	rddreg [dreg:$0x0];
	s2 =	stileid.u32  }
0x99: {  	s1 =	rddreg [dreg:$0x1];
	p0 =	sne.s32 s2, $0x0  }
0x9a: {  	s3 =	rddreg [dreg:$0x2];
	[bflag:$0x3] =	sbarrier.arrive $0xFFFF;
	s2 =	simm.s32 @!p0 $0x1C02  }
0x9b: {  	[timem:s3], [sflag:s2] =	dma.local @!p0 [hbm:s0], s1  }
0x9c: {  	s0 =	simm.s32 @!p0 $0x2  }
0x9d: {  	_ =	swait.ge @!p0 [sflag:s0], s1  }
0x9e: {  	s1 =	ssub.s32 @!p0 $0x0, s1;
	[sflag:s0] =	ssyncset.done @!p0 $0x0  }
0x9f: {  	[sflag:s0] =	ssyncadd.s32 @!p0 s1  }
0xa0: {  	[bflag:$0x3] =	sbarrier.arrive $0xFFFF  }
0xa1: {  	_ =	shalt  }

</sc_bundles>
